<compile_context>
chip_gen: v7x
topology: tpu7x:2x2x1
jax: 0.10.2.dev20260603
libtpu: 0.0.44.dev20260713+nightly
codegen_flags: <defaults>
</compile_context>

<pallas_src>
import functools

import jax
import jax.numpy as jnp
from jax.experimental import pallas as pl
from jax.experimental.pallas import tpu as pltpu
from jax.experimental.pallas import tpu_sc as plsc

AXIS = 4



def _sc_gather(table, idx, window):
    n_steps, _ = idx.shape
    d = table.shape[1]
    mesh = plsc.VectorSubcoreMesh(core_axis_name="core", subcore_axis_name="subcore")

    @functools.partial(
        pl.kernel,
        out_type=jax.ShapeDtypeStruct((n_steps * window, d), table.dtype),
        mesh=mesh,
    )
    def gather_kernel(x_hbm, i_hbm, o_hbm):
        def body(i_vmem, o_vmem):
            pltpu.sync_copy(x_hbm.at[i_vmem.at[0]], o_vmem)

        pltpu.emit_pipeline(
            body,
            grid=(n_steps,),
            in_specs=[pl.BlockSpec((1, window), index_map=lambda i: (i, 0))],
            out_specs=[pl.BlockSpec((window, d), index_map=lambda i: (i, 0))],
            core_axis_name=("core", "subcore"),
            dimension_semantics=(pltpu.PARALLEL,),
        )(i_hbm, o_hbm)

    return gather_kernel(table, idx)




def _tc_body(
    node_ref, nei_ref, edge_ref, cf_ref,
    w_self_ref, wc_node_ref, wc_nei_ref, wc_edge_ref, w_sym_ref, sel_ref,
    b_self_ref, b_c_ref, b_sym_ref,
    r_n0_ref, r_n1_ref, r_n2_ref, r_e0_ref,
    nout_ref, eout_ref,
):
    nnei, b, ndim = nei_ref.shape
    edim = edge_ref.shape[2]
    e = b * nnei
    inv_nnei = jnp.bfloat16(1.0 / nnei)
    node = node_ref[...]
    node_bf = node.astype(jnp.bfloat16)
    nei = nei_ref[...].astype(jnp.bfloat16)
    edge = edge_ref[...]
    edge_bf = edge.astype(jnp.bfloat16)
    cbc = jnp.dot(cf_ref[...].reshape(e, 4), sel_ref[...],
                  preferred_element_type=jnp.float32).astype(jnp.bfloat16)
    cbc = cbc.reshape(nnei, b, 4 * ndim)

    silu = jax.nn.silu

    node_self = silu(jnp.dot(node_bf, w_self_ref[...],
                             preferred_element_type=jnp.float32) + b_self_ref[...])

    nei_f = nei.reshape(e, ndim)
    edge_f = edge_bf.reshape(e, edim)
    pre_n = jnp.dot(node_bf, wc_node_ref[...],
                    preferred_element_type=jnp.float32).astype(jnp.bfloat16)
    pre_ne = (
        jnp.dot(nei_f, wc_nei_ref[:, :ndim],
                preferred_element_type=jnp.float32).astype(jnp.bfloat16)
        + jnp.dot(edge_f, wc_edge_ref[:, :ndim],
                  preferred_element_type=jnp.float32).astype(jnp.bfloat16)
    ).reshape(nnei, b, ndim)
    pre_ee = (
        jnp.dot(nei_f, wc_nei_ref[:, ndim:],
                preferred_element_type=jnp.float32).astype(jnp.bfloat16)
        + jnp.dot(edge_f, wc_edge_ref[:, ndim:],
                  preferred_element_type=jnp.float32).astype(jnp.bfloat16)
    ).reshape(nnei, b, edim)
    act_ne = silu(pre_ne + pre_n[None, :, :ndim] + b_c_ref[:, :ndim][None])
    act_ee = silu(pre_ee + pre_n[None, :, ndim:] + b_c_ref[:, ndim:][None])

    eout_ref[...] = edge + r_e0_ref[...][None] * act_ee.astype(jnp.float32)

    bfz = jnp.bfloat16(0)
    msg_acc = jnp.full((b, ndim), bfz)
    for i in range(nnei):
        msg_acc = msg_acc + act_ne[i] * cbc[i, :, 3 * ndim:]
    msg = msg_acc * inv_nnei

    hgn = [jnp.full((b, ndim), bfz) for _ in range(3)]
    for i in range(nnei):
        nei_i = nei[i]
        for k in range(3):
            hgn[k] = hgn[k] + nei_i * cbc[i, :, k * ndim:(k + 1) * ndim]
    hgn = [h * inv_nnei for h in hgn]

    hge = [jnp.full((b, edim), bfz) for _ in range(3)]
    for i in range(nnei):
        edge_i = edge_bf[i]
        for k in range(3):
            hge[k] = hge[k] + edge_i * cbc[i, :, k * ndim:k * ndim + edim]
    hge = [h * inv_nnei for h in hge]

    sym_parts = []
    for a in range(AXIS):
        se = hge[0][:, a:a + 1] * hge[0]
        for k in range(1, 3):
            se = se + hge[k][:, a:a + 1] * hge[k]
        sym_parts.append(se)
    for a in range(AXIS):
        sn = hgn[0][:, a:a + 1] * hgn[0]
        for k in range(1, 3):
            sn = sn + hgn[k][:, a:a + 1] * hgn[k]
        sym_parts.append(sn)
    sym = jnp.concatenate(sym_parts, axis=-1)

    node_sym = silu(jnp.dot(sym, w_sym_ref[...],
                            preferred_element_type=jnp.float32) + b_sym_ref[...])

    nout_ref[...] = (
        node
        + r_n0_ref[...] * node_self
        + r_n1_ref[...] * node_sym
        + r_n2_ref[...] * msg.astype(jnp.float32)
    )


def _tc_dense(node, nei_t, edge_t, cf_t, w_self, wc_node, wc_nei,
              wc_edge, w_sym_p, sel, b_self, b_c, b_sym, r_n0, r_n1, r_n2,
              r_e0, block):
    nloc, ndim = node.shape
    nnei, _, edim = edge_t.shape
    nf = wc_node.shape[1]
    grid = (nloc // block,)

    full = lambda shape: pl.BlockSpec(shape, lambda i: tuple(0 for _ in shape))
    out_shapes = (
        jax.ShapeDtypeStruct((nloc, ndim), jnp.float32),
        jax.ShapeDtypeStruct((nnei, nloc, edim), jnp.float32),
    )
    return pl.pallas_call(
        _tc_body,
        grid=grid,
        in_specs=[
            pl.BlockSpec((block, ndim), lambda i: (i, 0)),
            pl.BlockSpec((nnei, block, ndim), lambda i: (0, i, 0)),
            pl.BlockSpec((nnei, block, edim), lambda i: (0, i, 0)),
            pl.BlockSpec((nnei, block, 4), lambda i: (0, i, 0)),
            full((ndim, ndim)),
            full((ndim, nf)),
            full((ndim, nf)),
            full((edim, nf)),
            full((w_sym_p.shape[0], ndim)),
            full((4, 4 * ndim)),
            full((1, ndim)),
            full((1, nf)),
            full((1, ndim)),
            full((1, ndim)),
            full((1, ndim)),
            full((1, ndim)),
            full((1, edim)),
        ],
        out_specs=[
            pl.BlockSpec((block, ndim), lambda i: (i, 0)),
            pl.BlockSpec((nnei, block, edim), lambda i: (0, i, 0)),
        ],
        out_shape=out_shapes,
    )(node, nei_t, edge_t, cf_t, w_self, wc_node, wc_nei, wc_edge,
      w_sym_p, sel, b_self, b_c, b_sym, r_n0, r_n1, r_n2, r_e0)


def _angle_copy(angle_t, grid=32):
    rows, nloc = angle_t.shape
    blk = rows // grid

    def body(a_ref, o_ref):
        o_ref[...] = a_ref[...]

    return pl.pallas_call(
        body,
        grid=(grid,),
        in_specs=[pl.BlockSpec((blk, nloc), lambda i: (i, 0))],
        out_specs=pl.BlockSpec((blk, nloc), lambda i: (i, 0)),
        out_shape=jax.ShapeDtypeStruct((rows, nloc), angle_t.dtype),
    )(angle_t)


def _sym_perm(ndim, edim, axis):
    idx = []
    for a in range(axis):
        for d_ in range(edim):
            idx.append(d_ * axis + a)
    for a in range(axis):
        for d_ in range(ndim):
            idx.append(edim * axis + d_ * axis + a)
    return jnp.array(idx, dtype=jnp.int32)


def kernel(node_ebd_ext, edge_ebd, h2, angle_ebd, nlist, nlist_mask, sw,
           angle_nlist, angle_nlist_mask, a_sw, W_self, b_self, W_sym, b_sym,
           W_ne, b_ne, W_ee, b_ee, r_n0, r_n1, r_n2, r_e0):
    nb, nloc, nnei, edim = edge_ebd.shape
    ndim = node_ebd_ext.shape[-1]
    e_tot = nloc * nnei
    bf = jnp.bfloat16

    table = node_ebd_ext.reshape(-1, ndim)
    window = 400
    idx = jax.lax.optimization_barrier(
        nlist[0].T.reshape(e_tot // window, window).astype(jnp.int32))

    nei_t = _sc_gather(table, idx, window=window).reshape(nnei, nloc, ndim)

    node = node_ebd_ext[0, :nloc, :]
    edge_t = jnp.transpose(edge_ebd[0], (1, 0, 2))
    sw_m = (sw * nlist_mask.astype(sw.dtype))[0].T[:, :, None]
    cf_t = jnp.concatenate(
        [jnp.transpose(h2[0], (1, 0, 2)) * sw_m, sw_m], axis=-1).astype(bf)
    a_shape = angle_ebd.shape
    angle_t = angle_ebd.reshape(nloc, -1).T
    a_copied = _angle_copy(angle_t)
    nei_t, a_copied = jax.lax.optimization_barrier((nei_t, a_copied))

    wc = jnp.concatenate([W_ne, W_ee], axis=1).astype(bf)
    wc_node = wc[:ndim]
    wc_nei = wc[ndim:2 * ndim]
    wc_edge = wc[2 * ndim:]
    b_c = jnp.concatenate([b_ne, b_ee]).reshape(1, -1).astype(bf)
    w_sym_p = W_sym[_sym_perm(ndim, edim, AXIS)].astype(bf)
    sel = jnp.repeat(jnp.eye(4, dtype=bf), ndim, axis=1)

    n_upd, e_upd_t = _tc_dense(
        node, nei_t, edge_t, cf_t, W_self.astype(bf), wc_node,
        wc_nei, wc_edge, w_sym_p, sel, b_self.reshape(1, -1), b_c,
        b_sym.reshape(1, -1), r_n0.reshape(1, -1), r_n1.reshape(1, -1),
        r_n2.reshape(1, -1), r_e0.reshape(1, -1), block=200,
    )

    n_updated = n_upd.reshape(nb, nloc, ndim)
    e_updated = jnp.transpose(e_upd_t, (1, 0, 2)).reshape(nb, nloc, nnei, edim)
    a_updated = a_copied.T.reshape(a_shape)
    return n_updated, e_updated, a_updated

# --- scband reference (transcript-rebuilt; emitter-appended) ---
"""Pipeline reference for scband-rep-flow-layer-62723702391088 (READ-ONLY COPY).

The authoritative reference and input builder live on the scoring server;
editing this copy changes nothing except your own understanding.
"""

import jax, jax.numpy as jnp
import numpy as np

NB, NLOC, NNEI, ASEL = 1, 10000, 32, 8
NDIM, EDIM, ADIM, AXIS = 128, 16, 64, 4


def setup_inputs(seed: int = 0):
    key = jax.random.key(seed)
    ks = jax.random.split(key, 16)
    inp = {}
    inp["node_ebd_ext"] = jax.random.normal(ks[0], (NB, NLOC, NDIM), dtype=jnp.float32)
    inp["edge_ebd"] = jax.random.normal(ks[1], (NB, NLOC, NNEI, EDIM), dtype=jnp.float32)
    inp["h2"] = jax.random.normal(ks[2], (NB, NLOC, NNEI, 3), dtype=jnp.float32)
    inp["angle_ebd"] = jax.random.normal(ks[3], (NB, NLOC, ASEL, ASEL, ADIM), dtype=jnp.float32)
    inp["nlist"] = jax.random.randint(ks[4], (NB, NLOC, NNEI), 0, NLOC)
    inp["nlist_mask"] = jnp.ones((NB, NLOC, NNEI), dtype=bool)
    inp["sw"] = jax.random.uniform(ks[5], (NB, NLOC, NNEI), dtype=jnp.float32)
    inp["angle_nlist"] = jax.random.randint(ks[6], (NB, NLOC, ASEL), 0, NLOC)
    inp["angle_nlist_mask"] = jnp.ones((NB, NLOC, ASEL), dtype=bool)
    inp["a_sw"] = jax.random.uniform(ks[7], (NB, NLOC, ASEL), dtype=jnp.float32)
    s = 0.05
    inp["W_self"] = jax.random.normal(ks[8], (NDIM, NDIM), dtype=jnp.float32) * s
    inp["b_self"] = jnp.zeros((NDIM,), dtype=jnp.float32)
    inp["W_sym"] = jax.random.normal(ks[9], (NDIM * AXIS + EDIM * AXIS, NDIM), dtype=jnp.float32) * s
    inp["b_sym"] = jnp.zeros((NDIM,), dtype=jnp.float32)
    inp["W_ne"] = jax.random.normal(ks[10], (2 * NDIM + EDIM, NDIM), dtype=jnp.float32) * s
    inp["b_ne"] = jnp.zeros((NDIM,), dtype=jnp.float32)
    inp["W_ee"] = jax.random.normal(ks[11], (2 * NDIM + EDIM, EDIM), dtype=jnp.float32) * s
    inp["b_ee"] = jnp.zeros((EDIM,), dtype=jnp.float32)
    inp["r_n0"] = jnp.full((NDIM,), 0.1, dtype=jnp.float32)
    inp["r_n1"] = jnp.full((NDIM,), 0.1, dtype=jnp.float32)
    inp["r_n2"] = jnp.full((NDIM,), 0.1, dtype=jnp.float32)
    inp["r_e0"] = jnp.full((EDIM,), 0.1, dtype=jnp.float32)
    return inp


def _cal_hg(g, h2, sw_m):
    nnei = g.shape[2]
    gm = g * sw_m[..., None]
    return jnp.einsum('bnik,bnid->bnkd', h2, gm) / nnei


def _grrg(hg, axis_neuron):
    nb, nloc, _, d = hg.shape
    g = jnp.einsum('bnkd,bnka->bnda', hg, hg[..., :axis_neuron])
    return g.reshape(nb, nloc, d * axis_neuron)


def reference(node_ebd_ext, edge_ebd, h2, angle_ebd, nlist, nlist_mask, sw, angle_nlist, angle_nlist_mask, a_sw, W_self, b_self, W_sym, b_sym, W_ne, b_ne, W_ee, b_ee, r_n0, r_n1, r_n2, r_e0):
    act = jax.nn.silu
    nb, nloc, nnei, edim = edge_ebd.shape
    node_ebd = node_ebd_ext[:, :nloc, :]
    ndim = node_ebd.shape[-1]
    mask_f = nlist_mask.astype(edge_ebd.dtype)
    sw_m = sw * mask_f
    # node self message
    node_self = act(node_ebd @ W_self + b_self)
    # gather neighbor node embeddings (memory-bound gather)
    nei_node = jnp.take_along_axis(node_ebd_ext, nlist.reshape(nb, nloc * nnei, 1), axis=1).reshape(nb, nloc, nnei, ndim)
    # symmetrization ops (grrg from edge ebd and from neighbor node ebd)
    sym_e = _grrg(_cal_hg(edge_ebd, h2, sw_m), AXIS)
    sym_n = _grrg(_cal_hg(nei_node, h2, sw_m), AXIS)
    node_sym = act(jnp.concatenate([sym_e, sym_n], axis=-1) @ W_sym + b_sym)
    # edge info: center node, neighbor node, edge embedding
    node_exp = jnp.broadcast_to(node_ebd[:, :, None, :], (nb, nloc, nnei, ndim))
    edge_info = jnp.concatenate([node_exp, nei_node, edge_ebd], axis=-1)
    # node<-edge message (switch-weighted mean over neighbors)
    node_edge = act(edge_info @ W_ne + b_ne) * sw_m[..., None]
    node_edge_msg = jnp.sum(node_edge, axis=2) / nnei
    # edge self message
    edge_self = act(edge_info @ W_ee + b_ee)
    # res_residual update style
    n_updated = node_ebd + r_n0 * node_self + r_n1 * node_sym + r_n2 * node_edge_msg
    e_updated = edge_ebd + r_e0 * edge_self
    a_updated = angle_ebd  # update_angle=False: angle embedding passes through
    return n_updated, e_updated, a_updated

if __name__ == "__main__":
    import jax
    _d = setup_inputs()
    print(jax.jit(kernel)(*tuple(_d.values())))

</pallas_src>

<mosaic_0001>
#map = affine_map<(d0, d1) -> (0, 0)>
module attributes {stable_mosaic.version = 14 : i64} {
  func.func @gather_kernel(%arg0: i32, %arg1: i32, %arg2: memref<10000x128xf32, #tpu.memory_space<hbm>>, %arg3: memref<800x400xi32, #tpu.memory_space<hbm>>, %arg4: memref<320000x128xf32, #tpu.memory_space<hbm>>) attributes {dimension_semantics = [#tpu.dimension_semantics<core_parallel>, #tpu.dimension_semantics<subcore_parallel>], iteration_bounds = array<i64: 2, 16>, scalar_prefetch = 0 : i64, scratch_operands = 0 : i64, tpu.core_type = #tpu.core_type<sc_vector_subcore>, window_params = [{transform_indices = #map}, {transform_indices = #map}, {transform_indices = #map}]} {
    %mul3A = arith.constant 1 : i32
    %mul3A_0 = arith.muli %arg1, %mul3A : i32
    %add3A = arith.constant 0 : i32
    %add3A_1 = arith.addi %add3A, %mul3A_0 : i32
    %mul3A_2 = arith.constant 16 : i32
    %mul3A_3 = arith.muli %arg0, %mul3A_2 : i32
    %add3A_4 = arith.addi %add3A_1, %mul3A_3 : i32
    %mul3A_5 = arith.constant 25 : i32
    %mul3A_6 = arith.muli %add3A_4, %mul3A_5 : i32
    "tpu.region"() ({
      %run_scoped3A = memref.alloca() : memref<2x1x400xi32, #tpu.memory_space<vmem>>
      %run_scoped3A_7 = tpu.sem_alloc : memref<2x!tpu.dma_semaphore, #tpu.memory_space<semaphore_mem>>
      %run_scoped3A_8 = memref.alloca() : memref<2x400x128xf32, #tpu.memory_space<vmem>>
      %run_scoped3A_9 = tpu.sem_alloc : memref<2x!tpu.dma_semaphore, #tpu.memory_space<semaphore_mem>>
      %add3A_10 = arith.constant 0 : i32
      %add3A_11 = arith.addi %add3A_10, %mul3A_6 : i32
      %select_n3A = arith.constant true
      %select_n3A_12 = arith.constant 0 : i32
      %select_n3A_13 = arith.constant -1 : i32
      %select_n3A_14 = arith.select %select_n3A, %select_n3A_13, %select_n3A_12 : i32
      %eq3A = arith.constant -1 : i32
      %eq3A_15 = arith.cmpi eq, %select_n3A_14, %eq3A : i32
      %select_n3A_16 = arith.constant 24 : i32
      %select_n3A_17 = arith.select %eq3A_15, %select_n3A_16, %select_n3A_14 : i32
      %add3A_18 = arith.addi %select_n3A_17, %mul3A_6 : i32
      %select_n3A_19 = arith.constant true
      %select_n3A_20 = arith.constant 0 : i32
      %select_n3A_21 = arith.constant 1 : i32
      %select_n3A_22 = arith.select %select_n3A_19, %select_n3A_21, %select_n3A_20 : i32
      %eq3A_23 = arith.constant 25 : i32
      %eq3A_24 = arith.cmpi eq, %select_n3A_22, %eq3A_23 : i32
      %select_n3A_25 = arith.constant 0 : i32
      %select_n3A_26 = arith.select %eq3A_24, %select_n3A_25, %select_n3A_22 : i32
      %add3A_27 = arith.addi %select_n3A_26, %mul3A_6 : i32
      %add3A_28 = arith.constant 1 : i32
      %add3A_29 = arith.addi %select_n3A_26, %add3A_28 : i32
      %select_n3A_30 = arith.constant true
      %select_n3A_31 = arith.select %select_n3A_30, %add3A_29, %select_n3A_26 : i32
      %eq3A_32 = arith.constant 25 : i32
      %eq3A_33 = arith.cmpi eq, %select_n3A_31, %eq3A_32 : i32
      %select_n3A_34 = arith.constant 0 : i32
      %select_n3A_35 = arith.select %eq3A_33, %select_n3A_34, %select_n3A_31 : i32
      %add3A_36 = arith.addi %select_n3A_35, %mul3A_6 : i32
      "tpu.trace_start"() <{level = 10 : i32, message = "ep_initialize_0"}> : () -> ()
      %rem3A = arith.constant 0 : i32
      %rem3A_37 = arith.constant 2 : i32
      %rem3A_38 = arith.remui %rem3A, %rem3A_37 : i32
      %mul3A_39 = arith.constant 1 : i32
      %mul3A_40 = arith.muli %mul3A_39, %add3A_11 : i32
      %dma_start3A = arith.constant 0 : i32
      %dma_start3A_41 = arith.constant 0 : i32
      %dma_start3A_42 = tpu.memref_slice %run_scoped3A[%rem3A_38, %dma_start3A, %dma_start3A_41] : memref<2x1x400xi32, #tpu.memory_space<vmem>> -> memref<1x1x400xi32, #tpu.memory_space<vmem>>
      %dma_start3A_43 = tpu.memref_squeeze %dma_start3A_42 : memref<1x1x400xi32, #tpu.memory_space<vmem>> -> memref<1x400xi32, #tpu.memory_space<vmem>>
      %dma_start3A_44 = arith.constant 0 : i32
      %dma_start3A_45 = tpu.memref_slice %arg3[%mul3A_40, %dma_start3A_44] : memref<800x400xi32, #tpu.memory_space<hbm>> -> memref<1x400xi32, #tpu.memory_space<hbm>>
      %dma_start3A_46 = tpu.memref_slice %run_scoped3A_7[%rem3A_38] : memref<2x!tpu.dma_semaphore, #tpu.memory_space<semaphore_mem>> -> memref<1x!tpu.dma_semaphore, #tpu.memory_space<semaphore_mem>>
      %dma_start3A_47 = tpu.memref_squeeze %dma_start3A_46 : memref<1x!tpu.dma_semaphore, #tpu.memory_space<semaphore_mem>> -> memref<!tpu.dma_semaphore, #tpu.memory_space<semaphore_mem>>
      %dma_start3A_48 = arith.constant 0 : i32
      %dma_start3A_49 = arith.constant 0 : i32
      %dma_start3A_50 = tpu.memref_slice %run_scoped3A[%rem3A_38, %dma_start3A_48, %dma_start3A_49] : memref<2x1x400xi32, #tpu.memory_space<vmem>> -> memref<1x1x400xi32, #tpu.memory_space<vmem>>
      %dma_start3A_51 = tpu.memref_squeeze %dma_start3A_50 : memref<1x1x400xi32, #tpu.memory_space<vmem>> -> memref<1x400xi32, #tpu.memory_space<vmem>>
      %dma_start3A_52 = arith.constant 0 : i32
      %dma_start3A_53 = tpu.memref_slice %arg3[%mul3A_40, %dma_start3A_52] : memref<800x400xi32, #tpu.memory_space<hbm>> -> memref<1x400xi32, #tpu.memory_space<hbm>>
      tpu.enqueue_dma source(%dma_start3A_53 : memref<1x400xi32, #tpu.memory_space<hbm>>) target(%dma_start3A_51 : memref<1x400xi32, #tpu.memory_space<vmem>>) target_semaphore(%dma_start3A_47 : memref<!tpu.dma_semaphore, #tpu.memory_space<semaphore_mem>>)
      %add3A_54 = arith.constant 0 : i32
      %add3A_55 = arith.constant 1 : i32
      %add3A_56 = arith.addi %add3A_54, %add3A_55 : i32
      %select_n3A_57 = arith.constant true
      %select_n3A_58 = arith.constant 0 : i32
      %select_n3A_59 = arith.select %select_n3A_57, %add3A_56, %select_n3A_58 : i32
      "tpu.trace_stop"() : () -> ()
      %scan3A = arith.constant 0 : i32
      %scan3A_60 = arith.constant 0 : i32
      %scan3A_61 = arith.constant 0 : i32
      %scan3A_62 = arith.constant 0 : i32
      %scan3A_63 = arith.constant 0 : i32
      %scan3A_64 = arith.constant 25 : i32
      %scan3A_65 = arith.addi %scan3A_63, %scan3A_64 : i32
      %scan3A_66 = arith.constant 1 : i32
      %scan3A_67:5 = scf.for %scan3A_121 = %scan3A_63 to %scan3A_65 step %scan3A_66 iter_args(%scan3A_122 = %select_n3A_59, %scan3A_123 = %scan3A, %scan3A_124 = %scan3A_60, %scan3A_125 = %scan3A_61, %scan3A_126 = %scan3A_62) -> (i32, i32, i32, i32, i32)  : i32 {
        %eq3A_127 = arith.constant 0 : i32
        %eq3A_128 = arith.cmpi eq, %scan3A_121, %eq3A_127 : i32
        %eq3A_129 = arith.constant 24 : i32
        %eq3A_130 = arith.cmpi eq, %scan3A_121, %eq3A_129 : i32
        %add3A_131 = arith.addi %scan3A_126, %mul3A_6 : i32
        %sub3A_132 = arith.constant 1 : i32
        %sub3A_133 = arith.subi %scan3A_126, %sub3A_132 : i32
        %select_n3A_134 = arith.constant true
        %select_n3A_135 = arith.select %select_n3A_134, %sub3A_133, %scan3A_126 : i32
        %eq3A_136 = arith.constant -1 : i32
        %eq3A_137 = arith.cmpi eq, %select_n3A_135, %eq3A_136 : i32
        %select_n3A_138 = arith.constant 24 : i32
        %select_n3A_139 = arith.select %eq3A_137, %select_n3A_138, %select_n3A_135 : i32
        %add3A_140 = arith.addi %select_n3A_139, %mul3A_6 : i32
        %add3A_141 = arith.constant 1 : i32
        %add3A_142 = arith.addi %scan3A_126, %add3A_141 : i32
        %select_n3A_143 = arith.constant true
        %select_n3A_144 = arith.select %select_n3A_143, %add3A_142, %scan3A_126 : i32
        %eq3A_145 = arith.constant 25 : i32
        %eq3A_146 = arith.cmpi eq, %select_n3A_144, %eq3A_145 : i32
        %select_n3A_147 = arith.constant 0 : i32
        %select_n3A_148 = arith.select %eq3A_146, %select_n3A_147, %select_n3A_144 : i32
        %add3A_149 = arith.addi %select_n3A_148, %mul3A_6 : i32
        %add3A_150 = arith.constant 1 : i32
        %add3A_151 = arith.addi %select_n3A_148, %add3A_150 : i32
        %select_n3A_152 = arith.constant true
        %select_n3A_153 = arith.select %select_n3A_152, %add3A_151, %select_n3A_148 : i32
        %eq3A_154 = arith.constant 25 : i32
        %eq3A_155 = arith.cmpi eq, %select_n3A_153, %eq3A_154 : i32
        %select_n3A_156 = arith.constant 0 : i32
        %select_n3A_157 = arith.select %eq3A_155, %select_n3A_156, %select_n3A_153 : i32
        %add3A_158 = arith.addi %select_n3A_157, %mul3A_6 : i32
        %ne3A = arith.cmpi ne, %add3A_131, %add3A_149 : i32
        %or3A = arith.constant false
        %or3A_159 = arith.ori %or3A, %ne3A : i1
        %or3A_160 = arith.constant false
        %or3A_161 = arith.ori %or3A_159, %or3A_160 : i1
        %ge3A = arith.constant 24 : i32
        %ge3A_162 = arith.cmpi sge, %scan3A_121, %ge3A : i32
        %not3A = arith.constant true
        %not3A_163 = arith.xori %ge3A_162, %not3A : i1
        %and3A = arith.andi %or3A_161, %not3A_163 : i1
        %convert_element_type3A = arith.extui %and3A : i1 to i32
        %cond3A = arith.constant 0 : i32
        %cond3A_164 = arith.cmpi ne, %convert_element_type3A, %cond3A : i32
        scf.if %cond3A_164 {
          "tpu.trace_start"() <{level = 10 : i32, message = "ep_copy_in"}> : () -> ()
          %rem3A_274 = arith.constant 2 : i32
          %rem3A_275 = arith.remui %scan3A_122, %rem3A_274 : i32
          %mul3A_276 = arith.constant 1 : i32
          %mul3A_277 = arith.muli %mul3A_276, %add3A_149 : i32
          %dma_start3A_278 = arith.constant 0 : i32
          %dma_start3A_279 = arith.constant 0 : i32
          %dma_start3A_280 = tpu.memref_slice %run_scoped3A[%rem3A_275, %dma_start3A_278, %dma_start3A_279] : memref<2x1x400xi32, #tpu.memory_space<vmem>> -> memref<1x1x400xi32, #tpu.memory_space<vmem>>
          %dma_start3A_281 = tpu.memref_squeeze %dma_start3A_280 : memref<1x1x400xi32, #tpu.memory_space<vmem>> -> memref<1x400xi32, #tpu.memory_space<vmem>>
          %dma_start3A_282 = arith.constant 0 : i32
          %dma_start3A_283 = tpu.memref_slice %arg3[%mul3A_277, %dma_start3A_282] : memref<800x400xi32, #tpu.memory_space<hbm>> -> memref<1x400xi32, #tpu.memory_space<hbm>>
          %dma_start3A_284 = tpu.memref_slice %run_scoped3A_7[%rem3A_275] : memref<2x!tpu.dma_semaphore, #tpu.memory_space<semaphore_mem>> -> memref<1x!tpu.dma_semaphore, #tpu.memory_space<semaphore_mem>>
          %dma_start3A_285 = tpu.memref_squeeze %dma_start3A_284 : memref<1x!tpu.dma_semaphore, #tpu.memory_space<semaphore_mem>> -> memref<!tpu.dma_semaphore, #tpu.memory_space<semaphore_mem>>
          %dma_start3A_286 = arith.constant 0 : i32
          %dma_start3A_287 = arith.constant 0 : i32
          %dma_start3A_288 = tpu.memref_slice %run_scoped3A[%rem3A_275, %dma_start3A_286, %dma_start3A_287] : memref<2x1x400xi32, #tpu.memory_space<vmem>> -> memref<1x1x400xi32, #tpu.memory_space<vmem>>
          %dma_start3A_289 = tpu.memref_squeeze %dma_start3A_288 : memref<1x1x400xi32, #tpu.memory_space<vmem>> -> memref<1x400xi32, #tpu.memory_space<vmem>>
          %dma_start3A_290 = arith.constant 0 : i32
          %dma_start3A_291 = tpu.memref_slice %arg3[%mul3A_277, %dma_start3A_290] : memref<800x400xi32, #tpu.memory_space<hbm>> -> memref<1x400xi32, #tpu.memory_space<hbm>>
          tpu.enqueue_dma source(%dma_start3A_291 : memref<1x400xi32, #tpu.memory_space<hbm>>) target(%dma_start3A_289 : memref<1x400xi32, #tpu.memory_space<vmem>>) target_semaphore(%dma_start3A_285 : memref<!tpu.dma_semaphore, #tpu.memory_space<semaphore_mem>>)
          "tpu.trace_stop"() : () -> ()
        } else {
        }
        %and3A_165 = arith.constant true
        %and3A_166 = arith.andi %and3A, %and3A_165 : i1
        %add3A_167 = arith.constant 1 : i32
        %add3A_168 = arith.addi %scan3A_122, %add3A_167 : i32
        %select_n3A_169 = arith.select %and3A_166, %add3A_168, %scan3A_122 : i32
        %ne3A_170 = arith.cmpi ne, %add3A_131, %add3A_149 : i32
        %or3A_171 = arith.constant false
        %or3A_172 = arith.ori %or3A_171, %ne3A_170 : i1
        %or3A_173 = arith.constant false
        %or3A_174 = arith.ori %or3A_172, %or3A_173 : i1
        %ge3A_175 = arith.constant 24 : i32
        %ge3A_176 = arith.cmpi sge, %scan3A_121, %ge3A_175 : i32
        %not3A_177 = arith.constant true
        %not3A_178 = arith.xori %ge3A_176, %not3A_177 : i1
        %and3A_179 = arith.andi %or3A_174, %not3A_178 : i1
        %ne3A_180 = arith.cmpi ne, %add3A_131, %add3A_140 : i32
        %or3A_181 = arith.constant false
        %or3A_182 = arith.ori %or3A_181, %ne3A_180 : i1
        %or3A_183 = arith.constant false
        %or3A_184 = arith.ori %or3A_182, %or3A_183 : i1
        %or3A_185 = arith.ori %or3A_184, %eq3A_128 : i1
        %convert_element_type3A_186 = arith.extui %or3A_185 : i1 to i32
        %cond3A_187 = arith.constant 0 : i32
        %cond3A_188 = arith.cmpi ne, %convert_element_type3A_186, %cond3A_187 : i32
        scf.if %cond3A_188 {
          "tpu.trace_start"() <{level = 10 : i32, message = "ep_wait_in"}> : () -> ()
          %mul3A_274 = arith.constant 1 : i32
          %mul3A_275 = arith.muli %mul3A_274, %add3A_131 : i32
          %rem3A_276 = arith.constant 2 : i32
          %rem3A_277 = arith.remui %scan3A_123, %rem3A_276 : i32
          %dma_wait3A_278 = arith.constant 0 : i32
          %dma_wait3A_279 = arith.constant 0 : i32
          %dma_wait3A_280 = tpu.memref_slice %run_scoped3A[%rem3A_277, %dma_wait3A_278, %dma_wait3A_279] : memref<2x1x400xi32, #tpu.memory_space<vmem>> -> memref<1x1x400xi32, #tpu.memory_space<vmem>>
          %dma_wait3A_281 = tpu.memref_squeeze %dma_wait3A_280 : memref<1x1x400xi32, #tpu.memory_space<vmem>> -> memref<1x400xi32, #tpu.memory_space<vmem>>
          %dma_wait3A_282 = arith.constant 0 : i32
          %dma_wait3A_283 = tpu.memref_slice %arg3[%mul3A_275, %dma_wait3A_282] : memref<800x400xi32, #tpu.memory_space<hbm>> -> memref<1x400xi32, #tpu.memory_space<hbm>>
          %dma_wait3A_284 = tpu.memref_slice %run_scoped3A_7[%rem3A_277] : memref<2x!tpu.dma_semaphore, #tpu.memory_space<semaphore_mem>> -> memref<1x!tpu.dma_semaphore, #tpu.memory_space<semaphore_mem>>
          %dma_wait3A_285 = tpu.memref_squeeze %dma_wait3A_284 : memref<1x!tpu.dma_semaphore, #tpu.memory_space<semaphore_mem>> -> memref<!tpu.dma_semaphore, #tpu.memory_space<semaphore_mem>>
          %dma_wait3A_286 = arith.constant 0 : i32
          %dma_wait3A_287 = arith.constant 0 : i32
          %dma_wait3A_288 = tpu.memref_slice %run_scoped3A[%rem3A_277, %dma_wait3A_286, %dma_wait3A_287] : memref<2x1x400xi32, #tpu.memory_space<vmem>> -> memref<1x1x400xi32, #tpu.memory_space<vmem>>
          %dma_wait3A_289 = tpu.memref_squeeze %dma_wait3A_288 : memref<1x1x400xi32, #tpu.memory_space<vmem>> -> memref<1x400xi32, #tpu.memory_space<vmem>>
          %dma_wait3A_290 = arith.constant 0 : i32
          %dma_wait3A_291 = tpu.memref_slice %arg3[%mul3A_275, %dma_wait3A_290] : memref<800x400xi32, #tpu.memory_space<hbm>> -> memref<1x400xi32, #tpu.memory_space<hbm>>
          tpu.wait_dma2 semaphore(%dma_wait3A_285 : memref<!tpu.dma_semaphore, #tpu.memory_space<semaphore_mem>>) src(%dma_wait3A_291 : memref<1x400xi32, #tpu.memory_space<hbm>>) dst(%dma_wait3A_289 : memref<1x400xi32, #tpu.memory_space<vmem>>)
          "tpu.trace_stop"() : () -> ()
        } else {
        }
        %ne3A_189 = arith.cmpi ne, %add3A_131, %add3A_140 : i32
        %or3A_190 = arith.constant false
        %or3A_191 = arith.ori %or3A_190, %ne3A_189 : i1
        %or3A_192 = arith.constant false
        %or3A_193 = arith.ori %or3A_191, %or3A_192 : i1
        %or3A_194 = arith.ori %or3A_193, %eq3A_128 : i1
        %convert_element_type3A_195 = arith.extui %or3A_194 : i1 to i32
        %cond3A_196 = arith.constant 0 : i32
        %cond3A_197 = arith.cmpi ne, %convert_element_type3A_195, %cond3A_196 : i32
        scf.if %cond3A_197 {
        } else {
        }
        %rem3A_198 = arith.constant 2 : i32
        %rem3A_199 = arith.remui %scan3A_123, %rem3A_198 : i32
        %rem3A_200 = arith.constant 2 : i32
        %rem3A_201 = arith.remui %scan3A_124, %rem3A_200 : i32
        %run_scoped3A_202 = arith.constant 0 : i32
        "tpu.trace_start"() <{level = 10 : i32, message = "ep_run_kernel"}> : () -> ()
        "tpu.region"() ({
          %run_scoped3A_274 = tpu.sem_alloc : memref<!tpu.dma_semaphore, #tpu.memory_space<semaphore_mem>>
          %dma_start3A_275 = arith.constant 0 : i32
          %dma_start3A_276 = arith.constant 0 : i32
          %dma_start3A_277 = tpu.memref_slice %run_scoped3A_8[%rem3A_201, %dma_start3A_275, %dma_start3A_276] : memref<2x400x128xf32, #tpu.memory_space<vmem>> -> memref<1x400x128xf32, #tpu.memory_space<vmem>>
          %dma_start3A_278 = tpu.memref_squeeze %dma_start3A_277 : memref<1x400x128xf32, #tpu.memory_space<vmem>> -> memref<400x128xf32, #tpu.memory_space<vmem>>
          %dma_start3A_279 = arith.constant 0 : i32
          %dma_start3A_280 = arith.constant 0 : i32
          %dma_start3A_281 = tpu.memref_slice %run_scoped3A[%rem3A_199, %dma_start3A_279, %dma_start3A_280] : memref<2x1x400xi32, #tpu.memory_space<vmem>> -> memref<1x1x400xi32, #tpu.memory_space<vmem>>
          %dma_start3A_282 = tpu.memref_squeeze %dma_start3A_281 : memref<1x1x400xi32, #tpu.memory_space<vmem>> -> memref<1x400xi32, #tpu.memory_space<vmem>>
          %dma_start3A_283 = arith.constant 0 : i32
          %dma_start3A_284 = tpu.memref_slice %dma_start3A_282[%run_scoped3A_202, %dma_start3A_283] : memref<1x400xi32, #tpu.memory_space<vmem>> -> memref<1x400xi32, #tpu.memory_space<vmem>>
          %dma_start3A_285 = tpu.memref_squeeze %dma_start3A_284 : memref<1x400xi32, #tpu.memory_space<vmem>> -> memref<400xi32, #tpu.memory_space<vmem>>
          %dma_start3A_286 = arith.constant 0 : i32
          %dma_start3A_287 = arith.constant 0 : i32
          %dma_start3A_288 = tpu.memref_slice %arg2[%dma_start3A_286, %dma_start3A_287] : memref<10000x128xf32, #tpu.memory_space<hbm>> -> memref<10000x128xf32, #tpu.memory_space<hbm>>
          tpu.enqueue_indirect_dma source(%dma_start3A_288 : memref<10000x128xf32, #tpu.memory_space<hbm>>) target(%dma_start3A_278 : memref<400x128xf32, #tpu.memory_space<vmem>>) offsets(%dma_start3A_285 : memref<400xi32, #tpu.memory_space<vmem>>) semaphore(%run_scoped3A_274 : memref<!tpu.dma_semaphore, #tpu.memory_space<semaphore_mem>>)
          %dma_wait3A_289 = arith.constant 0 : i32
          %dma_wait3A_290 = arith.constant 0 : i32
          %dma_wait3A_291 = tpu.memref_slice %run_scoped3A_8[%rem3A_201, %dma_wait3A_289, %dma_wait3A_290] : memref<2x400x128xf32, #tpu.memory_space<vmem>> -> memref<1x400x128xf32, #tpu.memory_space<vmem>>
          %dma_wait3A_292 = tpu.memref_squeeze %dma_wait3A_291 : memref<1x400x128xf32, #tpu.memory_space<vmem>> -> memref<400x128xf32, #tpu.memory_space<vmem>>
          %dma_wait3A_293 = arith.constant 0 : i32
          %dma_wait3A_294 = arith.constant 0 : i32
          %dma_wait3A_295 = tpu.memref_slice %run_scoped3A[%rem3A_199, %dma_wait3A_293, %dma_wait3A_294] : memref<2x1x400xi32, #tpu.memory_space<vmem>> -> memref<1x1x400xi32, #tpu.memory_space<vmem>>
          %dma_wait3A_296 = tpu.memref_squeeze %dma_wait3A_295 : memref<1x1x400xi32, #tpu.memory_space<vmem>> -> memref<1x400xi32, #tpu.memory_space<vmem>>
          %dma_wait3A_297 = arith.constant 0 : i32
          %dma_wait3A_298 = tpu.memref_slice %dma_wait3A_296[%run_scoped3A_202, %dma_wait3A_297] : memref<1x400xi32, #tpu.memory_space<vmem>> -> memref<1x400xi32, #tpu.memory_space<vmem>>
          %dma_wait3A_299 = tpu.memref_squeeze %dma_wait3A_298 : memref<1x400xi32, #tpu.memory_space<vmem>> -> memref<400xi32, #tpu.memory_space<vmem>>
          %dma_wait3A_300 = arith.constant 0 : i32
          %dma_wait3A_301 = arith.constant 0 : i32
          %dma_wait3A_302 = tpu.memref_slice %arg2[%dma_wait3A_300, %dma_wait3A_301] : memref<10000x128xf32, #tpu.memory_space<hbm>> -> memref<10000x128xf32, #tpu.memory_space<hbm>>
          tpu.wait_indirect_dma semaphore(%run_scoped3A_274 : memref<!tpu.dma_semaphore, #tpu.memory_space<semaphore_mem>>) src(%dma_wait3A_302 : memref<10000x128xf32, #tpu.memory_space<hbm>>) dst(%dma_wait3A_292 : memref<400x128xf32, #tpu.memory_space<vmem>>)
          tpu.yield
        }) : () -> ()
        "tpu.trace_stop"() : () -> ()
        %ne3A_203 = arith.cmpi ne, %add3A_131, %add3A_149 : i32
        %or3A_204 = arith.constant false
        %or3A_205 = arith.ori %or3A_204, %ne3A_203 : i1
        %or3A_206 = arith.constant false
        %or3A_207 = arith.ori %or3A_205, %or3A_206 : i1
        %or3A_208 = arith.ori %or3A_207, %eq3A_130 : i1
        %convert_element_type3A_209 = arith.extui %or3A_208 : i1 to i32
        %cond3A_210 = arith.constant 0 : i32
        %cond3A_211 = arith.cmpi ne, %convert_element_type3A_209, %cond3A_210 : i32
        scf.if %cond3A_211 {
        } else {
        }
        %and3A_212 = arith.constant false
        %and3A_213 = arith.andi %or3A_208, %and3A_212 : i1
        %ne3A_214 = arith.cmpi ne, %add3A_131, %add3A_149 : i32
        %or3A_215 = arith.constant false
        %or3A_216 = arith.ori %or3A_215, %ne3A_214 : i1
        %or3A_217 = arith.constant false
        %or3A_218 = arith.ori %or3A_216, %or3A_217 : i1
        %or3A_219 = arith.ori %or3A_218, %eq3A_130 : i1
        %convert_element_type3A_220 = arith.extui %or3A_219 : i1 to i32
        %cond3A_221 = arith.constant 0 : i32
        %cond3A_222 = arith.cmpi ne, %convert_element_type3A_220, %cond3A_221 : i32
        scf.if %cond3A_222 {
          "tpu.trace_start"() <{level = 10 : i32, message = "ep_copy_out"}> : () -> ()
          %rem3A_274 = arith.constant 2 : i32
          %rem3A_275 = arith.remui %scan3A_124, %rem3A_274 : i32
          %mul3A_276 = arith.constant 400 : i32
          %mul3A_277 = arith.muli %mul3A_276, %add3A_131 : i32
          %dma_start3A_278 = arith.constant 0 : i32
          %dma_start3A_279 = arith.constant 0 : i32
          %dma_start3A_280 = tpu.memref_slice %run_scoped3A_8[%rem3A_275, %dma_start3A_278, %dma_start3A_279] : memref<2x400x128xf32, #tpu.memory_space<vmem>> -> memref<1x400x128xf32, #tpu.memory_space<vmem>>
          %dma_start3A_281 = tpu.memref_squeeze %dma_start3A_280 : memref<1x400x128xf32, #tpu.memory_space<vmem>> -> memref<400x128xf32, #tpu.memory_space<vmem>>
          %dma_start3A_282 = arith.constant 0 : i32
          %dma_start3A_283 = tpu.memref_slice %arg4[%mul3A_277, %dma_start3A_282] : memref<320000x128xf32, #tpu.memory_space<hbm>> -> memref<400x128xf32, #tpu.memory_space<hbm>>
          %dma_start3A_284 = tpu.memref_slice %run_scoped3A_9[%rem3A_275] : memref<2x!tpu.dma_semaphore, #tpu.memory_space<semaphore_mem>> -> memref<1x!tpu.dma_semaphore, #tpu.memory_space<semaphore_mem>>
          %dma_start3A_285 = tpu.memref_squeeze %dma_start3A_284 : memref<1x!tpu.dma_semaphore, #tpu.memory_space<semaphore_mem>> -> memref<!tpu.dma_semaphore, #tpu.memory_space<semaphore_mem>>
          %dma_start3A_286 = arith.constant 0 : i32
          %dma_start3A_287 = tpu.memref_slice %arg4[%mul3A_277, %dma_start3A_286] : memref<320000x128xf32, #tpu.memory_space<hbm>> -> memref<400x128xf32, #tpu.memory_space<hbm>>
          %dma_start3A_288 = arith.constant 0 : i32
          %dma_start3A_289 = arith.constant 0 : i32
          %dma_start3A_290 = tpu.memref_slice %run_scoped3A_8[%rem3A_275, %dma_start3A_288, %dma_start3A_289] : memref<2x400x128xf32, #tpu.memory_space<vmem>> -> memref<1x400x128xf32, #tpu.memory_space<vmem>>
          %dma_start3A_291 = tpu.memref_squeeze %dma_start3A_290 : memref<1x400x128xf32, #tpu.memory_space<vmem>> -> memref<400x128xf32, #tpu.memory_space<vmem>>
          tpu.enqueue_dma source(%dma_start3A_291 : memref<400x128xf32, #tpu.memory_space<vmem>>) target(%dma_start3A_287 : memref<400x128xf32, #tpu.memory_space<hbm>>) target_semaphore(%dma_start3A_285 : memref<!tpu.dma_semaphore, #tpu.memory_space<semaphore_mem>>)
          "tpu.trace_stop"() : () -> ()
        } else {
        }
        %and3A_223 = arith.constant true
        %and3A_224 = arith.andi %or3A_219, %and3A_223 : i1
        %add3A_225 = arith.constant 1 : i32
        %add3A_226 = arith.addi %scan3A_124, %add3A_225 : i32
        %select_n3A_227 = arith.select %and3A_224, %add3A_226, %scan3A_124 : i32
        %ne3A_228 = arith.cmpi ne, %add3A_131, %add3A_140 : i32
        %or3A_229 = arith.constant false
        %or3A_230 = arith.ori %or3A_229, %ne3A_228 : i1
        %or3A_231 = arith.constant false
        %or3A_232 = arith.ori %or3A_230, %or3A_231 : i1
        %not3A_233 = arith.constant true
        %not3A_234 = arith.xori %eq3A_128, %not3A_233 : i1
        %and3A_235 = arith.andi %or3A_232, %not3A_234 : i1
        %convert_element_type3A_236 = arith.extui %and3A_235 : i1 to i32
        %cond3A_237 = arith.constant 0 : i32
        %cond3A_238 = arith.cmpi ne, %convert_element_type3A_236, %cond3A_237 : i32
        scf.if %cond3A_238 {
        } else {
        }
        %and3A_239 = arith.constant false
        %and3A_240 = arith.andi %and3A_235, %and3A_239 : i1
        %ne3A_241 = arith.cmpi ne, %add3A_131, %add3A_140 : i32
        %or3A_242 = arith.constant false
        %or3A_243 = arith.ori %or3A_242, %ne3A_241 : i1
        %or3A_244 = arith.constant false
        %or3A_245 = arith.ori %or3A_243, %or3A_244 : i1
        %not3A_246 = arith.constant true
        %not3A_247 = arith.xori %eq3A_128, %not3A_246 : i1
        %and3A_248 = arith.andi %or3A_245, %not3A_247 : i1
        %convert_element_type3A_249 = arith.extui %and3A_248 : i1 to i32
        %cond3A_250 = arith.constant 0 : i32
        %cond3A_251 = arith.cmpi ne, %convert_element_type3A_249, %cond3A_250 : i32
        scf.if %cond3A_251 {
          "tpu.trace_start"() <{level = 10 : i32, message = "ep_wait_out"}> : () -> ()
          %rem3A_274 = arith.constant 2 : i32
          %rem3A_275 = arith.remui %scan3A_125, %rem3A_274 : i32
          %mul3A_276 = arith.constant 400 : i32
          %mul3A_277 = arith.muli %mul3A_276, %add3A_140 : i32
          %dma_wait3A_278 = arith.constant 0 : i32
          %dma_wait3A_279 = arith.constant 0 : i32
          %dma_wait3A_280 = tpu.memref_slice %run_scoped3A_8[%rem3A_275, %dma_wait3A_278, %dma_wait3A_279] : memref<2x400x128xf32, #tpu.memory_space<vmem>> -> memref<1x400x128xf32, #tpu.memory_space<vmem>>
          %dma_wait3A_281 = tpu.memref_squeeze %dma_wait3A_280 : memref<1x400x128xf32, #tpu.memory_space<vmem>> -> memref<400x128xf32, #tpu.memory_space<vmem>>
          %dma_wait3A_282 = arith.constant 0 : i32
          %dma_wait3A_283 = tpu.memref_slice %arg4[%mul3A_277, %dma_wait3A_282] : memref<320000x128xf32, #tpu.memory_space<hbm>> -> memref<400x128xf32, #tpu.memory_space<hbm>>
          %dma_wait3A_284 = tpu.memref_slice %run_scoped3A_9[%rem3A_275] : memref<2x!tpu.dma_semaphore, #tpu.memory_space<semaphore_mem>> -> memref<1x!tpu.dma_semaphore, #tpu.memory_space<semaphore_mem>>
          %dma_wait3A_285 = tpu.memref_squeeze %dma_wait3A_284 : memref<1x!tpu.dma_semaphore, #tpu.memory_space<semaphore_mem>> -> memref<!tpu.dma_semaphore, #tpu.memory_space<semaphore_mem>>
          %dma_wait3A_286 = arith.constant 0 : i32
          %dma_wait3A_287 = tpu.memref_slice %arg4[%mul3A_277, %dma_wait3A_286] : memref<320000x128xf32, #tpu.memory_space<hbm>> -> memref<400x128xf32, #tpu.memory_space<hbm>>
          %dma_wait3A_288 = arith.constant 0 : i32
          %dma_wait3A_289 = arith.constant 0 : i32
          %dma_wait3A_290 = tpu.memref_slice %run_scoped3A_8[%rem3A_275, %dma_wait3A_288, %dma_wait3A_289] : memref<2x400x128xf32, #tpu.memory_space<vmem>> -> memref<1x400x128xf32, #tpu.memory_space<vmem>>
          %dma_wait3A_291 = tpu.memref_squeeze %dma_wait3A_290 : memref<1x400x128xf32, #tpu.memory_space<vmem>> -> memref<400x128xf32, #tpu.memory_space<vmem>>
          tpu.wait_dma2 semaphore(%dma_wait3A_285 : memref<!tpu.dma_semaphore, #tpu.memory_space<semaphore_mem>>) src(%dma_wait3A_291 : memref<400x128xf32, #tpu.memory_space<vmem>>) dst(%dma_wait3A_287 : memref<400x128xf32, #tpu.memory_space<hbm>>)
          "tpu.trace_stop"() : () -> ()
        } else {
        }
        %and3A_252 = arith.constant true
        %and3A_253 = arith.andi %and3A_248, %and3A_252 : i1
        %add3A_254 = arith.constant 1 : i32
        %add3A_255 = arith.addi %scan3A_125, %add3A_254 : i32
        %select_n3A_256 = arith.select %and3A_253, %add3A_255, %scan3A_125 : i32
        %ne3A_257 = arith.cmpi ne, %add3A_131, %add3A_149 : i32
        %or3A_258 = arith.constant false
        %or3A_259 = arith.ori %or3A_258, %ne3A_257 : i1
        %or3A_260 = arith.constant false
        %or3A_261 = arith.ori %or3A_259, %or3A_260 : i1
        %or3A_262 = arith.ori %or3A_261, %eq3A_130 : i1
        %add3A_263 = arith.constant 1 : i32
        %add3A_264 = arith.addi %scan3A_123, %add3A_263 : i32
        %select_n3A_265 = arith.select %or3A_262, %add3A_264, %scan3A_123 : i32
        %add3A_266 = arith.constant 1 : i32
        %add3A_267 = arith.addi %scan3A_126, %add3A_266 : i32
        %select_n3A_268 = arith.constant true
        %select_n3A_269 = arith.select %select_n3A_268, %add3A_267, %scan3A_126 : i32
        %eq3A_270 = arith.constant 25 : i32
        %eq3A_271 = arith.cmpi eq, %select_n3A_269, %eq3A_270 : i32
        %select_n3A_272 = arith.constant 0 : i32
        %select_n3A_273 = arith.select %eq3A_271, %select_n3A_272, %select_n3A_269 : i32
        scf.yield %select_n3A_169, %select_n3A_265, %select_n3A_227, %select_n3A_256, %select_n3A_273 : i32, i32, i32, i32, i32
      }
      %scan3A_68 = arith.constant 25 : i32
      %sub3A = arith.constant 1 : i32
      %sub3A_69 = arith.subi %scan3A_67#4, %sub3A : i32
      %select_n3A_70 = arith.constant true
      %select_n3A_71 = arith.select %select_n3A_70, %sub3A_69, %scan3A_67#4 : i32
      %eq3A_72 = arith.constant -1 : i32
      %eq3A_73 = arith.cmpi eq, %select_n3A_71, %eq3A_72 : i32
      %select_n3A_74 = arith.constant 24 : i32
      %select_n3A_75 = arith.select %eq3A_73, %select_n3A_74, %select_n3A_71 : i32
      %add3A_76 = arith.addi %select_n3A_75, %mul3A_6 : i32
      %sub3A_77 = arith.constant 1 : i32
      %sub3A_78 = arith.subi %select_n3A_75, %sub3A_77 : i32
      %select_n3A_79 = arith.constant true
      %select_n3A_80 = arith.select %select_n3A_79, %sub3A_78, %select_n3A_75 : i32
      %eq3A_81 = arith.constant -1 : i32
      %eq3A_82 = arith.cmpi eq, %select_n3A_80, %eq3A_81 : i32
      %select_n3A_83 = arith.constant 24 : i32
      %select_n3A_84 = arith.select %eq3A_82, %select_n3A_83, %select_n3A_80 : i32
      %add3A_85 = arith.addi %select_n3A_84, %mul3A_6 : i32
      %add3A_86 = arith.constant 1 : i32
      %add3A_87 = arith.addi %select_n3A_75, %add3A_86 : i32
      %select_n3A_88 = arith.constant true
      %select_n3A_89 = arith.select %select_n3A_88, %add3A_87, %select_n3A_75 : i32
      %eq3A_90 = arith.constant 25 : i32
      %eq3A_91 = arith.cmpi eq, %select_n3A_89, %eq3A_90 : i32
      %select_n3A_92 = arith.constant 0 : i32
      %select_n3A_93 = arith.select %eq3A_91, %select_n3A_92, %select_n3A_89 : i32
      %add3A_94 = arith.addi %select_n3A_93, %mul3A_6 : i32
      %add3A_95 = arith.constant 1 : i32
      %add3A_96 = arith.addi %select_n3A_93, %add3A_95 : i32
      %select_n3A_97 = arith.constant true
      %select_n3A_98 = arith.select %select_n3A_97, %add3A_96, %select_n3A_93 : i32
      %eq3A_99 = arith.constant 25 : i32
      %eq3A_100 = arith.cmpi eq, %select_n3A_98, %eq3A_99 : i32
      %select_n3A_101 = arith.constant 0 : i32
      %select_n3A_102 = arith.select %eq3A_100, %select_n3A_101, %select_n3A_98 : i32
      %add3A_103 = arith.addi %select_n3A_102, %mul3A_6 : i32
      "tpu.trace_start"() <{level = 10 : i32, message = "ep_finalize"}> : () -> ()
      %rem3A_104 = arith.constant 2 : i32
      %rem3A_105 = arith.remui %scan3A_67#3, %rem3A_104 : i32
      %mul3A_106 = arith.constant 400 : i32
      %mul3A_107 = arith.muli %mul3A_106, %add3A_76 : i32
      %dma_wait3A = arith.constant 0 : i32
      %dma_wait3A_108 = arith.constant 0 : i32
      %dma_wait3A_109 = tpu.memref_slice %run_scoped3A_8[%rem3A_105, %dma_wait3A, %dma_wait3A_108] : memref<2x400x128xf32, #tpu.memory_space<vmem>> -> memref<1x400x128xf32, #tpu.memory_space<vmem>>
      %dma_wait3A_110 = tpu.memref_squeeze %dma_wait3A_109 : memref<1x400x128xf32, #tpu.memory_space<vmem>> -> memref<400x128xf32, #tpu.memory_space<vmem>>
      %dma_wait3A_111 = arith.constant 0 : i32
      %dma_wait3A_112 = tpu.memref_slice %arg4[%mul3A_107, %dma_wait3A_111] : memref<320000x128xf32, #tpu.memory_space<hbm>> -> memref<400x128xf32, #tpu.memory_space<hbm>>
      %dma_wait3A_113 = tpu.memref_slice %run_scoped3A_9[%rem3A_105] : memref<2x!tpu.dma_semaphore, #tpu.memory_space<semaphore_mem>> -> memref<1x!tpu.dma_semaphore, #tpu.memory_space<semaphore_mem>>
      %dma_wait3A_114 = tpu.memref_squeeze %dma_wait3A_113 : memref<1x!tpu.dma_semaphore, #tpu.memory_space<semaphore_mem>> -> memref<!tpu.dma_semaphore, #tpu.memory_space<semaphore_mem>>
      %dma_wait3A_115 = arith.constant 0 : i32
      %dma_wait3A_116 = tpu.memref_slice %arg4[%mul3A_107, %dma_wait3A_115] : memref<320000x128xf32, #tpu.memory_space<hbm>> -> memref<400x128xf32, #tpu.memory_space<hbm>>
      %dma_wait3A_117 = arith.constant 0 : i32
      %dma_wait3A_118 = arith.constant 0 : i32
      %dma_wait3A_119 = tpu.memref_slice %run_scoped3A_8[%rem3A_105, %dma_wait3A_117, %dma_wait3A_118] : memref<2x400x128xf32, #tpu.memory_space<vmem>> -> memref<1x400x128xf32, #tpu.memory_space<vmem>>
      %dma_wait3A_120 = tpu.memref_squeeze %dma_wait3A_119 : memref<1x400x128xf32, #tpu.memory_space<vmem>> -> memref<400x128xf32, #tpu.memory_space<vmem>>
      tpu.wait_dma2 semaphore(%dma_wait3A_114 : memref<!tpu.dma_semaphore, #tpu.memory_space<semaphore_mem>>) src(%dma_wait3A_120 : memref<400x128xf32, #tpu.memory_space<vmem>>) dst(%dma_wait3A_116 : memref<400x128xf32, #tpu.memory_space<hbm>>)
      "tpu.trace_stop"() : () -> ()
      tpu.yield
    }) : () -> ()
    return
  }
}

module attributes {stable_mosaic.version = 14 : i64} {
  func.func @body(%arg0: i32, %arg1: memref<128x10000xf32, #tpu.memory_space<vmem>>, %arg2: memref<128x10000xf32, #tpu.memory_space<vmem>>) attributes {dimension_semantics = [#tpu.dimension_semantics<arbitrary>], iteration_bounds = array<i64: 32>, scalar_prefetch = 0 : i64, scratch_operands = 0 : i64, tpu.core_type = #tpu.core_type<tc>, window_params = [{transform_indices = @transform_0, window_bounds = array<i64: 128, 10000>}, {transform_indices = @transform_1, window_bounds = array<i64: 128, 10000>}]} {
    %get3A = arith.constant 0 : index
    %get3A_0 = arith.constant 0 : index
    %get3A_1 = vector.load %arg1[%get3A, %get3A_0] : memref<128x10000xf32, #tpu.memory_space<vmem>>, vector<128x10000xf32>
    %swap3A = arith.constant 0 : index
    %swap3A_2 = arith.constant 0 : index
    %swap3A_3 = vector.load %arg2[%swap3A, %swap3A_2] : memref<128x10000xf32, #tpu.memory_space<vmem>>, vector<128x10000xf32>
    tpu.vector_store %arg2[%swap3A, %swap3A_2], %get3A_1 {strides = array<i32>} : memref<128x10000xf32, #tpu.memory_space<vmem>>, vector<128x10000xf32>,
    return
  }
  func.func @transform_0(%arg0: i32) -> (i32, i32) {
    %c0_i32 = arith.constant 0 : i32
    %c0_i32_0 = arith.constant 0 : i32
    return %arg0, %c0_i32 : i32, i32
  }
  func.func @transform_1(%arg0: i32) -> (i32, i32) {
    %c0_i32 = arith.constant 0 : i32
    %c0_i32_0 = arith.constant 0 : i32
    return %arg0, %c0_i32 : i32, i32
  }
}

module attributes {stable_mosaic.version = 14 : i64} {
  func.func @_tc_body(%arg0: i32, %arg1: memref<200x128xf32, #tpu.memory_space<vmem>>, %arg2: memref<32x200x128xf32, #tpu.memory_space<vmem>>, %arg3: memref<32x200x16xf32, #tpu.memory_space<vmem>>, %arg4: memref<32x200x4xbf16, #tpu.memory_space<vmem>>, %arg5: memref<128x128xbf16, #tpu.memory_space<vmem>>, %arg6: memref<128x144xbf16, #tpu.memory_space<vmem>>, %arg7: memref<128x144xbf16, #tpu.memory_space<vmem>>, %arg8: memref<16x144xbf16, #tpu.memory_space<vmem>>, %arg9: memref<576x128xbf16, #tpu.memory_space<vmem>>, %arg10: memref<4x512xbf16, #tpu.memory_space<vmem>>, %arg11: memref<1x128xf32, #tpu.memory_space<vmem>>, %arg12: memref<1x144xbf16, #tpu.memory_space<vmem>>, %arg13: memref<1x128xf32, #tpu.memory_space<vmem>>, %arg14: memref<1x128xf32, #tpu.memory_space<vmem>>, %arg15: memref<1x128xf32, #tpu.memory_space<vmem>>, %arg16: memref<1x128xf32, #tpu.memory_space<vmem>>, %arg17: memref<1x16xf32, #tpu.memory_space<vmem>>, %arg18: memref<200x128xf32, #tpu.memory_space<vmem>>, %arg19: memref<32x200x16xf32, #tpu.memory_space<vmem>>) attributes {dimension_semantics = [#tpu.dimension_semantics<arbitrary>], iteration_bounds = array<i64: 50>, scalar_prefetch = 0 : i64, scratch_operands = 0 : i64, tpu.core_type = #tpu.core_type<tc>, window_params = [{transform_indices = @transform_0, window_bounds = array<i64: 200, 128>}, {transform_indices = @transform_1, window_bounds = array<i64: 32, 200, 128>}, {transform_indices = @transform_2, window_bounds = array<i64: 32, 200, 16>}, {transform_indices = @transform_3, window_bounds = array<i64: 32, 200, 4>}, {pipeline_mode = #tpu.pipeline_mode<synchronous>, transform_indices = @transform_4, window_bounds = array<i64: 128, 128>}, {pipeline_mode = #tpu.pipeline_mode<synchronous>, transform_indices = @transform_5, window_bounds = array<i64: 128, 144>}, {pipeline_mode = #tpu.pipeline_mode<synchronous>, transform_indices = @transform_6, window_bounds = array<i64: 128, 144>}, {pipeline_mode = #tpu.pipeline_mode<synchronous>, transform_indices = @transform_7, window_bounds = array<i64: 16, 144>}, {pipeline_mode = #tpu.pipeline_mode<synchronous>, transform_indices = @transform_8, window_bounds = array<i64: 576, 128>}, {pipeline_mode = #tpu.pipeline_mode<synchronous>, transform_indices = @transform_9, window_bounds = array<i64: 4, 512>}, {pipeline_mode = #tpu.pipeline_mode<synchronous>, transform_indices = @transform_10, window_bounds = array<i64: 1, 128>}, {pipeline_mode = #tpu.pipeline_mode<synchronous>, transform_indices = @transform_11, window_bounds = array<i64: 1, 144>}, {pipeline_mode = #tpu.pipeline_mode<synchronous>, transform_indices = @transform_12, window_bounds = array<i64: 1, 128>}, {pipeline_mode = #tpu.pipeline_mode<synchronous>, transform_indices = @transform_13, window_bounds = array<i64: 1, 128>}, {pipeline_mode = #tpu.pipeline_mode<synchronous>, transform_indices = @transform_14, window_bounds = array<i64: 1, 128>}, {pipeline_mode = #tpu.pipeline_mode<synchronous>, transform_indices = @transform_15, window_bounds = array<i64: 1, 128>}, {pipeline_mode = #tpu.pipeline_mode<synchronous>, transform_indices = @transform_16, window_bounds = array<i64: 1, 16>}, {transform_indices = @transform_17, window_bounds = array<i64: 200, 128>}, {transform_indices = @transform_18, window_bounds = array<i64: 32, 200, 16>}]} {
    %get3A = arith.constant 0 : index
    %get3A_0 = arith.constant 0 : index
    %get3A_1 = vector.load %arg1[%get3A, %get3A_0] : memref<200x128xf32, #tpu.memory_space<vmem>>, vector<200x128xf32>
    %convert_element_type3A = arith.truncf %get3A_1 : vector<200x128xf32> to vector<200x128xbf16>
    %get3A_2 = arith.constant 0 : index
    %get3A_3 = arith.constant 0 : index
    %get3A_4 = arith.constant 0 : index
    %get3A_5 = vector.load %arg2[%get3A_2, %get3A_3, %get3A_4] : memref<32x200x128xf32, #tpu.memory_space<vmem>>, vector<32x200x128xf32>
    %convert_element_type3A_6 = arith.truncf %get3A_5 : vector<32x200x128xf32> to vector<32x200x128xbf16>
    %get3A_7 = arith.constant 0 : index
    %get3A_8 = arith.constant 0 : index
    %get3A_9 = arith.constant 0 : index
    %get3A_10 = vector.load %arg3[%get3A_7, %get3A_8, %get3A_9] : memref<32x200x16xf32, #tpu.memory_space<vmem>>, vector<32x200x16xf32>
    %convert_element_type3A_11 = arith.truncf %get3A_10 : vector<32x200x16xf32> to vector<32x200x16xbf16>
    %get3A_12 = arith.constant 0 : index
    %get3A_13 = arith.constant 0 : index
    %get3A_14 = arith.constant 0 : index
    %get3A_15 = vector.load %arg4[%get3A_12, %get3A_13, %get3A_14] : memref<32x200x4xbf16, #tpu.memory_space<vmem>>, vector<32x200x4xbf16>
    %reshape3A = vector.shape_cast %get3A_15 : vector<32x200x4xbf16> to vector<6400x4xbf16>
    %get3A_16 = arith.constant 0 : index
    %get3A_17 = arith.constant 0 : index
    %get3A_18 = vector.load %arg10[%get3A_16, %get3A_17] : memref<4x512xbf16, #tpu.memory_space<vmem>>, vector<4x512xbf16>
    %dot_general3A = arith.constant dense<0.000000e+00> : vector<6400x512xf32>
    %dot_general3A_19 = tpu.matmul %reshape3A, %get3A_18, %dot_general3A {dimension_numbers = #tpu.dot_dimension_numbers<[1], [0], [0], [1], [0, 0, 1, 1], [], []>, transpose_lhs_hint = false} : vector<6400x4xbf16>, vector<4x512xbf16>, vector<6400x512xf32> -> vector<6400x512xf32>
    %convert_element_type3A_20 = arith.truncf %dot_general3A_19 : vector<6400x512xf32> to vector<6400x512xbf16>
    %reshape3A_21 = vector.shape_cast %convert_element_type3A_20 : vector<6400x512xbf16> to vector<32x200x512xbf16>
    %get3A_22 = arith.constant 0 : index
    %get3A_23 = arith.constant 0 : index
    %get3A_24 = vector.load %arg5[%get3A_22, %get3A_23] : memref<128x128xbf16, #tpu.memory_space<vmem>>, vector<128x128xbf16>
    %dot_general3A_25 = arith.constant dense<0.000000e+00> : vector<200x128xf32>
    %dot_general3A_26 = tpu.matmul %convert_element_type3A, %get3A_24, %dot_general3A_25 {dimension_numbers = #tpu.dot_dimension_numbers<[1], [0], [0], [1], [0, 0, 1, 1], [], []>, transpose_lhs_hint = false} : vector<200x128xbf16>, vector<128x128xbf16>, vector<200x128xf32> -> vector<200x128xf32>
    %get3A_27 = arith.constant 0 : index
    %get3A_28 = arith.constant 0 : index
    %get3A_29 = vector.load %arg11[%get3A_27, %get3A_28] : memref<1x128xf32, #tpu.memory_space<vmem>>, vector<1x128xf32>
    %add3A = vector.broadcast %get3A_29 : vector<1x128xf32> to vector<200x128xf32>
    %add3A_30 = arith.addf %dot_general3A_26, %add3A : vector<200x128xf32>
    %logistic3A = arith.negf %add3A_30 : vector<200x128xf32>
    %logistic3A_31 = math.exp %logistic3A : vector<200x128xf32>
    %logistic3A_32 = arith.constant 1.000000e+00 : f32
    %logistic3A_33 = vector.broadcast %logistic3A_32 : f32 to vector<200x128xf32>
    %logistic3A_34 = arith.addf %logistic3A_33, %logistic3A_31 : vector<200x128xf32>
    %logistic3A_35 = arith.divf %logistic3A_33, %logistic3A_34 : vector<200x128xf32>
    %mul3A = arith.mulf %add3A_30, %logistic3A_35 : vector<200x128xf32>
    %reshape3A_36 = vector.shape_cast %convert_element_type3A_6 : vector<32x200x128xbf16> to vector<6400x128xbf16>
    %reshape3A_37 = vector.shape_cast %convert_element_type3A_11 : vector<32x200x16xbf16> to vector<6400x16xbf16>
    %get3A_38 = arith.constant 0 : index
    %get3A_39 = arith.constant 0 : index
    %get3A_40 = vector.load %arg6[%get3A_38, %get3A_39] : memref<128x144xbf16, #tpu.memory_space<vmem>>, vector<128x144xbf16>
    %dot_general3A_41 = arith.constant dense<0.000000e+00> : vector<200x144xf32>
    %dot_general3A_42 = tpu.matmul %convert_element_type3A, %get3A_40, %dot_general3A_41 {dimension_numbers = #tpu.dot_dimension_numbers<[1], [0], [0], [1], [0, 0, 1, 1], [], []>, transpose_lhs_hint = false} : vector<200x128xbf16>, vector<128x144xbf16>, vector<200x144xf32> -> vector<200x144xf32>
    %convert_element_type3A_43 = arith.truncf %dot_general3A_42 : vector<200x144xf32> to vector<200x144xbf16>
    %get3A_44 = arith.constant 0 : index
    %get3A_45 = arith.constant 0 : index
    %get3A_46 = vector.load %arg7[%get3A_44, %get3A_45] : memref<128x144xbf16, #tpu.memory_space<vmem>>, vector<128x128xbf16>
    %dot_general3A_47 = arith.constant dense<0.000000e+00> : vector<6400x128xf32>
    %dot_general3A_48 = tpu.matmul %reshape3A_36, %get3A_46, %dot_general3A_47 {dimension_numbers = #tpu.dot_dimension_numbers<[1], [0], [0], [1], [0, 0, 1, 1], [], []>, transpose_lhs_hint = false} : vector<6400x128xbf16>, vector<128x128xbf16>, vector<6400x128xf32> -> vector<6400x128xf32>
    %convert_element_type3A_49 = arith.truncf %dot_general3A_48 : vector<6400x128xf32> to vector<6400x128xbf16>
    %get3A_50 = arith.constant 0 : index
    %get3A_51 = arith.constant 0 : index
    %get3A_52 = vector.load %arg8[%get3A_50, %get3A_51] : memref<16x144xbf16, #tpu.memory_space<vmem>>, vector<16x128xbf16>
    %dot_general3A_53 = arith.constant dense<0.000000e+00> : vector<6400x128xf32>
    %dot_general3A_54 = tpu.matmul %reshape3A_37, %get3A_52, %dot_general3A_53 {dimension_numbers = #tpu.dot_dimension_numbers<[1], [0], [0], [1], [0, 0, 1, 1], [], []>, transpose_lhs_hint = false} : vector<6400x16xbf16>, vector<16x128xbf16>, vector<6400x128xf32> -> vector<6400x128xf32>
    %convert_element_type3A_55 = arith.truncf %dot_general3A_54 : vector<6400x128xf32> to vector<6400x128xbf16>
    %add3A_56 = arith.addf %convert_element_type3A_49, %convert_element_type3A_55 : vector<6400x128xbf16>
    %reshape3A_57 = vector.shape_cast %add3A_56 : vector<6400x128xbf16> to vector<32x200x128xbf16>
    %get3A_58 = arith.constant 0 : index
    %get3A_59 = arith.constant 128 : index
    %get3A_60 = vector.load %arg7[%get3A_58, %get3A_59] : memref<128x144xbf16, #tpu.memory_space<vmem>>, vector<128x16xbf16>
    %dot_general3A_61 = arith.constant dense<0.000000e+00> : vector<6400x16xf32>
    %dot_general3A_62 = tpu.matmul %reshape3A_36, %get3A_60, %dot_general3A_61 {dimension_numbers = #tpu.dot_dimension_numbers<[1], [0], [0], [1], [0, 0, 1, 1], [], []>, transpose_lhs_hint = false} : vector<6400x128xbf16>, vector<128x16xbf16>, vector<6400x16xf32> -> vector<6400x16xf32>
    %convert_element_type3A_63 = arith.truncf %dot_general3A_62 : vector<6400x16xf32> to vector<6400x16xbf16>
    %get3A_64 = arith.constant 0 : index
    %get3A_65 = arith.constant 128 : index
    %get3A_66 = vector.load %arg8[%get3A_64, %get3A_65] : memref<16x144xbf16, #tpu.memory_space<vmem>>, vector<16x16xbf16>
    %dot_general3A_67 = arith.constant dense<0.000000e+00> : vector<6400x16xf32>
    %dot_general3A_68 = tpu.matmul %reshape3A_37, %get3A_66, %dot_general3A_67 {dimension_numbers = #tpu.dot_dimension_numbers<[1], [0], [0], [1], [0, 0, 1, 1], [], []>, transpose_lhs_hint = false} : vector<6400x16xbf16>, vector<16x16xbf16>, vector<6400x16xf32> -> vector<6400x16xf32>
    %convert_element_type3A_69 = arith.truncf %dot_general3A_68 : vector<6400x16xf32> to vector<6400x16xbf16>
    %add3A_70 = arith.addf %convert_element_type3A_63, %convert_element_type3A_69 : vector<6400x16xbf16>
    %reshape3A_71 = vector.shape_cast %add3A_70 : vector<6400x16xbf16> to vector<32x200x16xbf16>
    %slice3A = vector.extract_strided_slice %convert_element_type3A_43 {offsets = [0, 0], sizes = [200, 128], strides = [1, 1]} : vector<200x144xbf16> to vector<200x128xbf16>
    %broadcast_in_dim3A = vector.shape_cast %slice3A : vector<200x128xbf16> to vector<1x200x128xbf16>
    %add3A_72 = vector.broadcast %broadcast_in_dim3A : vector<1x200x128xbf16> to vector<32x200x128xbf16>
    %add3A_73 = arith.addf %reshape3A_57, %add3A_72 : vector<32x200x128xbf16>
    %get3A_74 = arith.constant 0 : index
    %get3A_75 = arith.constant 0 : index
    %get3A_76 = vector.load %arg12[%get3A_74, %get3A_75] : memref<1x144xbf16, #tpu.memory_space<vmem>>, vector<1x128xbf16>
    %broadcast_in_dim3A_77 = vector.shape_cast %get3A_76 : vector<1x128xbf16> to vector<1x1x128xbf16>
    %add3A_78 = vector.broadcast %broadcast_in_dim3A_77 : vector<1x1x128xbf16> to vector<32x200x128xbf16>
    %add3A_79 = arith.addf %add3A_73, %add3A_78 : vector<32x200x128xbf16>
    %logistic3A_80 = arith.negf %add3A_79 : vector<32x200x128xbf16>
    %logistic3A_81 = math.exp %logistic3A_80 : vector<32x200x128xbf16>
    %logistic3A_82 = arith.constant 1.000000e+00 : bf16
    %logistic3A_83 = vector.broadcast %logistic3A_82 : bf16 to vector<32x200x128xbf16>
    %logistic3A_84 = arith.addf %logistic3A_83, %logistic3A_81 : vector<32x200x128xbf16>
    %logistic3A_85 = arith.divf %logistic3A_83, %logistic3A_84 : vector<32x200x128xbf16>
    %mul3A_86 = arith.mulf %add3A_79, %logistic3A_85 : vector<32x200x128xbf16>
    %slice3A_87 = vector.extract_strided_slice %convert_element_type3A_43 {offsets = [0, 128], sizes = [200, 16], strides = [1, 1]} : vector<200x144xbf16> to vector<200x16xbf16>
    %broadcast_in_dim3A_88 = vector.shape_cast %slice3A_87 : vector<200x16xbf16> to vector<1x200x16xbf16>
    %add3A_89 = vector.broadcast %broadcast_in_dim3A_88 : vector<1x200x16xbf16> to vector<32x200x16xbf16>
    %add3A_90 = arith.addf %reshape3A_71, %add3A_89 : vector<32x200x16xbf16>
    %get3A_91 = arith.constant 0 : index
    %get3A_92 = arith.constant 128 : index
    %get3A_93 = vector.load %arg12[%get3A_91, %get3A_92] : memref<1x144xbf16, #tpu.memory_space<vmem>>, vector<1x16xbf16>
    %broadcast_in_dim3A_94 = vector.shape_cast %get3A_93 : vector<1x16xbf16> to vector<1x1x16xbf16>
    %add3A_95 = vector.broadcast %broadcast_in_dim3A_94 : vector<1x1x16xbf16> to vector<32x200x16xbf16>
    %add3A_96 = arith.addf %add3A_90, %add3A_95 : vector<32x200x16xbf16>
    %logistic3A_97 = arith.negf %add3A_96 : vector<32x200x16xbf16>
    %logistic3A_98 = math.exp %logistic3A_97 : vector<32x200x16xbf16>
    %logistic3A_99 = arith.constant 1.000000e+00 : bf16
    %logistic3A_100 = vector.broadcast %logistic3A_99 : bf16 to vector<32x200x16xbf16>
    %logistic3A_101 = arith.addf %logistic3A_100, %logistic3A_98 : vector<32x200x16xbf16>
    %logistic3A_102 = arith.divf %logistic3A_100, %logistic3A_101 : vector<32x200x16xbf16>
    %mul3A_103 = arith.mulf %add3A_96, %logistic3A_102 : vector<32x200x16xbf16>
    %get3A_104 = arith.constant 0 : index
    %get3A_105 = arith.constant 0 : index
    %get3A_106 = vector.load %arg17[%get3A_104, %get3A_105] : memref<1x16xf32, #tpu.memory_space<vmem>>, vector<1x16xf32>
    %broadcast_in_dim3A_107 = vector.shape_cast %get3A_106 : vector<1x16xf32> to vector<1x1x16xf32>
    %convert_element_type3A_108 = arith.extf %mul3A_103 : vector<32x200x16xbf16> to vector<32x200x16xf32>
    %mul3A_109 = vector.broadcast %broadcast_in_dim3A_107 : vector<1x1x16xf32> to vector<32x200x16xf32>
    %mul3A_110 = arith.mulf %mul3A_109, %convert_element_type3A_108 : vector<32x200x16xf32>
    %add3A_111 = arith.addf %get3A_10, %mul3A_110 : vector<32x200x16xf32>
    %swap3A = arith.constant 0 : index
    %swap3A_112 = arith.constant 0 : index
    %swap3A_113 = arith.constant 0 : index
    %swap3A_114 = vector.load %arg19[%swap3A, %swap3A_112, %swap3A_113] : memref<32x200x16xf32, #tpu.memory_space<vmem>>, vector<32x200x16xf32>
    tpu.vector_store %arg19[%swap3A, %swap3A_112, %swap3A_113], %add3A_111 {strides = array<i32>} : memref<32x200x16xf32, #tpu.memory_space<vmem>>, vector<32x200x16xf32>,
    %broadcast_in_dim3A_115 = arith.constant 0.000000e+00 : bf16
    %broadcast_in_dim3A_116 = vector.broadcast %broadcast_in_dim3A_115 : bf16 to vector<200x128xbf16>
    %slice3A_117 = vector.extract_strided_slice %mul3A_86 {offsets = [0, 0, 0], sizes = [1, 200, 128], strides = [1, 1, 1]} : vector<32x200x128xbf16> to vector<1x200x128xbf16>
    %squeeze3A = vector.shape_cast %slice3A_117 : vector<1x200x128xbf16> to vector<200x128xbf16>
    %slice3A_118 = vector.extract_strided_slice %reshape3A_21 {offsets = [0, 0, 384], sizes = [1, 200, 128], strides = [1, 1, 1]} : vector<32x200x512xbf16> to vector<1x200x128xbf16>
    %squeeze3A_119 = vector.shape_cast %slice3A_118 : vector<1x200x128xbf16> to vector<200x128xbf16>
    %mul3A_120 = arith.mulf %squeeze3A, %squeeze3A_119 : vector<200x128xbf16>
    %add3A_121 = arith.addf %broadcast_in_dim3A_116, %mul3A_120 : vector<200x128xbf16>
    %slice3A_122 = vector.extract_strided_slice %mul3A_86 {offsets = [1, 0, 0], sizes = [1, 200, 128], strides = [1, 1, 1]} : vector<32x200x128xbf16> to vector<1x200x128xbf16>
    %squeeze3A_123 = vector.shape_cast %slice3A_122 : vector<1x200x128xbf16> to vector<200x128xbf16>
    %slice3A_124 = vector.extract_strided_slice %reshape3A_21 {offsets = [1, 0, 384], sizes = [1, 200, 128], strides = [1, 1, 1]} : vector<32x200x512xbf16> to vector<1x200x128xbf16>
    %squeeze3A_125 = vector.shape_cast %slice3A_124 : vector<1x200x128xbf16> to vector<200x128xbf16>
    %mul3A_126 = arith.mulf %squeeze3A_123, %squeeze3A_125 : vector<200x128xbf16>
    %add3A_127 = arith.addf %add3A_121, %mul3A_126 : vector<200x128xbf16>
    %slice3A_128 = vector.extract_strided_slice %mul3A_86 {offsets = [2, 0, 0], sizes = [1, 200, 128], strides = [1, 1, 1]} : vector<32x200x128xbf16> to vector<1x200x128xbf16>
    %squeeze3A_129 = vector.shape_cast %slice3A_128 : vector<1x200x128xbf16> to vector<200x128xbf16>
    %slice3A_130 = vector.extract_strided_slice %reshape3A_21 {offsets = [2, 0, 384], sizes = [1, 200, 128], strides = [1, 1, 1]} : vector<32x200x512xbf16> to vector<1x200x128xbf16>
    %squeeze3A_131 = vector.shape_cast %slice3A_130 : vector<1x200x128xbf16> to vector<200x128xbf16>
    %mul3A_132 = arith.mulf %squeeze3A_129, %squeeze3A_131 : vector<200x128xbf16>
    %add3A_133 = arith.addf %add3A_127, %mul3A_132 : vector<200x128xbf16>
    %slice3A_134 = vector.extract_strided_slice %mul3A_86 {offsets = [3, 0, 0], sizes = [1, 200, 128], strides = [1, 1, 1]} : vector<32x200x128xbf16> to vector<1x200x128xbf16>
    %squeeze3A_135 = vector.shape_cast %slice3A_134 : vector<1x200x128xbf16> to vector<200x128xbf16>
    %slice3A_136 = vector.extract_strided_slice %reshape3A_21 {offsets = [3, 0, 384], sizes = [1, 200, 128], strides = [1, 1, 1]} : vector<32x200x512xbf16> to vector<1x200x128xbf16>
    %squeeze3A_137 = vector.shape_cast %slice3A_136 : vector<1x200x128xbf16> to vector<200x128xbf16>
    %mul3A_138 = arith.mulf %squeeze3A_135, %squeeze3A_137 : vector<200x128xbf16>
    %add3A_139 = arith.addf %add3A_133, %mul3A_138 : vector<200x128xbf16>
    %slice3A_140 = vector.extract_strided_slice %mul3A_86 {offsets = [4, 0, 0], sizes = [1, 200, 128], strides = [1, 1, 1]} : vector<32x200x128xbf16> to vector<1x200x128xbf16>
    %squeeze3A_141 = vector.shape_cast %slice3A_140 : vector<1x200x128xbf16> to vector<200x128xbf16>
    %slice3A_142 = vector.extract_strided_slice %reshape3A_21 {offsets = [4, 0, 384], sizes = [1, 200, 128], strides = [1, 1, 1]} : vector<32x200x512xbf16> to vector<1x200x128xbf16>
    %squeeze3A_143 = vector.shape_cast %slice3A_142 : vector<1x200x128xbf16> to vector<200x128xbf16>
    %mul3A_144 = arith.mulf %squeeze3A_141, %squeeze3A_143 : vector<200x128xbf16>
    %add3A_145 = arith.addf %add3A_139, %mul3A_144 : vector<200x128xbf16>
    %slice3A_146 = vector.extract_strided_slice %mul3A_86 {offsets = [5, 0, 0], sizes = [1, 200, 128], strides = [1, 1, 1]} : vector<32x200x128xbf16> to vector<1x200x128xbf16>
    %squeeze3A_147 = vector.shape_cast %slice3A_146 : vector<1x200x128xbf16> to vector<200x128xbf16>
    %slice3A_148 = vector.extract_strided_slice %reshape3A_21 {offsets = [5, 0, 384], sizes = [1, 200, 128], strides = [1, 1, 1]} : vector<32x200x512xbf16> to vector<1x200x128xbf16>
    %squeeze3A_149 = vector.shape_cast %slice3A_148 : vector<1x200x128xbf16> to vector<200x128xbf16>
    %mul3A_150 = arith.mulf %squeeze3A_147, %squeeze3A_149 : vector<200x128xbf16>
    %add3A_151 = arith.addf %add3A_145, %mul3A_150 : vector<200x128xbf16>
    %slice3A_152 = vector.extract_strided_slice %mul3A_86 {offsets = [6, 0, 0], sizes = [1, 200, 128], strides = [1, 1, 1]} : vector<32x200x128xbf16> to vector<1x200x128xbf16>
    %squeeze3A_153 = vector.shape_cast %slice3A_152 : vector<1x200x128xbf16> to vector<200x128xbf16>
    %slice3A_154 = vector.extract_strided_slice %reshape3A_21 {offsets = [6, 0, 384], sizes = [1, 200, 128], strides = [1, 1, 1]} : vector<32x200x512xbf16> to vector<1x200x128xbf16>
    %squeeze3A_155 = vector.shape_cast %slice3A_154 : vector<1x200x128xbf16> to vector<200x128xbf16>
    %mul3A_156 = arith.mulf %squeeze3A_153, %squeeze3A_155 : vector<200x128xbf16>
    %add3A_157 = arith.addf %add3A_151, %mul3A_156 : vector<200x128xbf16>
    %slice3A_158 = vector.extract_strided_slice %mul3A_86 {offsets = [7, 0, 0], sizes = [1, 200, 128], strides = [1, 1, 1]} : vector<32x200x128xbf16> to vector<1x200x128xbf16>
    %squeeze3A_159 = vector.shape_cast %slice3A_158 : vector<1x200x128xbf16> to vector<200x128xbf16>
    %slice3A_160 = vector.extract_strided_slice %reshape3A_21 {offsets = [7, 0, 384], sizes = [1, 200, 128], strides = [1, 1, 1]} : vector<32x200x512xbf16> to vector<1x200x128xbf16>
    %squeeze3A_161 = vector.shape_cast %slice3A_160 : vector<1x200x128xbf16> to vector<200x128xbf16>
    %mul3A_162 = arith.mulf %squeeze3A_159, %squeeze3A_161 : vector<200x128xbf16>
    %add3A_163 = arith.addf %add3A_157, %mul3A_162 : vector<200x128xbf16>
    %slice3A_164 = vector.extract_strided_slice %mul3A_86 {offsets = [8, 0, 0], sizes = [1, 200, 128], strides = [1, 1, 1]} : vector<32x200x128xbf16> to vector<1x200x128xbf16>
    %squeeze3A_165 = vector.shape_cast %slice3A_164 : vector<1x200x128xbf16> to vector<200x128xbf16>
    %slice3A_166 = vector.extract_strided_slice %reshape3A_21 {offsets = [8, 0, 384], sizes = [1, 200, 128], strides = [1, 1, 1]} : vector<32x200x512xbf16> to vector<1x200x128xbf16>
    %squeeze3A_167 = vector.shape_cast %slice3A_166 : vector<1x200x128xbf16> to vector<200x128xbf16>
    %mul3A_168 = arith.mulf %squeeze3A_165, %squeeze3A_167 : vector<200x128xbf16>
    %add3A_169 = arith.addf %add3A_163, %mul3A_168 : vector<200x128xbf16>
    %slice3A_170 = vector.extract_strided_slice %mul3A_86 {offsets = [9, 0, 0], sizes = [1, 200, 128], strides = [1, 1, 1]} : vector<32x200x128xbf16> to vector<1x200x128xbf16>
    %squeeze3A_171 = vector.shape_cast %slice3A_170 : vector<1x200x128xbf16> to vector<200x128xbf16>
    %slice3A_172 = vector.extract_strided_slice %reshape3A_21 {offsets = [9, 0, 384], sizes = [1, 200, 128], strides = [1, 1, 1]} : vector<32x200x512xbf16> to vector<1x200x128xbf16>
    %squeeze3A_173 = vector.shape_cast %slice3A_172 : vector<1x200x128xbf16> to vector<200x128xbf16>
    %mul3A_174 = arith.mulf %squeeze3A_171, %squeeze3A_173 : vector<200x128xbf16>
    %add3A_175 = arith.addf %add3A_169, %mul3A_174 : vector<200x128xbf16>
    %slice3A_176 = vector.extract_strided_slice %mul3A_86 {offsets = [10, 0, 0], sizes = [1, 200, 128], strides = [1, 1, 1]} : vector<32x200x128xbf16> to vector<1x200x128xbf16>
    %squeeze3A_177 = vector.shape_cast %slice3A_176 : vector<1x200x128xbf16> to vector<200x128xbf16>
    %slice3A_178 = vector.extract_strided_slice %reshape3A_21 {offsets = [10, 0, 384], sizes = [1, 200, 128], strides = [1, 1, 1]} : vector<32x200x512xbf16> to vector<1x200x128xbf16>
    %squeeze3A_179 = vector.shape_cast %slice3A_178 : vector<1x200x128xbf16> to vector<200x128xbf16>
    %mul3A_180 = arith.mulf %squeeze3A_177, %squeeze3A_179 : vector<200x128xbf16>
    %add3A_181 = arith.addf %add3A_175, %mul3A_180 : vector<200x128xbf16>
    %slice3A_182 = vector.extract_strided_slice %mul3A_86 {offsets = [11, 0, 0], sizes = [1, 200, 128], strides = [1, 1, 1]} : vector<32x200x128xbf16> to vector<1x200x128xbf16>
    %squeeze3A_183 = vector.shape_cast %slice3A_182 : vector<1x200x128xbf16> to vector<200x128xbf16>
    %slice3A_184 = vector.extract_strided_slice %reshape3A_21 {offsets = [11, 0, 384], sizes = [1, 200, 128], strides = [1, 1, 1]} : vector<32x200x512xbf16> to vector<1x200x128xbf16>
    %squeeze3A_185 = vector.shape_cast %slice3A_184 : vector<1x200x128xbf16> to vector<200x128xbf16>
    %mul3A_186 = arith.mulf %squeeze3A_183, %squeeze3A_185 : vector<200x128xbf16>
    %add3A_187 = arith.addf %add3A_181, %mul3A_186 : vector<200x128xbf16>
    %slice3A_188 = vector.extract_strided_slice %mul3A_86 {offsets = [12, 0, 0], sizes = [1, 200, 128], strides = [1, 1, 1]} : vector<32x200x128xbf16> to vector<1x200x128xbf16>
    %squeeze3A_189 = vector.shape_cast %slice3A_188 : vector<1x200x128xbf16> to vector<200x128xbf16>
    %slice3A_190 = vector.extract_strided_slice %reshape3A_21 {offsets = [12, 0, 384], sizes = [1, 200, 128], strides = [1, 1, 1]} : vector<32x200x512xbf16> to vector<1x200x128xbf16>
    %squeeze3A_191 = vector.shape_cast %slice3A_190 : vector<1x200x128xbf16> to vector<200x128xbf16>
    %mul3A_192 = arith.mulf %squeeze3A_189, %squeeze3A_191 : vector<200x128xbf16>
    %add3A_193 = arith.addf %add3A_187, %mul3A_192 : vector<200x128xbf16>
    %slice3A_194 = vector.extract_strided_slice %mul3A_86 {offsets = [13, 0, 0], sizes = [1, 200, 128], strides = [1, 1, 1]} : vector<32x200x128xbf16> to vector<1x200x128xbf16>
    %squeeze3A_195 = vector.shape_cast %slice3A_194 : vector<1x200x128xbf16> to vector<200x128xbf16>
    %slice3A_196 = vector.extract_strided_slice %reshape3A_21 {offsets = [13, 0, 384], sizes = [1, 200, 128], strides = [1, 1, 1]} : vector<32x200x512xbf16> to vector<1x200x128xbf16>
    %squeeze3A_197 = vector.shape_cast %slice3A_196 : vector<1x200x128xbf16> to vector<200x128xbf16>
    %mul3A_198 = arith.mulf %squeeze3A_195, %squeeze3A_197 : vector<200x128xbf16>
    %add3A_199 = arith.addf %add3A_193, %mul3A_198 : vector<200x128xbf16>
    %slice3A_200 = vector.extract_strided_slice %mul3A_86 {offsets = [14, 0, 0], sizes = [1, 200, 128], strides = [1, 1, 1]} : vector<32x200x128xbf16> to vector<1x200x128xbf16>
    %squeeze3A_201 = vector.shape_cast %slice3A_200 : vector<1x200x128xbf16> to vector<200x128xbf16>
    %slice3A_202 = vector.extract_strided_slice %reshape3A_21 {offsets = [14, 0, 384], sizes = [1, 200, 128], strides = [1, 1, 1]} : vector<32x200x512xbf16> to vector<1x200x128xbf16>
    %squeeze3A_203 = vector.shape_cast %slice3A_202 : vector<1x200x128xbf16> to vector<200x128xbf16>
    %mul3A_204 = arith.mulf %squeeze3A_201, %squeeze3A_203 : vector<200x128xbf16>
    %add3A_205 = arith.addf %add3A_199, %mul3A_204 : vector<200x128xbf16>
    %slice3A_206 = vector.extract_strided_slice %mul3A_86 {offsets = [15, 0, 0], sizes = [1, 200, 128], strides = [1, 1, 1]} : vector<32x200x128xbf16> to vector<1x200x128xbf16>
    %squeeze3A_207 = vector.shape_cast %slice3A_206 : vector<1x200x128xbf16> to vector<200x128xbf16>
    %slice3A_208 = vector.extract_strided_slice %reshape3A_21 {offsets = [15, 0, 384], sizes = [1, 200, 128], strides = [1, 1, 1]} : vector<32x200x512xbf16> to vector<1x200x128xbf16>
    %squeeze3A_209 = vector.shape_cast %slice3A_208 : vector<1x200x128xbf16> to vector<200x128xbf16>
    %mul3A_210 = arith.mulf %squeeze3A_207, %squeeze3A_209 : vector<200x128xbf16>
    %add3A_211 = arith.addf %add3A_205, %mul3A_210 : vector<200x128xbf16>
    %slice3A_212 = vector.extract_strided_slice %mul3A_86 {offsets = [16, 0, 0], sizes = [1, 200, 128], strides = [1, 1, 1]} : vector<32x200x128xbf16> to vector<1x200x128xbf16>
    %squeeze3A_213 = vector.shape_cast %slice3A_212 : vector<1x200x128xbf16> to vector<200x128xbf16>
    %slice3A_214 = vector.extract_strided_slice %reshape3A_21 {offsets = [16, 0, 384], sizes = [1, 200, 128], strides = [1, 1, 1]} : vector<32x200x512xbf16> to vector<1x200x128xbf16>
    %squeeze3A_215 = vector.shape_cast %slice3A_214 : vector<1x200x128xbf16> to vector<200x128xbf16>
    %mul3A_216 = arith.mulf %squeeze3A_213, %squeeze3A_215 : vector<200x128xbf16>
    %add3A_217 = arith.addf %add3A_211, %mul3A_216 : vector<200x128xbf16>
    %slice3A_218 = vector.extract_strided_slice %mul3A_86 {offsets = [17, 0, 0], sizes = [1, 200, 128], strides = [1, 1, 1]} : vector<32x200x128xbf16> to vector<1x200x128xbf16>
    %squeeze3A_219 = vector.shape_cast %slice3A_218 : vector<1x200x128xbf16> to vector<200x128xbf16>
    %slice3A_220 = vector.extract_strided_slice %reshape3A_21 {offsets = [17, 0, 384], sizes = [1, 200, 128], strides = [1, 1, 1]} : vector<32x200x512xbf16> to vector<1x200x128xbf16>
    %squeeze3A_221 = vector.shape_cast %slice3A_220 : vector<1x200x128xbf16> to vector<200x128xbf16>
    %mul3A_222 = arith.mulf %squeeze3A_219, %squeeze3A_221 : vector<200x128xbf16>
    %add3A_223 = arith.addf %add3A_217, %mul3A_222 : vector<200x128xbf16>
    %slice3A_224 = vector.extract_strided_slice %mul3A_86 {offsets = [18, 0, 0], sizes = [1, 200, 128], strides = [1, 1, 1]} : vector<32x200x128xbf16> to vector<1x200x128xbf16>
    %squeeze3A_225 = vector.shape_cast %slice3A_224 : vector<1x200x128xbf16> to vector<200x128xbf16>
    %slice3A_226 = vector.extract_strided_slice %reshape3A_21 {offsets = [18, 0, 384], sizes = [1, 200, 128], strides = [1, 1, 1]} : vector<32x200x512xbf16> to vector<1x200x128xbf16>
    %squeeze3A_227 = vector.shape_cast %slice3A_226 : vector<1x200x128xbf16> to vector<200x128xbf16>
    %mul3A_228 = arith.mulf %squeeze3A_225, %squeeze3A_227 : vector<200x128xbf16>
    %add3A_229 = arith.addf %add3A_223, %mul3A_228 : vector<200x128xbf16>
    %slice3A_230 = vector.extract_strided_slice %mul3A_86 {offsets = [19, 0, 0], sizes = [1, 200, 128], strides = [1, 1, 1]} : vector<32x200x128xbf16> to vector<1x200x128xbf16>
    %squeeze3A_231 = vector.shape_cast %slice3A_230 : vector<1x200x128xbf16> to vector<200x128xbf16>
    %slice3A_232 = vector.extract_strided_slice %reshape3A_21 {offsets = [19, 0, 384], sizes = [1, 200, 128], strides = [1, 1, 1]} : vector<32x200x512xbf16> to vector<1x200x128xbf16>
    %squeeze3A_233 = vector.shape_cast %slice3A_232 : vector<1x200x128xbf16> to vector<200x128xbf16>
    %mul3A_234 = arith.mulf %squeeze3A_231, %squeeze3A_233 : vector<200x128xbf16>
    %add3A_235 = arith.addf %add3A_229, %mul3A_234 : vector<200x128xbf16>
    %slice3A_236 = vector.extract_strided_slice %mul3A_86 {offsets = [20, 0, 0], sizes = [1, 200, 128], strides = [1, 1, 1]} : vector<32x200x128xbf16> to vector<1x200x128xbf16>
    %squeeze3A_237 = vector.shape_cast %slice3A_236 : vector<1x200x128xbf16> to vector<200x128xbf16>
    %slice3A_238 = vector.extract_strided_slice %reshape3A_21 {offsets = [20, 0, 384], sizes = [1, 200, 128], strides = [1, 1, 1]} : vector<32x200x512xbf16> to vector<1x200x128xbf16>
    %squeeze3A_239 = vector.shape_cast %slice3A_238 : vector<1x200x128xbf16> to vector<200x128xbf16>
    %mul3A_240 = arith.mulf %squeeze3A_237, %squeeze3A_239 : vector<200x128xbf16>
    %add3A_241 = arith.addf %add3A_235, %mul3A_240 : vector<200x128xbf16>
    %slice3A_242 = vector.extract_strided_slice %mul3A_86 {offsets = [21, 0, 0], sizes = [1, 200, 128], strides = [1, 1, 1]} : vector<32x200x128xbf16> to vector<1x200x128xbf16>
    %squeeze3A_243 = vector.shape_cast %slice3A_242 : vector<1x200x128xbf16> to vector<200x128xbf16>
    %slice3A_244 = vector.extract_strided_slice %reshape3A_21 {offsets = [21, 0, 384], sizes = [1, 200, 128], strides = [1, 1, 1]} : vector<32x200x512xbf16> to vector<1x200x128xbf16>
    %squeeze3A_245 = vector.shape_cast %slice3A_244 : vector<1x200x128xbf16> to vector<200x128xbf16>
    %mul3A_246 = arith.mulf %squeeze3A_243, %squeeze3A_245 : vector<200x128xbf16>
    %add3A_247 = arith.addf %add3A_241, %mul3A_246 : vector<200x128xbf16>
    %slice3A_248 = vector.extract_strided_slice %mul3A_86 {offsets = [22, 0, 0], sizes = [1, 200, 128], strides = [1, 1, 1]} : vector<32x200x128xbf16> to vector<1x200x128xbf16>
    %squeeze3A_249 = vector.shape_cast %slice3A_248 : vector<1x200x128xbf16> to vector<200x128xbf16>
    %slice3A_250 = vector.extract_strided_slice %reshape3A_21 {offsets = [22, 0, 384], sizes = [1, 200, 128], strides = [1, 1, 1]} : vector<32x200x512xbf16> to vector<1x200x128xbf16>
    %squeeze3A_251 = vector.shape_cast %slice3A_250 : vector<1x200x128xbf16> to vector<200x128xbf16>
    %mul3A_252 = arith.mulf %squeeze3A_249, %squeeze3A_251 : vector<200x128xbf16>
    %add3A_253 = arith.addf %add3A_247, %mul3A_252 : vector<200x128xbf16>
    %slice3A_254 = vector.extract_strided_slice %mul3A_86 {offsets = [23, 0, 0], sizes = [1, 200, 128], strides = [1, 1, 1]} : vector<32x200x128xbf16> to vector<1x200x128xbf16>
    %squeeze3A_255 = vector.shape_cast %slice3A_254 : vector<1x200x128xbf16> to vector<200x128xbf16>
    %slice3A_256 = vector.extract_strided_slice %reshape3A_21 {offsets = [23, 0, 384], sizes = [1, 200, 128], strides = [1, 1, 1]} : vector<32x200x512xbf16> to vector<1x200x128xbf16>
    %squeeze3A_257 = vector.shape_cast %slice3A_256 : vector<1x200x128xbf16> to vector<200x128xbf16>
    %mul3A_258 = arith.mulf %squeeze3A_255, %squeeze3A_257 : vector<200x128xbf16>
    %add3A_259 = arith.addf %add3A_253, %mul3A_258 : vector<200x128xbf16>
    %slice3A_260 = vector.extract_strided_slice %mul3A_86 {offsets = [24, 0, 0], sizes = [1, 200, 128], strides = [1, 1, 1]} : vector<32x200x128xbf16> to vector<1x200x128xbf16>
    %squeeze3A_261 = vector.shape_cast %slice3A_260 : vector<1x200x128xbf16> to vector<200x128xbf16>
    %slice3A_262 = vector.extract_strided_slice %reshape3A_21 {offsets = [24, 0, 384], sizes = [1, 200, 128], strides = [1, 1, 1]} : vector<32x200x512xbf16> to vector<1x200x128xbf16>
    %squeeze3A_263 = vector.shape_cast %slice3A_262 : vector<1x200x128xbf16> to vector<200x128xbf16>
    %mul3A_264 = arith.mulf %squeeze3A_261, %squeeze3A_263 : vector<200x128xbf16>
    %add3A_265 = arith.addf %add3A_259, %mul3A_264 : vector<200x128xbf16>
    %slice3A_266 = vector.extract_strided_slice %mul3A_86 {offsets = [25, 0, 0], sizes = [1, 200, 128], strides = [1, 1, 1]} : vector<32x200x128xbf16> to vector<1x200x128xbf16>
    %squeeze3A_267 = vector.shape_cast %slice3A_266 : vector<1x200x128xbf16> to vector<200x128xbf16>
    %slice3A_268 = vector.extract_strided_slice %reshape3A_21 {offsets = [25, 0, 384], sizes = [1, 200, 128], strides = [1, 1, 1]} : vector<32x200x512xbf16> to vector<1x200x128xbf16>
    %squeeze3A_269 = vector.shape_cast %slice3A_268 : vector<1x200x128xbf16> to vector<200x128xbf16>
    %mul3A_270 = arith.mulf %squeeze3A_267, %squeeze3A_269 : vector<200x128xbf16>
    %add3A_271 = arith.addf %add3A_265, %mul3A_270 : vector<200x128xbf16>
    %slice3A_272 = vector.extract_strided_slice %mul3A_86 {offsets = [26, 0, 0], sizes = [1, 200, 128], strides = [1, 1, 1]} : vector<32x200x128xbf16> to vector<1x200x128xbf16>
    %squeeze3A_273 = vector.shape_cast %slice3A_272 : vector<1x200x128xbf16> to vector<200x128xbf16>
    %slice3A_274 = vector.extract_strided_slice %reshape3A_21 {offsets = [26, 0, 384], sizes = [1, 200, 128], strides = [1, 1, 1]} : vector<32x200x512xbf16> to vector<1x200x128xbf16>
    %squeeze3A_275 = vector.shape_cast %slice3A_274 : vector<1x200x128xbf16> to vector<200x128xbf16>
    %mul3A_276 = arith.mulf %squeeze3A_273, %squeeze3A_275 : vector<200x128xbf16>
    %add3A_277 = arith.addf %add3A_271, %mul3A_276 : vector<200x128xbf16>
    %slice3A_278 = vector.extract_strided_slice %mul3A_86 {offsets = [27, 0, 0], sizes = [1, 200, 128], strides = [1, 1, 1]} : vector<32x200x128xbf16> to vector<1x200x128xbf16>
    %squeeze3A_279 = vector.shape_cast %slice3A_278 : vector<1x200x128xbf16> to vector<200x128xbf16>
    %slice3A_280 = vector.extract_strided_slice %reshape3A_21 {offsets = [27, 0, 384], sizes = [1, 200, 128], strides = [1, 1, 1]} : vector<32x200x512xbf16> to vector<1x200x128xbf16>
    %squeeze3A_281 = vector.shape_cast %slice3A_280 : vector<1x200x128xbf16> to vector<200x128xbf16>
    %mul3A_282 = arith.mulf %squeeze3A_279, %squeeze3A_281 : vector<200x128xbf16>
    %add3A_283 = arith.addf %add3A_277, %mul3A_282 : vector<200x128xbf16>
    %slice3A_284 = vector.extract_strided_slice %mul3A_86 {offsets = [28, 0, 0], sizes = [1, 200, 128], strides = [1, 1, 1]} : vector<32x200x128xbf16> to vector<1x200x128xbf16>
    %squeeze3A_285 = vector.shape_cast %slice3A_284 : vector<1x200x128xbf16> to vector<200x128xbf16>
    %slice3A_286 = vector.extract_strided_slice %reshape3A_21 {offsets = [28, 0, 384], sizes = [1, 200, 128], strides = [1, 1, 1]} : vector<32x200x512xbf16> to vector<1x200x128xbf16>
    %squeeze3A_287 = vector.shape_cast %slice3A_286 : vector<1x200x128xbf16> to vector<200x128xbf16>
    %mul3A_288 = arith.mulf %squeeze3A_285, %squeeze3A_287 : vector<200x128xbf16>
    %add3A_289 = arith.addf %add3A_283, %mul3A_288 : vector<200x128xbf16>
    %slice3A_290 = vector.extract_strided_slice %mul3A_86 {offsets = [29, 0, 0], sizes = [1, 200, 128], strides = [1, 1, 1]} : vector<32x200x128xbf16> to vector<1x200x128xbf16>
    %squeeze3A_291 = vector.shape_cast %slice3A_290 : vector<1x200x128xbf16> to vector<200x128xbf16>
    %slice3A_292 = vector.extract_strided_slice %reshape3A_21 {offsets = [29, 0, 384], sizes = [1, 200, 128], strides = [1, 1, 1]} : vector<32x200x512xbf16> to vector<1x200x128xbf16>
    %squeeze3A_293 = vector.shape_cast %slice3A_292 : vector<1x200x128xbf16> to vector<200x128xbf16>
    %mul3A_294 = arith.mulf %squeeze3A_291, %squeeze3A_293 : vector<200x128xbf16>
    %add3A_295 = arith.addf %add3A_289, %mul3A_294 : vector<200x128xbf16>
    %slice3A_296 = vector.extract_strided_slice %mul3A_86 {offsets = [30, 0, 0], sizes = [1, 200, 128], strides = [1, 1, 1]} : vector<32x200x128xbf16> to vector<1x200x128xbf16>
    %squeeze3A_297 = vector.shape_cast %slice3A_296 : vector<1x200x128xbf16> to vector<200x128xbf16>
    %slice3A_298 = vector.extract_strided_slice %reshape3A_21 {offsets = [30, 0, 384], sizes = [1, 200, 128], strides = [1, 1, 1]} : vector<32x200x512xbf16> to vector<1x200x128xbf16>
    %squeeze3A_299 = vector.shape_cast %slice3A_298 : vector<1x200x128xbf16> to vector<200x128xbf16>
    %mul3A_300 = arith.mulf %squeeze3A_297, %squeeze3A_299 : vector<200x128xbf16>
    %add3A_301 = arith.addf %add3A_295, %mul3A_300 : vector<200x128xbf16>
    %slice3A_302 = vector.extract_strided_slice %mul3A_86 {offsets = [31, 0, 0], sizes = [1, 200, 128], strides = [1, 1, 1]} : vector<32x200x128xbf16> to vector<1x200x128xbf16>
    %squeeze3A_303 = vector.shape_cast %slice3A_302 : vector<1x200x128xbf16> to vector<200x128xbf16>
    %slice3A_304 = vector.extract_strided_slice %reshape3A_21 {offsets = [31, 0, 384], sizes = [1, 200, 128], strides = [1, 1, 1]} : vector<32x200x512xbf16> to vector<1x200x128xbf16>
    %squeeze3A_305 = vector.shape_cast %slice3A_304 : vector<1x200x128xbf16> to vector<200x128xbf16>
    %mul3A_306 = arith.mulf %squeeze3A_303, %squeeze3A_305 : vector<200x128xbf16>
    %add3A_307 = arith.addf %add3A_301, %mul3A_306 : vector<200x128xbf16>
    %mul3A_308 = arith.constant 3.125000e-02 : bf16
    %mul3A_309 = vector.broadcast %mul3A_308 : bf16 to vector<200x128xbf16>
    %mul3A_310 = arith.mulf %add3A_307, %mul3A_309 : vector<200x128xbf16>
    %broadcast_in_dim3A_311 = arith.constant 0.000000e+00 : bf16
    %broadcast_in_dim3A_312 = vector.broadcast %broadcast_in_dim3A_311 : bf16 to vector<200x128xbf16>
    %broadcast_in_dim3A_313 = arith.constant 0.000000e+00 : bf16
    %broadcast_in_dim3A_314 = vector.broadcast %broadcast_in_dim3A_313 : bf16 to vector<200x128xbf16>
    %broadcast_in_dim3A_315 = arith.constant 0.000000e+00 : bf16
    %broadcast_in_dim3A_316 = vector.broadcast %broadcast_in_dim3A_315 : bf16 to vector<200x128xbf16>
    %slice3A_317 = vector.extract_strided_slice %convert_element_type3A_6 {offsets = [0, 0, 0], sizes = [1, 200, 128], strides = [1, 1, 1]} : vector<32x200x128xbf16> to vector<1x200x128xbf16>
    %squeeze3A_318 = vector.shape_cast %slice3A_317 : vector<1x200x128xbf16> to vector<200x128xbf16>
    %slice3A_319 = vector.extract_strided_slice %reshape3A_21 {offsets = [0, 0, 0], sizes = [1, 200, 128], strides = [1, 1, 1]} : vector<32x200x512xbf16> to vector<1x200x128xbf16>
    %squeeze3A_320 = vector.shape_cast %slice3A_319 : vector<1x200x128xbf16> to vector<200x128xbf16>
    %mul3A_321 = arith.mulf %squeeze3A_318, %squeeze3A_320 : vector<200x128xbf16>
    %add3A_322 = arith.addf %broadcast_in_dim3A_312, %mul3A_321 : vector<200x128xbf16>
    %slice3A_323 = vector.extract_strided_slice %reshape3A_21 {offsets = [0, 0, 128], sizes = [1, 200, 128], strides = [1, 1, 1]} : vector<32x200x512xbf16> to vector<1x200x128xbf16>
    %squeeze3A_324 = vector.shape_cast %slice3A_323 : vector<1x200x128xbf16> to vector<200x128xbf16>
    %mul3A_325 = arith.mulf %squeeze3A_318, %squeeze3A_324 : vector<200x128xbf16>
    %add3A_326 = arith.addf %broadcast_in_dim3A_314, %mul3A_325 : vector<200x128xbf16>
    %slice3A_327 = vector.extract_strided_slice %reshape3A_21 {offsets = [0, 0, 256], sizes = [1, 200, 128], strides = [1, 1, 1]} : vector<32x200x512xbf16> to vector<1x200x128xbf16>
    %squeeze3A_328 = vector.shape_cast %slice3A_327 : vector<1x200x128xbf16> to vector<200x128xbf16>
    %mul3A_329 = arith.mulf %squeeze3A_318, %squeeze3A_328 : vector<200x128xbf16>
    %add3A_330 = arith.addf %broadcast_in_dim3A_316, %mul3A_329 : vector<200x128xbf16>
    %slice3A_331 = vector.extract_strided_slice %convert_element_type3A_6 {offsets = [1, 0, 0], sizes = [1, 200, 128], strides = [1, 1, 1]} : vector<32x200x128xbf16> to vector<1x200x128xbf16>
    %squeeze3A_332 = vector.shape_cast %slice3A_331 : vector<1x200x128xbf16> to vector<200x128xbf16>
    %slice3A_333 = vector.extract_strided_slice %reshape3A_21 {offsets = [1, 0, 0], sizes = [1, 200, 128], strides = [1, 1, 1]} : vector<32x200x512xbf16> to vector<1x200x128xbf16>
    %squeeze3A_334 = vector.shape_cast %slice3A_333 : vector<1x200x128xbf16> to vector<200x128xbf16>
    %mul3A_335 = arith.mulf %squeeze3A_332, %squeeze3A_334 : vector<200x128xbf16>
    %add3A_336 = arith.addf %add3A_322, %mul3A_335 : vector<200x128xbf16>
    %slice3A_337 = vector.extract_strided_slice %reshape3A_21 {offsets = [1, 0, 128], sizes = [1, 200, 128], strides = [1, 1, 1]} : vector<32x200x512xbf16> to vector<1x200x128xbf16>
    %squeeze3A_338 = vector.shape_cast %slice3A_337 : vector<1x200x128xbf16> to vector<200x128xbf16>
    %mul3A_339 = arith.mulf %squeeze3A_332, %squeeze3A_338 : vector<200x128xbf16>
    %add3A_340 = arith.addf %add3A_326, %mul3A_339 : vector<200x128xbf16>
    %slice3A_341 = vector.extract_strided_slice %reshape3A_21 {offsets = [1, 0, 256], sizes = [1, 200, 128], strides = [1, 1, 1]} : vector<32x200x512xbf16> to vector<1x200x128xbf16>
    %squeeze3A_342 = vector.shape_cast %slice3A_341 : vector<1x200x128xbf16> to vector<200x128xbf16>
    %mul3A_343 = arith.mulf %squeeze3A_332, %squeeze3A_342 : vector<200x128xbf16>
    %add3A_344 = arith.addf %add3A_330, %mul3A_343 : vector<200x128xbf16>
    %slice3A_345 = vector.extract_strided_slice %convert_element_type3A_6 {offsets = [2, 0, 0], sizes = [1, 200, 128], strides = [1, 1, 1]} : vector<32x200x128xbf16> to vector<1x200x128xbf16>
    %squeeze3A_346 = vector.shape_cast %slice3A_345 : vector<1x200x128xbf16> to vector<200x128xbf16>
    %slice3A_347 = vector.extract_strided_slice %reshape3A_21 {offsets = [2, 0, 0], sizes = [1, 200, 128], strides = [1, 1, 1]} : vector<32x200x512xbf16> to vector<1x200x128xbf16>
    %squeeze3A_348 = vector.shape_cast %slice3A_347 : vector<1x200x128xbf16> to vector<200x128xbf16>
    %mul3A_349 = arith.mulf %squeeze3A_346, %squeeze3A_348 : vector<200x128xbf16>
    %add3A_350 = arith.addf %add3A_336, %mul3A_349 : vector<200x128xbf16>
    %slice3A_351 = vector.extract_strided_slice %reshape3A_21 {offsets = [2, 0, 128], sizes = [1, 200, 128], strides = [1, 1, 1]} : vector<32x200x512xbf16> to vector<1x200x128xbf16>
    %squeeze3A_352 = vector.shape_cast %slice3A_351 : vector<1x200x128xbf16> to vector<200x128xbf16>
    %mul3A_353 = arith.mulf %squeeze3A_346, %squeeze3A_352 : vector<200x128xbf16>
    %add3A_354 = arith.addf %add3A_340, %mul3A_353 : vector<200x128xbf16>
    %slice3A_355 = vector.extract_strided_slice %reshape3A_21 {offsets = [2, 0, 256], sizes = [1, 200, 128], strides = [1, 1, 1]} : vector<32x200x512xbf16> to vector<1x200x128xbf16>
    %squeeze3A_356 = vector.shape_cast %slice3A_355 : vector<1x200x128xbf16> to vector<200x128xbf16>
    %mul3A_357 = arith.mulf %squeeze3A_346, %squeeze3A_356 : vector<200x128xbf16>
    %add3A_358 = arith.addf %add3A_344, %mul3A_357 : vector<200x128xbf16>
    %slice3A_359 = vector.extract_strided_slice %convert_element_type3A_6 {offsets = [3, 0, 0], sizes = [1, 200, 128], strides = [1, 1, 1]} : vector<32x200x128xbf16> to vector<1x200x128xbf16>
    %squeeze3A_360 = vector.shape_cast %slice3A_359 : vector<1x200x128xbf16> to vector<200x128xbf16>
    %slice3A_361 = vector.extract_strided_slice %reshape3A_21 {offsets = [3, 0, 0], sizes = [1, 200, 128], strides = [1, 1, 1]} : vector<32x200x512xbf16> to vector<1x200x128xbf16>
    %squeeze3A_362 = vector.shape_cast %slice3A_361 : vector<1x200x128xbf16> to vector<200x128xbf16>
    %mul3A_363 = arith.mulf %squeeze3A_360, %squeeze3A_362 : vector<200x128xbf16>
    %add3A_364 = arith.addf %add3A_350, %mul3A_363 : vector<200x128xbf16>
    %slice3A_365 = vector.extract_strided_slice %reshape3A_21 {offsets = [3, 0, 128], sizes = [1, 200, 128], strides = [1, 1, 1]} : vector<32x200x512xbf16> to vector<1x200x128xbf16>
    %squeeze3A_366 = vector.shape_cast %slice3A_365 : vector<1x200x128xbf16> to vector<200x128xbf16>
    %mul3A_367 = arith.mulf %squeeze3A_360, %squeeze3A_366 : vector<200x128xbf16>
    %add3A_368 = arith.addf %add3A_354, %mul3A_367 : vector<200x128xbf16>
    %slice3A_369 = vector.extract_strided_slice %reshape3A_21 {offsets = [3, 0, 256], sizes = [1, 200, 128], strides = [1, 1, 1]} : vector<32x200x512xbf16> to vector<1x200x128xbf16>
    %squeeze3A_370 = vector.shape_cast %slice3A_369 : vector<1x200x128xbf16> to vector<200x128xbf16>
    %mul3A_371 = arith.mulf %squeeze3A_360, %squeeze3A_370 : vector<200x128xbf16>
    %add3A_372 = arith.addf %add3A_358, %mul3A_371 : vector<200x128xbf16>
    %slice3A_373 = vector.extract_strided_slice %convert_element_type3A_6 {offsets = [4, 0, 0], sizes = [1, 200, 128], strides = [1, 1, 1]} : vector<32x200x128xbf16> to vector<1x200x128xbf16>
    %squeeze3A_374 = vector.shape_cast %slice3A_373 : vector<1x200x128xbf16> to vector<200x128xbf16>
    %slice3A_375 = vector.extract_strided_slice %reshape3A_21 {offsets = [4, 0, 0], sizes = [1, 200, 128], strides = [1, 1, 1]} : vector<32x200x512xbf16> to vector<1x200x128xbf16>
    %squeeze3A_376 = vector.shape_cast %slice3A_375 : vector<1x200x128xbf16> to vector<200x128xbf16>
    %mul3A_377 = arith.mulf %squeeze3A_374, %squeeze3A_376 : vector<200x128xbf16>
    %add3A_378 = arith.addf %add3A_364, %mul3A_377 : vector<200x128xbf16>
    %slice3A_379 = vector.extract_strided_slice %reshape3A_21 {offsets = [4, 0, 128], sizes = [1, 200, 128], strides = [1, 1, 1]} : vector<32x200x512xbf16> to vector<1x200x128xbf16>
    %squeeze3A_380 = vector.shape_cast %slice3A_379 : vector<1x200x128xbf16> to vector<200x128xbf16>
    %mul3A_381 = arith.mulf %squeeze3A_374, %squeeze3A_380 : vector<200x128xbf16>
    %add3A_382 = arith.addf %add3A_368, %mul3A_381 : vector<200x128xbf16>
    %slice3A_383 = vector.extract_strided_slice %reshape3A_21 {offsets = [4, 0, 256], sizes = [1, 200, 128], strides = [1, 1, 1]} : vector<32x200x512xbf16> to vector<1x200x128xbf16>
    %squeeze3A_384 = vector.shape_cast %slice3A_383 : vector<1x200x128xbf16> to vector<200x128xbf16>
    %mul3A_385 = arith.mulf %squeeze3A_374, %squeeze3A_384 : vector<200x128xbf16>
    %add3A_386 = arith.addf %add3A_372, %mul3A_385 : vector<200x128xbf16>
    %slice3A_387 = vector.extract_strided_slice %convert_element_type3A_6 {offsets = [5, 0, 0], sizes = [1, 200, 128], strides = [1, 1, 1]} : vector<32x200x128xbf16> to vector<1x200x128xbf16>
    %squeeze3A_388 = vector.shape_cast %slice3A_387 : vector<1x200x128xbf16> to vector<200x128xbf16>
    %slice3A_389 = vector.extract_strided_slice %reshape3A_21 {offsets = [5, 0, 0], sizes = [1, 200, 128], strides = [1, 1, 1]} : vector<32x200x512xbf16> to vector<1x200x128xbf16>
    %squeeze3A_390 = vector.shape_cast %slice3A_389 : vector<1x200x128xbf16> to vector<200x128xbf16>
    %mul3A_391 = arith.mulf %squeeze3A_388, %squeeze3A_390 : vector<200x128xbf16>
    %add3A_392 = arith.addf %add3A_378, %mul3A_391 : vector<200x128xbf16>
    %slice3A_393 = vector.extract_strided_slice %reshape3A_21 {offsets = [5, 0, 128], sizes = [1, 200, 128], strides = [1, 1, 1]} : vector<32x200x512xbf16> to vector<1x200x128xbf16>
    %squeeze3A_394 = vector.shape_cast %slice3A_393 : vector<1x200x128xbf16> to vector<200x128xbf16>
    %mul3A_395 = arith.mulf %squeeze3A_388, %squeeze3A_394 : vector<200x128xbf16>
    %add3A_396 = arith.addf %add3A_382, %mul3A_395 : vector<200x128xbf16>
    %slice3A_397 = vector.extract_strided_slice %reshape3A_21 {offsets = [5, 0, 256], sizes = [1, 200, 128], strides = [1, 1, 1]} : vector<32x200x512xbf16> to vector<1x200x128xbf16>
    %squeeze3A_398 = vector.shape_cast %slice3A_397 : vector<1x200x128xbf16> to vector<200x128xbf16>
    %mul3A_399 = arith.mulf %squeeze3A_388, %squeeze3A_398 : vector<200x128xbf16>
    %add3A_400 = arith.addf %add3A_386, %mul3A_399 : vector<200x128xbf16>
    %slice3A_401 = vector.extract_strided_slice %convert_element_type3A_6 {offsets = [6, 0, 0], sizes = [1, 200, 128], strides = [1, 1, 1]} : vector<32x200x128xbf16> to vector<1x200x128xbf16>
    %squeeze3A_402 = vector.shape_cast %slice3A_401 : vector<1x200x128xbf16> to vector<200x128xbf16>
    %slice3A_403 = vector.extract_strided_slice %reshape3A_21 {offsets = [6, 0, 0], sizes = [1, 200, 128], strides = [1, 1, 1]} : vector<32x200x512xbf16> to vector<1x200x128xbf16>
    %squeeze3A_404 = vector.shape_cast %slice3A_403 : vector<1x200x128xbf16> to vector<200x128xbf16>
    %mul3A_405 = arith.mulf %squeeze3A_402, %squeeze3A_404 : vector<200x128xbf16>
    %add3A_406 = arith.addf %add3A_392, %mul3A_405 : vector<200x128xbf16>
    %slice3A_407 = vector.extract_strided_slice %reshape3A_21 {offsets = [6, 0, 128], sizes = [1, 200, 128], strides = [1, 1, 1]} : vector<32x200x512xbf16> to vector<1x200x128xbf16>
    %squeeze3A_408 = vector.shape_cast %slice3A_407 : vector<1x200x128xbf16> to vector<200x128xbf16>
    %mul3A_409 = arith.mulf %squeeze3A_402, %squeeze3A_408 : vector<200x128xbf16>
    %add3A_410 = arith.addf %add3A_396, %mul3A_409 : vector<200x128xbf16>
    %slice3A_411 = vector.extract_strided_slice %reshape3A_21 {offsets = [6, 0, 256], sizes = [1, 200, 128], strides = [1, 1, 1]} : vector<32x200x512xbf16> to vector<1x200x128xbf16>
    %squeeze3A_412 = vector.shape_cast %slice3A_411 : vector<1x200x128xbf16> to vector<200x128xbf16>
    %mul3A_413 = arith.mulf %squeeze3A_402, %squeeze3A_412 : vector<200x128xbf16>
    %add3A_414 = arith.addf %add3A_400, %mul3A_413 : vector<200x128xbf16>
    %slice3A_415 = vector.extract_strided_slice %convert_element_type3A_6 {offsets = [7, 0, 0], sizes = [1, 200, 128], strides = [1, 1, 1]} : vector<32x200x128xbf16> to vector<1x200x128xbf16>
    %squeeze3A_416 = vector.shape_cast %slice3A_415 : vector<1x200x128xbf16> to vector<200x128xbf16>
    %slice3A_417 = vector.extract_strided_slice %reshape3A_21 {offsets = [7, 0, 0], sizes = [1, 200, 128], strides = [1, 1, 1]} : vector<32x200x512xbf16> to vector<1x200x128xbf16>
    %squeeze3A_418 = vector.shape_cast %slice3A_417 : vector<1x200x128xbf16> to vector<200x128xbf16>
    %mul3A_419 = arith.mulf %squeeze3A_416, %squeeze3A_418 : vector<200x128xbf16>
    %add3A_420 = arith.addf %add3A_406, %mul3A_419 : vector<200x128xbf16>
    %slice3A_421 = vector.extract_strided_slice %reshape3A_21 {offsets = [7, 0, 128], sizes = [1, 200, 128], strides = [1, 1, 1]} : vector<32x200x512xbf16> to vector<1x200x128xbf16>
    %squeeze3A_422 = vector.shape_cast %slice3A_421 : vector<1x200x128xbf16> to vector<200x128xbf16>
    %mul3A_423 = arith.mulf %squeeze3A_416, %squeeze3A_422 : vector<200x128xbf16>
    %add3A_424 = arith.addf %add3A_410, %mul3A_423 : vector<200x128xbf16>
    %slice3A_425 = vector.extract_strided_slice %reshape3A_21 {offsets = [7, 0, 256], sizes = [1, 200, 128], strides = [1, 1, 1]} : vector<32x200x512xbf16> to vector<1x200x128xbf16>
    %squeeze3A_426 = vector.shape_cast %slice3A_425 : vector<1x200x128xbf16> to vector<200x128xbf16>
    %mul3A_427 = arith.mulf %squeeze3A_416, %squeeze3A_426 : vector<200x128xbf16>
    %add3A_428 = arith.addf %add3A_414, %mul3A_427 : vector<200x128xbf16>
    %slice3A_429 = vector.extract_strided_slice %convert_element_type3A_6 {offsets = [8, 0, 0], sizes = [1, 200, 128], strides = [1, 1, 1]} : vector<32x200x128xbf16> to vector<1x200x128xbf16>
    %squeeze3A_430 = vector.shape_cast %slice3A_429 : vector<1x200x128xbf16> to vector<200x128xbf16>
    %slice3A_431 = vector.extract_strided_slice %reshape3A_21 {offsets = [8, 0, 0], sizes = [1, 200, 128], strides = [1, 1, 1]} : vector<32x200x512xbf16> to vector<1x200x128xbf16>
    %squeeze3A_432 = vector.shape_cast %slice3A_431 : vector<1x200x128xbf16> to vector<200x128xbf16>
    %mul3A_433 = arith.mulf %squeeze3A_430, %squeeze3A_432 : vector<200x128xbf16>
    %add3A_434 = arith.addf %add3A_420, %mul3A_433 : vector<200x128xbf16>
    %slice3A_435 = vector.extract_strided_slice %reshape3A_21 {offsets = [8, 0, 128], sizes = [1, 200, 128], strides = [1, 1, 1]} : vector<32x200x512xbf16> to vector<1x200x128xbf16>
    %squeeze3A_436 = vector.shape_cast %slice3A_435 : vector<1x200x128xbf16> to vector<200x128xbf16>
    %mul3A_437 = arith.mulf %squeeze3A_430, %squeeze3A_436 : vector<200x128xbf16>
    %add3A_438 = arith.addf %add3A_424, %mul3A_437 : vector<200x128xbf16>
    %slice3A_439 = vector.extract_strided_slice %reshape3A_21 {offsets = [8, 0, 256], sizes = [1, 200, 128], strides = [1, 1, 1]} : vector<32x200x512xbf16> to vector<1x200x128xbf16>
    %squeeze3A_440 = vector.shape_cast %slice3A_439 : vector<1x200x128xbf16> to vector<200x128xbf16>
    %mul3A_441 = arith.mulf %squeeze3A_430, %squeeze3A_440 : vector<200x128xbf16>
    %add3A_442 = arith.addf %add3A_428, %mul3A_441 : vector<200x128xbf16>
    %slice3A_443 = vector.extract_strided_slice %convert_element_type3A_6 {offsets = [9, 0, 0], sizes = [1, 200, 128], strides = [1, 1, 1]} : vector<32x200x128xbf16> to vector<1x200x128xbf16>
    %squeeze3A_444 = vector.shape_cast %slice3A_443 : vector<1x200x128xbf16> to vector<200x128xbf16>
    %slice3A_445 = vector.extract_strided_slice %reshape3A_21 {offsets = [9, 0, 0], sizes = [1, 200, 128], strides = [1, 1, 1]} : vector<32x200x512xbf16> to vector<1x200x128xbf16>
    %squeeze3A_446 = vector.shape_cast %slice3A_445 : vector<1x200x128xbf16> to vector<200x128xbf16>
    %mul3A_447 = arith.mulf %squeeze3A_444, %squeeze3A_446 : vector<200x128xbf16>
    %add3A_448 = arith.addf %add3A_434, %mul3A_447 : vector<200x128xbf16>
    %slice3A_449 = vector.extract_strided_slice %reshape3A_21 {offsets = [9, 0, 128], sizes = [1, 200, 128], strides = [1, 1, 1]} : vector<32x200x512xbf16> to vector<1x200x128xbf16>
    %squeeze3A_450 = vector.shape_cast %slice3A_449 : vector<1x200x128xbf16> to vector<200x128xbf16>
    %mul3A_451 = arith.mulf %squeeze3A_444, %squeeze3A_450 : vector<200x128xbf16>
    %add3A_452 = arith.addf %add3A_438, %mul3A_451 : vector<200x128xbf16>
    %slice3A_453 = vector.extract_strided_slice %reshape3A_21 {offsets = [9, 0, 256], sizes = [1, 200, 128], strides = [1, 1, 1]} : vector<32x200x512xbf16> to vector<1x200x128xbf16>
    %squeeze3A_454 = vector.shape_cast %slice3A_453 : vector<1x200x128xbf16> to vector<200x128xbf16>
    %mul3A_455 = arith.mulf %squeeze3A_444, %squeeze3A_454 : vector<200x128xbf16>
    %add3A_456 = arith.addf %add3A_442, %mul3A_455 : vector<200x128xbf16>
    %slice3A_457 = vector.extract_strided_slice %convert_element_type3A_6 {offsets = [10, 0, 0], sizes = [1, 200, 128], strides = [1, 1, 1]} : vector<32x200x128xbf16> to vector<1x200x128xbf16>
    %squeeze3A_458 = vector.shape_cast %slice3A_457 : vector<1x200x128xbf16> to vector<200x128xbf16>
    %slice3A_459 = vector.extract_strided_slice %reshape3A_21 {offsets = [10, 0, 0], sizes = [1, 200, 128], strides = [1, 1, 1]} : vector<32x200x512xbf16> to vector<1x200x128xbf16>
    %squeeze3A_460 = vector.shape_cast %slice3A_459 : vector<1x200x128xbf16> to vector<200x128xbf16>
    %mul3A_461 = arith.mulf %squeeze3A_458, %squeeze3A_460 : vector<200x128xbf16>
    %add3A_462 = arith.addf %add3A_448, %mul3A_461 : vector<200x128xbf16>
    %slice3A_463 = vector.extract_strided_slice %reshape3A_21 {offsets = [10, 0, 128], sizes = [1, 200, 128], strides = [1, 1, 1]} : vector<32x200x512xbf16> to vector<1x200x128xbf16>
    %squeeze3A_464 = vector.shape_cast %slice3A_463 : vector<1x200x128xbf16> to vector<200x128xbf16>
    %mul3A_465 = arith.mulf %squeeze3A_458, %squeeze3A_464 : vector<200x128xbf16>
    %add3A_466 = arith.addf %add3A_452, %mul3A_465 : vector<200x128xbf16>
    %slice3A_467 = vector.extract_strided_slice %reshape3A_21 {offsets = [10, 0, 256], sizes = [1, 200, 128], strides = [1, 1, 1]} : vector<32x200x512xbf16> to vector<1x200x128xbf16>
    %squeeze3A_468 = vector.shape_cast %slice3A_467 : vector<1x200x128xbf16> to vector<200x128xbf16>
    %mul3A_469 = arith.mulf %squeeze3A_458, %squeeze3A_468 : vector<200x128xbf16>
    %add3A_470 = arith.addf %add3A_456, %mul3A_469 : vector<200x128xbf16>
    %slice3A_471 = vector.extract_strided_slice %convert_element_type3A_6 {offsets = [11, 0, 0], sizes = [1, 200, 128], strides = [1, 1, 1]} : vector<32x200x128xbf16> to vector<1x200x128xbf16>
    %squeeze3A_472 = vector.shape_cast %slice3A_471 : vector<1x200x128xbf16> to vector<200x128xbf16>
    %slice3A_473 = vector.extract_strided_slice %reshape3A_21 {offsets = [11, 0, 0], sizes = [1, 200, 128], strides = [1, 1, 1]} : vector<32x200x512xbf16> to vector<1x200x128xbf16>
    %squeeze3A_474 = vector.shape_cast %slice3A_473 : vector<1x200x128xbf16> to vector<200x128xbf16>
    %mul3A_475 = arith.mulf %squeeze3A_472, %squeeze3A_474 : vector<200x128xbf16>
    %add3A_476 = arith.addf %add3A_462, %mul3A_475 : vector<200x128xbf16>
    %slice3A_477 = vector.extract_strided_slice %reshape3A_21 {offsets = [11, 0, 128], sizes = [1, 200, 128], strides = [1, 1, 1]} : vector<32x200x512xbf16> to vector<1x200x128xbf16>
    %squeeze3A_478 = vector.shape_cast %slice3A_477 : vector<1x200x128xbf16> to vector<200x128xbf16>
    %mul3A_479 = arith.mulf %squeeze3A_472, %squeeze3A_478 : vector<200x128xbf16>
    %add3A_480 = arith.addf %add3A_466, %mul3A_479 : vector<200x128xbf16>
    %slice3A_481 = vector.extract_strided_slice %reshape3A_21 {offsets = [11, 0, 256], sizes = [1, 200, 128], strides = [1, 1, 1]} : vector<32x200x512xbf16> to vector<1x200x128xbf16>
    %squeeze3A_482 = vector.shape_cast %slice3A_481 : vector<1x200x128xbf16> to vector<200x128xbf16>
    %mul3A_483 = arith.mulf %squeeze3A_472, %squeeze3A_482 : vector<200x128xbf16>
    %add3A_484 = arith.addf %add3A_470, %mul3A_483 : vector<200x128xbf16>
    %slice3A_485 = vector.extract_strided_slice %convert_element_type3A_6 {offsets = [12, 0, 0], sizes = [1, 200, 128], strides = [1, 1, 1]} : vector<32x200x128xbf16> to vector<1x200x128xbf16>
    %squeeze3A_486 = vector.shape_cast %slice3A_485 : vector<1x200x128xbf16> to vector<200x128xbf16>
    %slice3A_487 = vector.extract_strided_slice %reshape3A_21 {offsets = [12, 0, 0], sizes = [1, 200, 128], strides = [1, 1, 1]} : vector<32x200x512xbf16> to vector<1x200x128xbf16>
    %squeeze3A_488 = vector.shape_cast %slice3A_487 : vector<1x200x128xbf16> to vector<200x128xbf16>
    %mul3A_489 = arith.mulf %squeeze3A_486, %squeeze3A_488 : vector<200x128xbf16>
    %add3A_490 = arith.addf %add3A_476, %mul3A_489 : vector<200x128xbf16>
    %slice3A_491 = vector.extract_strided_slice %reshape3A_21 {offsets = [12, 0, 128], sizes = [1, 200, 128], strides = [1, 1, 1]} : vector<32x200x512xbf16> to vector<1x200x128xbf16>
    %squeeze3A_492 = vector.shape_cast %slice3A_491 : vector<1x200x128xbf16> to vector<200x128xbf16>
    %mul3A_493 = arith.mulf %squeeze3A_486, %squeeze3A_492 : vector<200x128xbf16>
    %add3A_494 = arith.addf %add3A_480, %mul3A_493 : vector<200x128xbf16>
    %slice3A_495 = vector.extract_strided_slice %reshape3A_21 {offsets = [12, 0, 256], sizes = [1, 200, 128], strides = [1, 1, 1]} : vector<32x200x512xbf16> to vector<1x200x128xbf16>
    %squeeze3A_496 = vector.shape_cast %slice3A_495 : vector<1x200x128xbf16> to vector<200x128xbf16>
    %mul3A_497 = arith.mulf %squeeze3A_486, %squeeze3A_496 : vector<200x128xbf16>
    %add3A_498 = arith.addf %add3A_484, %mul3A_497 : vector<200x128xbf16>
    %slice3A_499 = vector.extract_strided_slice %convert_element_type3A_6 {offsets = [13, 0, 0], sizes = [1, 200, 128], strides = [1, 1, 1]} : vector<32x200x128xbf16> to vector<1x200x128xbf16>
    %squeeze3A_500 = vector.shape_cast %slice3A_499 : vector<1x200x128xbf16> to vector<200x128xbf16>
    %slice3A_501 = vector.extract_strided_slice %reshape3A_21 {offsets = [13, 0, 0], sizes = [1, 200, 128], strides = [1, 1, 1]} : vector<32x200x512xbf16> to vector<1x200x128xbf16>
    %squeeze3A_502 = vector.shape_cast %slice3A_501 : vector<1x200x128xbf16> to vector<200x128xbf16>
    %mul3A_503 = arith.mulf %squeeze3A_500, %squeeze3A_502 : vector<200x128xbf16>
    %add3A_504 = arith.addf %add3A_490, %mul3A_503 : vector<200x128xbf16>
    %slice3A_505 = vector.extract_strided_slice %reshape3A_21 {offsets = [13, 0, 128], sizes = [1, 200, 128], strides = [1, 1, 1]} : vector<32x200x512xbf16> to vector<1x200x128xbf16>
    %squeeze3A_506 = vector.shape_cast %slice3A_505 : vector<1x200x128xbf16> to vector<200x128xbf16>
    %mul3A_507 = arith.mulf %squeeze3A_500, %squeeze3A_506 : vector<200x128xbf16>
    %add3A_508 = arith.addf %add3A_494, %mul3A_507 : vector<200x128xbf16>
    %slice3A_509 = vector.extract_strided_slice %reshape3A_21 {offsets = [13, 0, 256], sizes = [1, 200, 128], strides = [1, 1, 1]} : vector<32x200x512xbf16> to vector<1x200x128xbf16>
    %squeeze3A_510 = vector.shape_cast %slice3A_509 : vector<1x200x128xbf16> to vector<200x128xbf16>
    %mul3A_511 = arith.mulf %squeeze3A_500, %squeeze3A_510 : vector<200x128xbf16>
    %add3A_512 = arith.addf %add3A_498, %mul3A_511 : vector<200x128xbf16>
    %slice3A_513 = vector.extract_strided_slice %convert_element_type3A_6 {offsets = [14, 0, 0], sizes = [1, 200, 128], strides = [1, 1, 1]} : vector<32x200x128xbf16> to vector<1x200x128xbf16>
    %squeeze3A_514 = vector.shape_cast %slice3A_513 : vector<1x200x128xbf16> to vector<200x128xbf16>
    %slice3A_515 = vector.extract_strided_slice %reshape3A_21 {offsets = [14, 0, 0], sizes = [1, 200, 128], strides = [1, 1, 1]} : vector<32x200x512xbf16> to vector<1x200x128xbf16>
    %squeeze3A_516 = vector.shape_cast %slice3A_515 : vector<1x200x128xbf16> to vector<200x128xbf16>
    %mul3A_517 = arith.mulf %squeeze3A_514, %squeeze3A_516 : vector<200x128xbf16>
    %add3A_518 = arith.addf %add3A_504, %mul3A_517 : vector<200x128xbf16>
    %slice3A_519 = vector.extract_strided_slice %reshape3A_21 {offsets = [14, 0, 128], sizes = [1, 200, 128], strides = [1, 1, 1]} : vector<32x200x512xbf16> to vector<1x200x128xbf16>
    %squeeze3A_520 = vector.shape_cast %slice3A_519 : vector<1x200x128xbf16> to vector<200x128xbf16>
    %mul3A_521 = arith.mulf %squeeze3A_514, %squeeze3A_520 : vector<200x128xbf16>
    %add3A_522 = arith.addf %add3A_508, %mul3A_521 : vector<200x128xbf16>
    %slice3A_523 = vector.extract_strided_slice %reshape3A_21 {offsets = [14, 0, 256], sizes = [1, 200, 128], strides = [1, 1, 1]} : vector<32x200x512xbf16> to vector<1x200x128xbf16>
    %squeeze3A_524 = vector.shape_cast %slice3A_523 : vector<1x200x128xbf16> to vector<200x128xbf16>
    %mul3A_525 = arith.mulf %squeeze3A_514, %squeeze3A_524 : vector<200x128xbf16>
    %add3A_526 = arith.addf %add3A_512, %mul3A_525 : vector<200x128xbf16>
    %slice3A_527 = vector.extract_strided_slice %convert_element_type3A_6 {offsets = [15, 0, 0], sizes = [1, 200, 128], strides = [1, 1, 1]} : vector<32x200x128xbf16> to vector<1x200x128xbf16>
    %squeeze3A_528 = vector.shape_cast %slice3A_527 : vector<1x200x128xbf16> to vector<200x128xbf16>
    %slice3A_529 = vector.extract_strided_slice %reshape3A_21 {offsets = [15, 0, 0], sizes = [1, 200, 128], strides = [1, 1, 1]} : vector<32x200x512xbf16> to vector<1x200x128xbf16>
    %squeeze3A_530 = vector.shape_cast %slice3A_529 : vector<1x200x128xbf16> to vector<200x128xbf16>
    %mul3A_531 = arith.mulf %squeeze3A_528, %squeeze3A_530 : vector<200x128xbf16>
    %add3A_532 = arith.addf %add3A_518, %mul3A_531 : vector<200x128xbf16>
    %slice3A_533 = vector.extract_strided_slice %reshape3A_21 {offsets = [15, 0, 128], sizes = [1, 200, 128], strides = [1, 1, 1]} : vector<32x200x512xbf16> to vector<1x200x128xbf16>
    %squeeze3A_534 = vector.shape_cast %slice3A_533 : vector<1x200x128xbf16> to vector<200x128xbf16>
    %mul3A_535 = arith.mulf %squeeze3A_528, %squeeze3A_534 : vector<200x128xbf16>
    %add3A_536 = arith.addf %add3A_522, %mul3A_535 : vector<200x128xbf16>
    %slice3A_537 = vector.extract_strided_slice %reshape3A_21 {offsets = [15, 0, 256], sizes = [1, 200, 128], strides = [1, 1, 1]} : vector<32x200x512xbf16> to vector<1x200x128xbf16>
    %squeeze3A_538 = vector.shape_cast %slice3A_537 : vector<1x200x128xbf16> to vector<200x128xbf16>
    %mul3A_539 = arith.mulf %squeeze3A_528, %squeeze3A_538 : vector<200x128xbf16>
    %add3A_540 = arith.addf %add3A_526, %mul3A_539 : vector<200x128xbf16>
    %slice3A_541 = vector.extract_strided_slice %convert_element_type3A_6 {offsets = [16, 0, 0], sizes = [1, 200, 128], strides = [1, 1, 1]} : vector<32x200x128xbf16> to vector<1x200x128xbf16>
    %squeeze3A_542 = vector.shape_cast %slice3A_541 : vector<1x200x128xbf16> to vector<200x128xbf16>
    %slice3A_543 = vector.extract_strided_slice %reshape3A_21 {offsets = [16, 0, 0], sizes = [1, 200, 128], strides = [1, 1, 1]} : vector<32x200x512xbf16> to vector<1x200x128xbf16>
    %squeeze3A_544 = vector.shape_cast %slice3A_543 : vector<1x200x128xbf16> to vector<200x128xbf16>
    %mul3A_545 = arith.mulf %squeeze3A_542, %squeeze3A_544 : vector<200x128xbf16>
    %add3A_546 = arith.addf %add3A_532, %mul3A_545 : vector<200x128xbf16>
    %slice3A_547 = vector.extract_strided_slice %reshape3A_21 {offsets = [16, 0, 128], sizes = [1, 200, 128], strides = [1, 1, 1]} : vector<32x200x512xbf16> to vector<1x200x128xbf16>
    %squeeze3A_548 = vector.shape_cast %slice3A_547 : vector<1x200x128xbf16> to vector<200x128xbf16>
    %mul3A_549 = arith.mulf %squeeze3A_542, %squeeze3A_548 : vector<200x128xbf16>
    %add3A_550 = arith.addf %add3A_536, %mul3A_549 : vector<200x128xbf16>
    %slice3A_551 = vector.extract_strided_slice %reshape3A_21 {offsets = [16, 0, 256], sizes = [1, 200, 128], strides = [1, 1, 1]} : vector<32x200x512xbf16> to vector<1x200x128xbf16>
    %squeeze3A_552 = vector.shape_cast %slice3A_551 : vector<1x200x128xbf16> to vector<200x128xbf16>
    %mul3A_553 = arith.mulf %squeeze3A_542, %squeeze3A_552 : vector<200x128xbf16>
    %add3A_554 = arith.addf %add3A_540, %mul3A_553 : vector<200x128xbf16>
    %slice3A_555 = vector.extract_strided_slice %convert_element_type3A_6 {offsets = [17, 0, 0], sizes = [1, 200, 128], strides = [1, 1, 1]} : vector<32x200x128xbf16> to vector<1x200x128xbf16>
    %squeeze3A_556 = vector.shape_cast %slice3A_555 : vector<1x200x128xbf16> to vector<200x128xbf16>
    %slice3A_557 = vector.extract_strided_slice %reshape3A_21 {offsets = [17, 0, 0], sizes = [1, 200, 128], strides = [1, 1, 1]} : vector<32x200x512xbf16> to vector<1x200x128xbf16>
    %squeeze3A_558 = vector.shape_cast %slice3A_557 : vector<1x200x128xbf16> to vector<200x128xbf16>
    %mul3A_559 = arith.mulf %squeeze3A_556, %squeeze3A_558 : vector<200x128xbf16>
    %add3A_560 = arith.addf %add3A_546, %mul3A_559 : vector<200x128xbf16>
    %slice3A_561 = vector.extract_strided_slice %reshape3A_21 {offsets = [17, 0, 128], sizes = [1, 200, 128], strides = [1, 1, 1]} : vector<32x200x512xbf16> to vector<1x200x128xbf16>
    %squeeze3A_562 = vector.shape_cast %slice3A_561 : vector<1x200x128xbf16> to vector<200x128xbf16>
    %mul3A_563 = arith.mulf %squeeze3A_556, %squeeze3A_562 : vector<200x128xbf16>
    %add3A_564 = arith.addf %add3A_550, %mul3A_563 : vector<200x128xbf16>
    %slice3A_565 = vector.extract_strided_slice %reshape3A_21 {offsets = [17, 0, 256], sizes = [1, 200, 128], strides = [1, 1, 1]} : vector<32x200x512xbf16> to vector<1x200x128xbf16>
    %squeeze3A_566 = vector.shape_cast %slice3A_565 : vector<1x200x128xbf16> to vector<200x128xbf16>
    %mul3A_567 = arith.mulf %squeeze3A_556, %squeeze3A_566 : vector<200x128xbf16>
    %add3A_568 = arith.addf %add3A_554, %mul3A_567 : vector<200x128xbf16>
    %slice3A_569 = vector.extract_strided_slice %convert_element_type3A_6 {offsets = [18, 0, 0], sizes = [1, 200, 128], strides = [1, 1, 1]} : vector<32x200x128xbf16> to vector<1x200x128xbf16>
    %squeeze3A_570 = vector.shape_cast %slice3A_569 : vector<1x200x128xbf16> to vector<200x128xbf16>
    %slice3A_571 = vector.extract_strided_slice %reshape3A_21 {offsets = [18, 0, 0], sizes = [1, 200, 128], strides = [1, 1, 1]} : vector<32x200x512xbf16> to vector<1x200x128xbf16>
    %squeeze3A_572 = vector.shape_cast %slice3A_571 : vector<1x200x128xbf16> to vector<200x128xbf16>
    %mul3A_573 = arith.mulf %squeeze3A_570, %squeeze3A_572 : vector<200x128xbf16>
    %add3A_574 = arith.addf %add3A_560, %mul3A_573 : vector<200x128xbf16>
    %slice3A_575 = vector.extract_strided_slice %reshape3A_21 {offsets = [18, 0, 128], sizes = [1, 200, 128], strides = [1, 1, 1]} : vector<32x200x512xbf16> to vector<1x200x128xbf16>
    %squeeze3A_576 = vector.shape_cast %slice3A_575 : vector<1x200x128xbf16> to vector<200x128xbf16>
    %mul3A_577 = arith.mulf %squeeze3A_570, %squeeze3A_576 : vector<200x128xbf16>
    %add3A_578 = arith.addf %add3A_564, %mul3A_577 : vector<200x128xbf16>
    %slice3A_579 = vector.extract_strided_slice %reshape3A_21 {offsets = [18, 0, 256], sizes = [1, 200, 128], strides = [1, 1, 1]} : vector<32x200x512xbf16> to vector<1x200x128xbf16>
    %squeeze3A_580 = vector.shape_cast %slice3A_579 : vector<1x200x128xbf16> to vector<200x128xbf16>
    %mul3A_581 = arith.mulf %squeeze3A_570, %squeeze3A_580 : vector<200x128xbf16>
    %add3A_582 = arith.addf %add3A_568, %mul3A_581 : vector<200x128xbf16>
    %slice3A_583 = vector.extract_strided_slice %convert_element_type3A_6 {offsets = [19, 0, 0], sizes = [1, 200, 128], strides = [1, 1, 1]} : vector<32x200x128xbf16> to vector<1x200x128xbf16>
    %squeeze3A_584 = vector.shape_cast %slice3A_583 : vector<1x200x128xbf16> to vector<200x128xbf16>
    %slice3A_585 = vector.extract_strided_slice %reshape3A_21 {offsets = [19, 0, 0], sizes = [1, 200, 128], strides = [1, 1, 1]} : vector<32x200x512xbf16> to vector<1x200x128xbf16>
    %squeeze3A_586 = vector.shape_cast %slice3A_585 : vector<1x200x128xbf16> to vector<200x128xbf16>
    %mul3A_587 = arith.mulf %squeeze3A_584, %squeeze3A_586 : vector<200x128xbf16>
    %add3A_588 = arith.addf %add3A_574, %mul3A_587 : vector<200x128xbf16>
    %slice3A_589 = vector.extract_strided_slice %reshape3A_21 {offsets = [19, 0, 128], sizes = [1, 200, 128], strides = [1, 1, 1]} : vector<32x200x512xbf16> to vector<1x200x128xbf16>
    %squeeze3A_590 = vector.shape_cast %slice3A_589 : vector<1x200x128xbf16> to vector<200x128xbf16>
    %mul3A_591 = arith.mulf %squeeze3A_584, %squeeze3A_590 : vector<200x128xbf16>
    %add3A_592 = arith.addf %add3A_578, %mul3A_591 : vector<200x128xbf16>
    %slice3A_593 = vector.extract_strided_slice %reshape3A_21 {offsets = [19, 0, 256], sizes = [1, 200, 128], strides = [1, 1, 1]} : vector<32x200x512xbf16> to vector<1x200x128xbf16>
    %squeeze3A_594 = vector.shape_cast %slice3A_593 : vector<1x200x128xbf16> to vector<200x128xbf16>
    %mul3A_595 = arith.mulf %squeeze3A_584, %squeeze3A_594 : vector<200x128xbf16>
    %add3A_596 = arith.addf %add3A_582, %mul3A_595 : vector<200x128xbf16>
    %slice3A_597 = vector.extract_strided_slice %convert_element_type3A_6 {offsets = [20, 0, 0], sizes = [1, 200, 128], strides = [1, 1, 1]} : vector<32x200x128xbf16> to vector<1x200x128xbf16>
    %squeeze3A_598 = vector.shape_cast %slice3A_597 : vector<1x200x128xbf16> to vector<200x128xbf16>
    %slice3A_599 = vector.extract_strided_slice %reshape3A_21 {offsets = [20, 0, 0], sizes = [1, 200, 128], strides = [1, 1, 1]} : vector<32x200x512xbf16> to vector<1x200x128xbf16>
    %squeeze3A_600 = vector.shape_cast %slice3A_599 : vector<1x200x128xbf16> to vector<200x128xbf16>
    %mul3A_601 = arith.mulf %squeeze3A_598, %squeeze3A_600 : vector<200x128xbf16>
    %add3A_602 = arith.addf %add3A_588, %mul3A_601 : vector<200x128xbf16>
    %slice3A_603 = vector.extract_strided_slice %reshape3A_21 {offsets = [20, 0, 128], sizes = [1, 200, 128], strides = [1, 1, 1]} : vector<32x200x512xbf16> to vector<1x200x128xbf16>
    %squeeze3A_604 = vector.shape_cast %slice3A_603 : vector<1x200x128xbf16> to vector<200x128xbf16>
    %mul3A_605 = arith.mulf %squeeze3A_598, %squeeze3A_604 : vector<200x128xbf16>
    %add3A_606 = arith.addf %add3A_592, %mul3A_605 : vector<200x128xbf16>
    %slice3A_607 = vector.extract_strided_slice %reshape3A_21 {offsets = [20, 0, 256], sizes = [1, 200, 128], strides = [1, 1, 1]} : vector<32x200x512xbf16> to vector<1x200x128xbf16>
    %squeeze3A_608 = vector.shape_cast %slice3A_607 : vector<1x200x128xbf16> to vector<200x128xbf16>
    %mul3A_609 = arith.mulf %squeeze3A_598, %squeeze3A_608 : vector<200x128xbf16>
    %add3A_610 = arith.addf %add3A_596, %mul3A_609 : vector<200x128xbf16>
    %slice3A_611 = vector.extract_strided_slice %convert_element_type3A_6 {offsets = [21, 0, 0], sizes = [1, 200, 128], strides = [1, 1, 1]} : vector<32x200x128xbf16> to vector<1x200x128xbf16>
    %squeeze3A_612 = vector.shape_cast %slice3A_611 : vector<1x200x128xbf16> to vector<200x128xbf16>
    %slice3A_613 = vector.extract_strided_slice %reshape3A_21 {offsets = [21, 0, 0], sizes = [1, 200, 128], strides = [1, 1, 1]} : vector<32x200x512xbf16> to vector<1x200x128xbf16>
    %squeeze3A_614 = vector.shape_cast %slice3A_613 : vector<1x200x128xbf16> to vector<200x128xbf16>
    %mul3A_615 = arith.mulf %squeeze3A_612, %squeeze3A_614 : vector<200x128xbf16>
    %add3A_616 = arith.addf %add3A_602, %mul3A_615 : vector<200x128xbf16>
    %slice3A_617 = vector.extract_strided_slice %reshape3A_21 {offsets = [21, 0, 128], sizes = [1, 200, 128], strides = [1, 1, 1]} : vector<32x200x512xbf16> to vector<1x200x128xbf16>
    %squeeze3A_618 = vector.shape_cast %slice3A_617 : vector<1x200x128xbf16> to vector<200x128xbf16>
    %mul3A_619 = arith.mulf %squeeze3A_612, %squeeze3A_618 : vector<200x128xbf16>
    %add3A_620 = arith.addf %add3A_606, %mul3A_619 : vector<200x128xbf16>
    %slice3A_621 = vector.extract_strided_slice %reshape3A_21 {offsets = [21, 0, 256], sizes = [1, 200, 128], strides = [1, 1, 1]} : vector<32x200x512xbf16> to vector<1x200x128xbf16>
    %squeeze3A_622 = vector.shape_cast %slice3A_621 : vector<1x200x128xbf16> to vector<200x128xbf16>
    %mul3A_623 = arith.mulf %squeeze3A_612, %squeeze3A_622 : vector<200x128xbf16>
    %add3A_624 = arith.addf %add3A_610, %mul3A_623 : vector<200x128xbf16>
    %slice3A_625 = vector.extract_strided_slice %convert_element_type3A_6 {offsets = [22, 0, 0], sizes = [1, 200, 128], strides = [1, 1, 1]} : vector<32x200x128xbf16> to vector<1x200x128xbf16>
    %squeeze3A_626 = vector.shape_cast %slice3A_625 : vector<1x200x128xbf16> to vector<200x128xbf16>
    %slice3A_627 = vector.extract_strided_slice %reshape3A_21 {offsets = [22, 0, 0], sizes = [1, 200, 128], strides = [1, 1, 1]} : vector<32x200x512xbf16> to vector<1x200x128xbf16>
    %squeeze3A_628 = vector.shape_cast %slice3A_627 : vector<1x200x128xbf16> to vector<200x128xbf16>
    %mul3A_629 = arith.mulf %squeeze3A_626, %squeeze3A_628 : vector<200x128xbf16>
    %add3A_630 = arith.addf %add3A_616, %mul3A_629 : vector<200x128xbf16>
    %slice3A_631 = vector.extract_strided_slice %reshape3A_21 {offsets = [22, 0, 128], sizes = [1, 200, 128], strides = [1, 1, 1]} : vector<32x200x512xbf16> to vector<1x200x128xbf16>
    %squeeze3A_632 = vector.shape_cast %slice3A_631 : vector<1x200x128xbf16> to vector<200x128xbf16>
    %mul3A_633 = arith.mulf %squeeze3A_626, %squeeze3A_632 : vector<200x128xbf16>
    %add3A_634 = arith.addf %add3A_620, %mul3A_633 : vector<200x128xbf16>
    %slice3A_635 = vector.extract_strided_slice %reshape3A_21 {offsets = [22, 0, 256], sizes = [1, 200, 128], strides = [1, 1, 1]} : vector<32x200x512xbf16> to vector<1x200x128xbf16>
    %squeeze3A_636 = vector.shape_cast %slice3A_635 : vector<1x200x128xbf16> to vector<200x128xbf16>
    %mul3A_637 = arith.mulf %squeeze3A_626, %squeeze3A_636 : vector<200x128xbf16>
    %add3A_638 = arith.addf %add3A_624, %mul3A_637 : vector<200x128xbf16>
    %slice3A_639 = vector.extract_strided_slice %convert_element_type3A_6 {offsets = [23, 0, 0], sizes = [1, 200, 128], strides = [1, 1, 1]} : vector<32x200x128xbf16> to vector<1x200x128xbf16>
    %squeeze3A_640 = vector.shape_cast %slice3A_639 : vector<1x200x128xbf16> to vector<200x128xbf16>
    %slice3A_641 = vector.extract_strided_slice %reshape3A_21 {offsets = [23, 0, 0], sizes = [1, 200, 128], strides = [1, 1, 1]} : vector<32x200x512xbf16> to vector<1x200x128xbf16>
    %squeeze3A_642 = vector.shape_cast %slice3A_641 : vector<1x200x128xbf16> to vector<200x128xbf16>
    %mul3A_643 = arith.mulf %squeeze3A_640, %squeeze3A_642 : vector<200x128xbf16>
    %add3A_644 = arith.addf %add3A_630, %mul3A_643 : vector<200x128xbf16>
    %slice3A_645 = vector.extract_strided_slice %reshape3A_21 {offsets = [23, 0, 128], sizes = [1, 200, 128], strides = [1, 1, 1]} : vector<32x200x512xbf16> to vector<1x200x128xbf16>
    %squeeze3A_646 = vector.shape_cast %slice3A_645 : vector<1x200x128xbf16> to vector<200x128xbf16>
    %mul3A_647 = arith.mulf %squeeze3A_640, %squeeze3A_646 : vector<200x128xbf16>
    %add3A_648 = arith.addf %add3A_634, %mul3A_647 : vector<200x128xbf16>
    %slice3A_649 = vector.extract_strided_slice %reshape3A_21 {offsets = [23, 0, 256], sizes = [1, 200, 128], strides = [1, 1, 1]} : vector<32x200x512xbf16> to vector<1x200x128xbf16>
    %squeeze3A_650 = vector.shape_cast %slice3A_649 : vector<1x200x128xbf16> to vector<200x128xbf16>
    %mul3A_651 = arith.mulf %squeeze3A_640, %squeeze3A_650 : vector<200x128xbf16>
    %add3A_652 = arith.addf %add3A_638, %mul3A_651 : vector<200x128xbf16>
    %slice3A_653 = vector.extract_strided_slice %convert_element_type3A_6 {offsets = [24, 0, 0], sizes = [1, 200, 128], strides = [1, 1, 1]} : vector<32x200x128xbf16> to vector<1x200x128xbf16>
    %squeeze3A_654 = vector.shape_cast %slice3A_653 : vector<1x200x128xbf16> to vector<200x128xbf16>
    %slice3A_655 = vector.extract_strided_slice %reshape3A_21 {offsets = [24, 0, 0], sizes = [1, 200, 128], strides = [1, 1, 1]} : vector<32x200x512xbf16> to vector<1x200x128xbf16>
    %squeeze3A_656 = vector.shape_cast %slice3A_655 : vector<1x200x128xbf16> to vector<200x128xbf16>
    %mul3A_657 = arith.mulf %squeeze3A_654, %squeeze3A_656 : vector<200x128xbf16>
    %add3A_658 = arith.addf %add3A_644, %mul3A_657 : vector<200x128xbf16>
    %slice3A_659 = vector.extract_strided_slice %reshape3A_21 {offsets = [24, 0, 128], sizes = [1, 200, 128], strides = [1, 1, 1]} : vector<32x200x512xbf16> to vector<1x200x128xbf16>
    %squeeze3A_660 = vector.shape_cast %slice3A_659 : vector<1x200x128xbf16> to vector<200x128xbf16>
    %mul3A_661 = arith.mulf %squeeze3A_654, %squeeze3A_660 : vector<200x128xbf16>
    %add3A_662 = arith.addf %add3A_648, %mul3A_661 : vector<200x128xbf16>
    %slice3A_663 = vector.extract_strided_slice %reshape3A_21 {offsets = [24, 0, 256], sizes = [1, 200, 128], strides = [1, 1, 1]} : vector<32x200x512xbf16> to vector<1x200x128xbf16>
    %squeeze3A_664 = vector.shape_cast %slice3A_663 : vector<1x200x128xbf16> to vector<200x128xbf16>
    %mul3A_665 = arith.mulf %squeeze3A_654, %squeeze3A_664 : vector<200x128xbf16>
    %add3A_666 = arith.addf %add3A_652, %mul3A_665 : vector<200x128xbf16>
    %slice3A_667 = vector.extract_strided_slice %convert_element_type3A_6 {offsets = [25, 0, 0], sizes = [1, 200, 128], strides = [1, 1, 1]} : vector<32x200x128xbf16> to vector<1x200x128xbf16>
    %squeeze3A_668 = vector.shape_cast %slice3A_667 : vector<1x200x128xbf16> to vector<200x128xbf16>
    %slice3A_669 = vector.extract_strided_slice %reshape3A_21 {offsets = [25, 0, 0], sizes = [1, 200, 128], strides = [1, 1, 1]} : vector<32x200x512xbf16> to vector<1x200x128xbf16>
    %squeeze3A_670 = vector.shape_cast %slice3A_669 : vector<1x200x128xbf16> to vector<200x128xbf16>
    %mul3A_671 = arith.mulf %squeeze3A_668, %squeeze3A_670 : vector<200x128xbf16>
    %add3A_672 = arith.addf %add3A_658, %mul3A_671 : vector<200x128xbf16>
    %slice3A_673 = vector.extract_strided_slice %reshape3A_21 {offsets = [25, 0, 128], sizes = [1, 200, 128], strides = [1, 1, 1]} : vector<32x200x512xbf16> to vector<1x200x128xbf16>
    %squeeze3A_674 = vector.shape_cast %slice3A_673 : vector<1x200x128xbf16> to vector<200x128xbf16>
    %mul3A_675 = arith.mulf %squeeze3A_668, %squeeze3A_674 : vector<200x128xbf16>
    %add3A_676 = arith.addf %add3A_662, %mul3A_675 : vector<200x128xbf16>
    %slice3A_677 = vector.extract_strided_slice %reshape3A_21 {offsets = [25, 0, 256], sizes = [1, 200, 128], strides = [1, 1, 1]} : vector<32x200x512xbf16> to vector<1x200x128xbf16>
    %squeeze3A_678 = vector.shape_cast %slice3A_677 : vector<1x200x128xbf16> to vector<200x128xbf16>
    %mul3A_679 = arith.mulf %squeeze3A_668, %squeeze3A_678 : vector<200x128xbf16>
    %add3A_680 = arith.addf %add3A_666, %mul3A_679 : vector<200x128xbf16>
    %slice3A_681 = vector.extract_strided_slice %convert_element_type3A_6 {offsets = [26, 0, 0], sizes = [1, 200, 128], strides = [1, 1, 1]} : vector<32x200x128xbf16> to vector<1x200x128xbf16>
    %squeeze3A_682 = vector.shape_cast %slice3A_681 : vector<1x200x128xbf16> to vector<200x128xbf16>
    %slice3A_683 = vector.extract_strided_slice %reshape3A_21 {offsets = [26, 0, 0], sizes = [1, 200, 128], strides = [1, 1, 1]} : vector<32x200x512xbf16> to vector<1x200x128xbf16>
    %squeeze3A_684 = vector.shape_cast %slice3A_683 : vector<1x200x128xbf16> to vector<200x128xbf16>
    %mul3A_685 = arith.mulf %squeeze3A_682, %squeeze3A_684 : vector<200x128xbf16>
    %add3A_686 = arith.addf %add3A_672, %mul3A_685 : vector<200x128xbf16>
    %slice3A_687 = vector.extract_strided_slice %reshape3A_21 {offsets = [26, 0, 128], sizes = [1, 200, 128], strides = [1, 1, 1]} : vector<32x200x512xbf16> to vector<1x200x128xbf16>
    %squeeze3A_688 = vector.shape_cast %slice3A_687 : vector<1x200x128xbf16> to vector<200x128xbf16>
    %mul3A_689 = arith.mulf %squeeze3A_682, %squeeze3A_688 : vector<200x128xbf16>
    %add3A_690 = arith.addf %add3A_676, %mul3A_689 : vector<200x128xbf16>
    %slice3A_691 = vector.extract_strided_slice %reshape3A_21 {offsets = [26, 0, 256], sizes = [1, 200, 128], strides = [1, 1, 1]} : vector<32x200x512xbf16> to vector<1x200x128xbf16>
    %squeeze3A_692 = vector.shape_cast %slice3A_691 : vector<1x200x128xbf16> to vector<200x128xbf16>
    %mul3A_693 = arith.mulf %squeeze3A_682, %squeeze3A_692 : vector<200x128xbf16>
    %add3A_694 = arith.addf %add3A_680, %mul3A_693 : vector<200x128xbf16>
    %slice3A_695 = vector.extract_strided_slice %convert_element_type3A_6 {offsets = [27, 0, 0], sizes = [1, 200, 128], strides = [1, 1, 1]} : vector<32x200x128xbf16> to vector<1x200x128xbf16>
    %squeeze3A_696 = vector.shape_cast %slice3A_695 : vector<1x200x128xbf16> to vector<200x128xbf16>
    %slice3A_697 = vector.extract_strided_slice %reshape3A_21 {offsets = [27, 0, 0], sizes = [1, 200, 128], strides = [1, 1, 1]} : vector<32x200x512xbf16> to vector<1x200x128xbf16>
    %squeeze3A_698 = vector.shape_cast %slice3A_697 : vector<1x200x128xbf16> to vector<200x128xbf16>
    %mul3A_699 = arith.mulf %squeeze3A_696, %squeeze3A_698 : vector<200x128xbf16>
    %add3A_700 = arith.addf %add3A_686, %mul3A_699 : vector<200x128xbf16>
    %slice3A_701 = vector.extract_strided_slice %reshape3A_21 {offsets = [27, 0, 128], sizes = [1, 200, 128], strides = [1, 1, 1]} : vector<32x200x512xbf16> to vector<1x200x128xbf16>
    %squeeze3A_702 = vector.shape_cast %slice3A_701 : vector<1x200x128xbf16> to vector<200x128xbf16>
    %mul3A_703 = arith.mulf %squeeze3A_696, %squeeze3A_702 : vector<200x128xbf16>
    %add3A_704 = arith.addf %add3A_690, %mul3A_703 : vector<200x128xbf16>
    %slice3A_705 = vector.extract_strided_slice %reshape3A_21 {offsets = [27, 0, 256], sizes = [1, 200, 128], strides = [1, 1, 1]} : vector<32x200x512xbf16> to vector<1x200x128xbf16>
    %squeeze3A_706 = vector.shape_cast %slice3A_705 : vector<1x200x128xbf16> to vector<200x128xbf16>
    %mul3A_707 = arith.mulf %squeeze3A_696, %squeeze3A_706 : vector<200x128xbf16>
    %add3A_708 = arith.addf %add3A_694, %mul3A_707 : vector<200x128xbf16>
    %slice3A_709 = vector.extract_strided_slice %convert_element_type3A_6 {offsets = [28, 0, 0], sizes = [1, 200, 128], strides = [1, 1, 1]} : vector<32x200x128xbf16> to vector<1x200x128xbf16>
    %squeeze3A_710 = vector.shape_cast %slice3A_709 : vector<1x200x128xbf16> to vector<200x128xbf16>
    %slice3A_711 = vector.extract_strided_slice %reshape3A_21 {offsets = [28, 0, 0], sizes = [1, 200, 128], strides = [1, 1, 1]} : vector<32x200x512xbf16> to vector<1x200x128xbf16>
    %squeeze3A_712 = vector.shape_cast %slice3A_711 : vector<1x200x128xbf16> to vector<200x128xbf16>
    %mul3A_713 = arith.mulf %squeeze3A_710, %squeeze3A_712 : vector<200x128xbf16>
    %add3A_714 = arith.addf %add3A_700, %mul3A_713 : vector<200x128xbf16>
    %slice3A_715 = vector.extract_strided_slice %reshape3A_21 {offsets = [28, 0, 128], sizes = [1, 200, 128], strides = [1, 1, 1]} : vector<32x200x512xbf16> to vector<1x200x128xbf16>
    %squeeze3A_716 = vector.shape_cast %slice3A_715 : vector<1x200x128xbf16> to vector<200x128xbf16>
    %mul3A_717 = arith.mulf %squeeze3A_710, %squeeze3A_716 : vector<200x128xbf16>
    %add3A_718 = arith.addf %add3A_704, %mul3A_717 : vector<200x128xbf16>
    %slice3A_719 = vector.extract_strided_slice %reshape3A_21 {offsets = [28, 0, 256], sizes = [1, 200, 128], strides = [1, 1, 1]} : vector<32x200x512xbf16> to vector<1x200x128xbf16>
    %squeeze3A_720 = vector.shape_cast %slice3A_719 : vector<1x200x128xbf16> to vector<200x128xbf16>
    %mul3A_721 = arith.mulf %squeeze3A_710, %squeeze3A_720 : vector<200x128xbf16>
    %add3A_722 = arith.addf %add3A_708, %mul3A_721 : vector<200x128xbf16>
    %slice3A_723 = vector.extract_strided_slice %convert_element_type3A_6 {offsets = [29, 0, 0], sizes = [1, 200, 128], strides = [1, 1, 1]} : vector<32x200x128xbf16> to vector<1x200x128xbf16>
    %squeeze3A_724 = vector.shape_cast %slice3A_723 : vector<1x200x128xbf16> to vector<200x128xbf16>
    %slice3A_725 = vector.extract_strided_slice %reshape3A_21 {offsets = [29, 0, 0], sizes = [1, 200, 128], strides = [1, 1, 1]} : vector<32x200x512xbf16> to vector<1x200x128xbf16>
    %squeeze3A_726 = vector.shape_cast %slice3A_725 : vector<1x200x128xbf16> to vector<200x128xbf16>
    %mul3A_727 = arith.mulf %squeeze3A_724, %squeeze3A_726 : vector<200x128xbf16>
    %add3A_728 = arith.addf %add3A_714, %mul3A_727 : vector<200x128xbf16>
    %slice3A_729 = vector.extract_strided_slice %reshape3A_21 {offsets = [29, 0, 128], sizes = [1, 200, 128], strides = [1, 1, 1]} : vector<32x200x512xbf16> to vector<1x200x128xbf16>
    %squeeze3A_730 = vector.shape_cast %slice3A_729 : vector<1x200x128xbf16> to vector<200x128xbf16>
    %mul3A_731 = arith.mulf %squeeze3A_724, %squeeze3A_730 : vector<200x128xbf16>
    %add3A_732 = arith.addf %add3A_718, %mul3A_731 : vector<200x128xbf16>
    %slice3A_733 = vector.extract_strided_slice %reshape3A_21 {offsets = [29, 0, 256], sizes = [1, 200, 128], strides = [1, 1, 1]} : vector<32x200x512xbf16> to vector<1x200x128xbf16>
    %squeeze3A_734 = vector.shape_cast %slice3A_733 : vector<1x200x128xbf16> to vector<200x128xbf16>
    %mul3A_735 = arith.mulf %squeeze3A_724, %squeeze3A_734 : vector<200x128xbf16>
    %add3A_736 = arith.addf %add3A_722, %mul3A_735 : vector<200x128xbf16>
    %slice3A_737 = vector.extract_strided_slice %convert_element_type3A_6 {offsets = [30, 0, 0], sizes = [1, 200, 128], strides = [1, 1, 1]} : vector<32x200x128xbf16> to vector<1x200x128xbf16>
    %squeeze3A_738 = vector.shape_cast %slice3A_737 : vector<1x200x128xbf16> to vector<200x128xbf16>
    %slice3A_739 = vector.extract_strided_slice %reshape3A_21 {offsets = [30, 0, 0], sizes = [1, 200, 128], strides = [1, 1, 1]} : vector<32x200x512xbf16> to vector<1x200x128xbf16>
    %squeeze3A_740 = vector.shape_cast %slice3A_739 : vector<1x200x128xbf16> to vector<200x128xbf16>
    %mul3A_741 = arith.mulf %squeeze3A_738, %squeeze3A_740 : vector<200x128xbf16>
    %add3A_742 = arith.addf %add3A_728, %mul3A_741 : vector<200x128xbf16>
    %slice3A_743 = vector.extract_strided_slice %reshape3A_21 {offsets = [30, 0, 128], sizes = [1, 200, 128], strides = [1, 1, 1]} : vector<32x200x512xbf16> to vector<1x200x128xbf16>
    %squeeze3A_744 = vector.shape_cast %slice3A_743 : vector<1x200x128xbf16> to vector<200x128xbf16>
    %mul3A_745 = arith.mulf %squeeze3A_738, %squeeze3A_744 : vector<200x128xbf16>
    %add3A_746 = arith.addf %add3A_732, %mul3A_745 : vector<200x128xbf16>
    %slice3A_747 = vector.extract_strided_slice %reshape3A_21 {offsets = [30, 0, 256], sizes = [1, 200, 128], strides = [1, 1, 1]} : vector<32x200x512xbf16> to vector<1x200x128xbf16>
    %squeeze3A_748 = vector.shape_cast %slice3A_747 : vector<1x200x128xbf16> to vector<200x128xbf16>
    %mul3A_749 = arith.mulf %squeeze3A_738, %squeeze3A_748 : vector<200x128xbf16>
    %add3A_750 = arith.addf %add3A_736, %mul3A_749 : vector<200x128xbf16>
    %slice3A_751 = vector.extract_strided_slice %convert_element_type3A_6 {offsets = [31, 0, 0], sizes = [1, 200, 128], strides = [1, 1, 1]} : vector<32x200x128xbf16> to vector<1x200x128xbf16>
    %squeeze3A_752 = vector.shape_cast %slice3A_751 : vector<1x200x128xbf16> to vector<200x128xbf16>
    %slice3A_753 = vector.extract_strided_slice %reshape3A_21 {offsets = [31, 0, 0], sizes = [1, 200, 128], strides = [1, 1, 1]} : vector<32x200x512xbf16> to vector<1x200x128xbf16>
    %squeeze3A_754 = vector.shape_cast %slice3A_753 : vector<1x200x128xbf16> to vector<200x128xbf16>
    %mul3A_755 = arith.mulf %squeeze3A_752, %squeeze3A_754 : vector<200x128xbf16>
    %add3A_756 = arith.addf %add3A_742, %mul3A_755 : vector<200x128xbf16>
    %slice3A_757 = vector.extract_strided_slice %reshape3A_21 {offsets = [31, 0, 128], sizes = [1, 200, 128], strides = [1, 1, 1]} : vector<32x200x512xbf16> to vector<1x200x128xbf16>
    %squeeze3A_758 = vector.shape_cast %slice3A_757 : vector<1x200x128xbf16> to vector<200x128xbf16>
    %mul3A_759 = arith.mulf %squeeze3A_752, %squeeze3A_758 : vector<200x128xbf16>
    %add3A_760 = arith.addf %add3A_746, %mul3A_759 : vector<200x128xbf16>
    %slice3A_761 = vector.extract_strided_slice %reshape3A_21 {offsets = [31, 0, 256], sizes = [1, 200, 128], strides = [1, 1, 1]} : vector<32x200x512xbf16> to vector<1x200x128xbf16>
    %squeeze3A_762 = vector.shape_cast %slice3A_761 : vector<1x200x128xbf16> to vector<200x128xbf16>
    %mul3A_763 = arith.mulf %squeeze3A_752, %squeeze3A_762 : vector<200x128xbf16>
    %add3A_764 = arith.addf %add3A_750, %mul3A_763 : vector<200x128xbf16>
    %mul3A_765 = arith.constant 3.125000e-02 : bf16
    %mul3A_766 = vector.broadcast %mul3A_765 : bf16 to vector<200x128xbf16>
    %mul3A_767 = arith.mulf %add3A_756, %mul3A_766 : vector<200x128xbf16>
    %mul3A_768 = arith.constant 3.125000e-02 : bf16
    %mul3A_769 = vector.broadcast %mul3A_768 : bf16 to vector<200x128xbf16>
    %mul3A_770 = arith.mulf %add3A_760, %mul3A_769 : vector<200x128xbf16>
    %mul3A_771 = arith.constant 3.125000e-02 : bf16
    %mul3A_772 = vector.broadcast %mul3A_771 : bf16 to vector<200x128xbf16>
    %mul3A_773 = arith.mulf %add3A_764, %mul3A_772 : vector<200x128xbf16>
    %broadcast_in_dim3A_774 = arith.constant 0.000000e+00 : bf16
    %broadcast_in_dim3A_775 = vector.broadcast %broadcast_in_dim3A_774 : bf16 to vector<200x16xbf16>
    %broadcast_in_dim3A_776 = arith.constant 0.000000e+00 : bf16
    %broadcast_in_dim3A_777 = vector.broadcast %broadcast_in_dim3A_776 : bf16 to vector<200x16xbf16>
    %broadcast_in_dim3A_778 = arith.constant 0.000000e+00 : bf16
    %broadcast_in_dim3A_779 = vector.broadcast %broadcast_in_dim3A_778 : bf16 to vector<200x16xbf16>
    %slice3A_780 = vector.extract_strided_slice %convert_element_type3A_11 {offsets = [0, 0, 0], sizes = [1, 200, 16], strides = [1, 1, 1]} : vector<32x200x16xbf16> to vector<1x200x16xbf16>
    %squeeze3A_781 = vector.shape_cast %slice3A_780 : vector<1x200x16xbf16> to vector<200x16xbf16>
    %slice3A_782 = vector.extract_strided_slice %reshape3A_21 {offsets = [0, 0, 0], sizes = [1, 200, 16], strides = [1, 1, 1]} : vector<32x200x512xbf16> to vector<1x200x16xbf16>
    %squeeze3A_783 = vector.shape_cast %slice3A_782 : vector<1x200x16xbf16> to vector<200x16xbf16>
    %mul3A_784 = arith.mulf %squeeze3A_781, %squeeze3A_783 : vector<200x16xbf16>
    %add3A_785 = arith.addf %broadcast_in_dim3A_775, %mul3A_784 : vector<200x16xbf16>
    %slice3A_786 = vector.extract_strided_slice %reshape3A_21 {offsets = [0, 0, 128], sizes = [1, 200, 16], strides = [1, 1, 1]} : vector<32x200x512xbf16> to vector<1x200x16xbf16>
    %squeeze3A_787 = vector.shape_cast %slice3A_786 : vector<1x200x16xbf16> to vector<200x16xbf16>
    %mul3A_788 = arith.mulf %squeeze3A_781, %squeeze3A_787 : vector<200x16xbf16>
    %add3A_789 = arith.addf %broadcast_in_dim3A_777, %mul3A_788 : vector<200x16xbf16>
    %slice3A_790 = vector.extract_strided_slice %reshape3A_21 {offsets = [0, 0, 256], sizes = [1, 200, 16], strides = [1, 1, 1]} : vector<32x200x512xbf16> to vector<1x200x16xbf16>
    %squeeze3A_791 = vector.shape_cast %slice3A_790 : vector<1x200x16xbf16> to vector<200x16xbf16>
    %mul3A_792 = arith.mulf %squeeze3A_781, %squeeze3A_791 : vector<200x16xbf16>
    %add3A_793 = arith.addf %broadcast_in_dim3A_779, %mul3A_792 : vector<200x16xbf16>
    %slice3A_794 = vector.extract_strided_slice %convert_element_type3A_11 {offsets = [1, 0, 0], sizes = [1, 200, 16], strides = [1, 1, 1]} : vector<32x200x16xbf16> to vector<1x200x16xbf16>
    %squeeze3A_795 = vector.shape_cast %slice3A_794 : vector<1x200x16xbf16> to vector<200x16xbf16>
    %slice3A_796 = vector.extract_strided_slice %reshape3A_21 {offsets = [1, 0, 0], sizes = [1, 200, 16], strides = [1, 1, 1]} : vector<32x200x512xbf16> to vector<1x200x16xbf16>
    %squeeze3A_797 = vector.shape_cast %slice3A_796 : vector<1x200x16xbf16> to vector<200x16xbf16>
    %mul3A_798 = arith.mulf %squeeze3A_795, %squeeze3A_797 : vector<200x16xbf16>
    %add3A_799 = arith.addf %add3A_785, %mul3A_798 : vector<200x16xbf16>
    %slice3A_800 = vector.extract_strided_slice %reshape3A_21 {offsets = [1, 0, 128], sizes = [1, 200, 16], strides = [1, 1, 1]} : vector<32x200x512xbf16> to vector<1x200x16xbf16>
    %squeeze3A_801 = vector.shape_cast %slice3A_800 : vector<1x200x16xbf16> to vector<200x16xbf16>
    %mul3A_802 = arith.mulf %squeeze3A_795, %squeeze3A_801 : vector<200x16xbf16>
    %add3A_803 = arith.addf %add3A_789, %mul3A_802 : vector<200x16xbf16>
    %slice3A_804 = vector.extract_strided_slice %reshape3A_21 {offsets = [1, 0, 256], sizes = [1, 200, 16], strides = [1, 1, 1]} : vector<32x200x512xbf16> to vector<1x200x16xbf16>
    %squeeze3A_805 = vector.shape_cast %slice3A_804 : vector<1x200x16xbf16> to vector<200x16xbf16>
    %mul3A_806 = arith.mulf %squeeze3A_795, %squeeze3A_805 : vector<200x16xbf16>
    %add3A_807 = arith.addf %add3A_793, %mul3A_806 : vector<200x16xbf16>
    %slice3A_808 = vector.extract_strided_slice %convert_element_type3A_11 {offsets = [2, 0, 0], sizes = [1, 200, 16], strides = [1, 1, 1]} : vector<32x200x16xbf16> to vector<1x200x16xbf16>
    %squeeze3A_809 = vector.shape_cast %slice3A_808 : vector<1x200x16xbf16> to vector<200x16xbf16>
    %slice3A_810 = vector.extract_strided_slice %reshape3A_21 {offsets = [2, 0, 0], sizes = [1, 200, 16], strides = [1, 1, 1]} : vector<32x200x512xbf16> to vector<1x200x16xbf16>
    %squeeze3A_811 = vector.shape_cast %slice3A_810 : vector<1x200x16xbf16> to vector<200x16xbf16>
    %mul3A_812 = arith.mulf %squeeze3A_809, %squeeze3A_811 : vector<200x16xbf16>
    %add3A_813 = arith.addf %add3A_799, %mul3A_812 : vector<200x16xbf16>
    %slice3A_814 = vector.extract_strided_slice %reshape3A_21 {offsets = [2, 0, 128], sizes = [1, 200, 16], strides = [1, 1, 1]} : vector<32x200x512xbf16> to vector<1x200x16xbf16>
    %squeeze3A_815 = vector.shape_cast %slice3A_814 : vector<1x200x16xbf16> to vector<200x16xbf16>
    %mul3A_816 = arith.mulf %squeeze3A_809, %squeeze3A_815 : vector<200x16xbf16>
    %add3A_817 = arith.addf %add3A_803, %mul3A_816 : vector<200x16xbf16>
    %slice3A_818 = vector.extract_strided_slice %reshape3A_21 {offsets = [2, 0, 256], sizes = [1, 200, 16], strides = [1, 1, 1]} : vector<32x200x512xbf16> to vector<1x200x16xbf16>
    %squeeze3A_819 = vector.shape_cast %slice3A_818 : vector<1x200x16xbf16> to vector<200x16xbf16>
    %mul3A_820 = arith.mulf %squeeze3A_809, %squeeze3A_819 : vector<200x16xbf16>
    %add3A_821 = arith.addf %add3A_807, %mul3A_820 : vector<200x16xbf16>
    %slice3A_822 = vector.extract_strided_slice %convert_element_type3A_11 {offsets = [3, 0, 0], sizes = [1, 200, 16], strides = [1, 1, 1]} : vector<32x200x16xbf16> to vector<1x200x16xbf16>
    %squeeze3A_823 = vector.shape_cast %slice3A_822 : vector<1x200x16xbf16> to vector<200x16xbf16>
    %slice3A_824 = vector.extract_strided_slice %reshape3A_21 {offsets = [3, 0, 0], sizes = [1, 200, 16], strides = [1, 1, 1]} : vector<32x200x512xbf16> to vector<1x200x16xbf16>
    %squeeze3A_825 = vector.shape_cast %slice3A_824 : vector<1x200x16xbf16> to vector<200x16xbf16>
    %mul3A_826 = arith.mulf %squeeze3A_823, %squeeze3A_825 : vector<200x16xbf16>
    %add3A_827 = arith.addf %add3A_813, %mul3A_826 : vector<200x16xbf16>
    %slice3A_828 = vector.extract_strided_slice %reshape3A_21 {offsets = [3, 0, 128], sizes = [1, 200, 16], strides = [1, 1, 1]} : vector<32x200x512xbf16> to vector<1x200x16xbf16>
    %squeeze3A_829 = vector.shape_cast %slice3A_828 : vector<1x200x16xbf16> to vector<200x16xbf16>
    %mul3A_830 = arith.mulf %squeeze3A_823, %squeeze3A_829 : vector<200x16xbf16>
    %add3A_831 = arith.addf %add3A_817, %mul3A_830 : vector<200x16xbf16>
    %slice3A_832 = vector.extract_strided_slice %reshape3A_21 {offsets = [3, 0, 256], sizes = [1, 200, 16], strides = [1, 1, 1]} : vector<32x200x512xbf16> to vector<1x200x16xbf16>
    %squeeze3A_833 = vector.shape_cast %slice3A_832 : vector<1x200x16xbf16> to vector<200x16xbf16>
    %mul3A_834 = arith.mulf %squeeze3A_823, %squeeze3A_833 : vector<200x16xbf16>
    %add3A_835 = arith.addf %add3A_821, %mul3A_834 : vector<200x16xbf16>
    %slice3A_836 = vector.extract_strided_slice %convert_element_type3A_11 {offsets = [4, 0, 0], sizes = [1, 200, 16], strides = [1, 1, 1]} : vector<32x200x16xbf16> to vector<1x200x16xbf16>
    %squeeze3A_837 = vector.shape_cast %slice3A_836 : vector<1x200x16xbf16> to vector<200x16xbf16>
    %slice3A_838 = vector.extract_strided_slice %reshape3A_21 {offsets = [4, 0, 0], sizes = [1, 200, 16], strides = [1, 1, 1]} : vector<32x200x512xbf16> to vector<1x200x16xbf16>
    %squeeze3A_839 = vector.shape_cast %slice3A_838 : vector<1x200x16xbf16> to vector<200x16xbf16>
    %mul3A_840 = arith.mulf %squeeze3A_837, %squeeze3A_839 : vector<200x16xbf16>
    %add3A_841 = arith.addf %add3A_827, %mul3A_840 : vector<200x16xbf16>
    %slice3A_842 = vector.extract_strided_slice %reshape3A_21 {offsets = [4, 0, 128], sizes = [1, 200, 16], strides = [1, 1, 1]} : vector<32x200x512xbf16> to vector<1x200x16xbf16>
    %squeeze3A_843 = vector.shape_cast %slice3A_842 : vector<1x200x16xbf16> to vector<200x16xbf16>
    %mul3A_844 = arith.mulf %squeeze3A_837, %squeeze3A_843 : vector<200x16xbf16>
    %add3A_845 = arith.addf %add3A_831, %mul3A_844 : vector<200x16xbf16>
    %slice3A_846 = vector.extract_strided_slice %reshape3A_21 {offsets = [4, 0, 256], sizes = [1, 200, 16], strides = [1, 1, 1]} : vector<32x200x512xbf16> to vector<1x200x16xbf16>
    %squeeze3A_847 = vector.shape_cast %slice3A_846 : vector<1x200x16xbf16> to vector<200x16xbf16>
    %mul3A_848 = arith.mulf %squeeze3A_837, %squeeze3A_847 : vector<200x16xbf16>
    %add3A_849 = arith.addf %add3A_835, %mul3A_848 : vector<200x16xbf16>
    %slice3A_850 = vector.extract_strided_slice %convert_element_type3A_11 {offsets = [5, 0, 0], sizes = [1, 200, 16], strides = [1, 1, 1]} : vector<32x200x16xbf16> to vector<1x200x16xbf16>
    %squeeze3A_851 = vector.shape_cast %slice3A_850 : vector<1x200x16xbf16> to vector<200x16xbf16>
    %slice3A_852 = vector.extract_strided_slice %reshape3A_21 {offsets = [5, 0, 0], sizes = [1, 200, 16], strides = [1, 1, 1]} : vector<32x200x512xbf16> to vector<1x200x16xbf16>
    %squeeze3A_853 = vector.shape_cast %slice3A_852 : vector<1x200x16xbf16> to vector<200x16xbf16>
    %mul3A_854 = arith.mulf %squeeze3A_851, %squeeze3A_853 : vector<200x16xbf16>
    %add3A_855 = arith.addf %add3A_841, %mul3A_854 : vector<200x16xbf16>
    %slice3A_856 = vector.extract_strided_slice %reshape3A_21 {offsets = [5, 0, 128], sizes = [1, 200, 16], strides = [1, 1, 1]} : vector<32x200x512xbf16> to vector<1x200x16xbf16>
    %squeeze3A_857 = vector.shape_cast %slice3A_856 : vector<1x200x16xbf16> to vector<200x16xbf16>
    %mul3A_858 = arith.mulf %squeeze3A_851, %squeeze3A_857 : vector<200x16xbf16>
    %add3A_859 = arith.addf %add3A_845, %mul3A_858 : vector<200x16xbf16>
    %slice3A_860 = vector.extract_strided_slice %reshape3A_21 {offsets = [5, 0, 256], sizes = [1, 200, 16], strides = [1, 1, 1]} : vector<32x200x512xbf16> to vector<1x200x16xbf16>
    %squeeze3A_861 = vector.shape_cast %slice3A_860 : vector<1x200x16xbf16> to vector<200x16xbf16>
    %mul3A_862 = arith.mulf %squeeze3A_851, %squeeze3A_861 : vector<200x16xbf16>
    %add3A_863 = arith.addf %add3A_849, %mul3A_862 : vector<200x16xbf16>
    %slice3A_864 = vector.extract_strided_slice %convert_element_type3A_11 {offsets = [6, 0, 0], sizes = [1, 200, 16], strides = [1, 1, 1]} : vector<32x200x16xbf16> to vector<1x200x16xbf16>
    %squeeze3A_865 = vector.shape_cast %slice3A_864 : vector<1x200x16xbf16> to vector<200x16xbf16>
    %slice3A_866 = vector.extract_strided_slice %reshape3A_21 {offsets = [6, 0, 0], sizes = [1, 200, 16], strides = [1, 1, 1]} : vector<32x200x512xbf16> to vector<1x200x16xbf16>
    %squeeze3A_867 = vector.shape_cast %slice3A_866 : vector<1x200x16xbf16> to vector<200x16xbf16>
    %mul3A_868 = arith.mulf %squeeze3A_865, %squeeze3A_867 : vector<200x16xbf16>
    %add3A_869 = arith.addf %add3A_855, %mul3A_868 : vector<200x16xbf16>
    %slice3A_870 = vector.extract_strided_slice %reshape3A_21 {offsets = [6, 0, 128], sizes = [1, 200, 16], strides = [1, 1, 1]} : vector<32x200x512xbf16> to vector<1x200x16xbf16>
    %squeeze3A_871 = vector.shape_cast %slice3A_870 : vector<1x200x16xbf16> to vector<200x16xbf16>
    %mul3A_872 = arith.mulf %squeeze3A_865, %squeeze3A_871 : vector<200x16xbf16>
    %add3A_873 = arith.addf %add3A_859, %mul3A_872 : vector<200x16xbf16>
    %slice3A_874 = vector.extract_strided_slice %reshape3A_21 {offsets = [6, 0, 256], sizes = [1, 200, 16], strides = [1, 1, 1]} : vector<32x200x512xbf16> to vector<1x200x16xbf16>
    %squeeze3A_875 = vector.shape_cast %slice3A_874 : vector<1x200x16xbf16> to vector<200x16xbf16>
    %mul3A_876 = arith.mulf %squeeze3A_865, %squeeze3A_875 : vector<200x16xbf16>
    %add3A_877 = arith.addf %add3A_863, %mul3A_876 : vector<200x16xbf16>
    %slice3A_878 = vector.extract_strided_slice %convert_element_type3A_11 {offsets = [7, 0, 0], sizes = [1, 200, 16], strides = [1, 1, 1]} : vector<32x200x16xbf16> to vector<1x200x16xbf16>
    %squeeze3A_879 = vector.shape_cast %slice3A_878 : vector<1x200x16xbf16> to vector<200x16xbf16>
    %slice3A_880 = vector.extract_strided_slice %reshape3A_21 {offsets = [7, 0, 0], sizes = [1, 200, 16], strides = [1, 1, 1]} : vector<32x200x512xbf16> to vector<1x200x16xbf16>
    %squeeze3A_881 = vector.shape_cast %slice3A_880 : vector<1x200x16xbf16> to vector<200x16xbf16>
    %mul3A_882 = arith.mulf %squeeze3A_879, %squeeze3A_881 : vector<200x16xbf16>
    %add3A_883 = arith.addf %add3A_869, %mul3A_882 : vector<200x16xbf16>
    %slice3A_884 = vector.extract_strided_slice %reshape3A_21 {offsets = [7, 0, 128], sizes = [1, 200, 16], strides = [1, 1, 1]} : vector<32x200x512xbf16> to vector<1x200x16xbf16>
    %squeeze3A_885 = vector.shape_cast %slice3A_884 : vector<1x200x16xbf16> to vector<200x16xbf16>
    %mul3A_886 = arith.mulf %squeeze3A_879, %squeeze3A_885 : vector<200x16xbf16>
    %add3A_887 = arith.addf %add3A_873, %mul3A_886 : vector<200x16xbf16>
    %slice3A_888 = vector.extract_strided_slice %reshape3A_21 {offsets = [7, 0, 256], sizes = [1, 200, 16], strides = [1, 1, 1]} : vector<32x200x512xbf16> to vector<1x200x16xbf16>
    %squeeze3A_889 = vector.shape_cast %slice3A_888 : vector<1x200x16xbf16> to vector<200x16xbf16>
    %mul3A_890 = arith.mulf %squeeze3A_879, %squeeze3A_889 : vector<200x16xbf16>
    %add3A_891 = arith.addf %add3A_877, %mul3A_890 : vector<200x16xbf16>
    %slice3A_892 = vector.extract_strided_slice %convert_element_type3A_11 {offsets = [8, 0, 0], sizes = [1, 200, 16], strides = [1, 1, 1]} : vector<32x200x16xbf16> to vector<1x200x16xbf16>
    %squeeze3A_893 = vector.shape_cast %slice3A_892 : vector<1x200x16xbf16> to vector<200x16xbf16>
    %slice3A_894 = vector.extract_strided_slice %reshape3A_21 {offsets = [8, 0, 0], sizes = [1, 200, 16], strides = [1, 1, 1]} : vector<32x200x512xbf16> to vector<1x200x16xbf16>
    %squeeze3A_895 = vector.shape_cast %slice3A_894 : vector<1x200x16xbf16> to vector<200x16xbf16>
    %mul3A_896 = arith.mulf %squeeze3A_893, %squeeze3A_895 : vector<200x16xbf16>
    %add3A_897 = arith.addf %add3A_883, %mul3A_896 : vector<200x16xbf16>
    %slice3A_898 = vector.extract_strided_slice %reshape3A_21 {offsets = [8, 0, 128], sizes = [1, 200, 16], strides = [1, 1, 1]} : vector<32x200x512xbf16> to vector<1x200x16xbf16>
    %squeeze3A_899 = vector.shape_cast %slice3A_898 : vector<1x200x16xbf16> to vector<200x16xbf16>
    %mul3A_900 = arith.mulf %squeeze3A_893, %squeeze3A_899 : vector<200x16xbf16>
    %add3A_901 = arith.addf %add3A_887, %mul3A_900 : vector<200x16xbf16>
    %slice3A_902 = vector.extract_strided_slice %reshape3A_21 {offsets = [8, 0, 256], sizes = [1, 200, 16], strides = [1, 1, 1]} : vector<32x200x512xbf16> to vector<1x200x16xbf16>
    %squeeze3A_903 = vector.shape_cast %slice3A_902 : vector<1x200x16xbf16> to vector<200x16xbf16>
    %mul3A_904 = arith.mulf %squeeze3A_893, %squeeze3A_903 : vector<200x16xbf16>
    %add3A_905 = arith.addf %add3A_891, %mul3A_904 : vector<200x16xbf16>
    %slice3A_906 = vector.extract_strided_slice %convert_element_type3A_11 {offsets = [9, 0, 0], sizes = [1, 200, 16], strides = [1, 1, 1]} : vector<32x200x16xbf16> to vector<1x200x16xbf16>
    %squeeze3A_907 = vector.shape_cast %slice3A_906 : vector<1x200x16xbf16> to vector<200x16xbf16>
    %slice3A_908 = vector.extract_strided_slice %reshape3A_21 {offsets = [9, 0, 0], sizes = [1, 200, 16], strides = [1, 1, 1]} : vector<32x200x512xbf16> to vector<1x200x16xbf16>
    %squeeze3A_909 = vector.shape_cast %slice3A_908 : vector<1x200x16xbf16> to vector<200x16xbf16>
    %mul3A_910 = arith.mulf %squeeze3A_907, %squeeze3A_909 : vector<200x16xbf16>
    %add3A_911 = arith.addf %add3A_897, %mul3A_910 : vector<200x16xbf16>
    %slice3A_912 = vector.extract_strided_slice %reshape3A_21 {offsets = [9, 0, 128], sizes = [1, 200, 16], strides = [1, 1, 1]} : vector<32x200x512xbf16> to vector<1x200x16xbf16>
    %squeeze3A_913 = vector.shape_cast %slice3A_912 : vector<1x200x16xbf16> to vector<200x16xbf16>
    %mul3A_914 = arith.mulf %squeeze3A_907, %squeeze3A_913 : vector<200x16xbf16>
    %add3A_915 = arith.addf %add3A_901, %mul3A_914 : vector<200x16xbf16>
    %slice3A_916 = vector.extract_strided_slice %reshape3A_21 {offsets = [9, 0, 256], sizes = [1, 200, 16], strides = [1, 1, 1]} : vector<32x200x512xbf16> to vector<1x200x16xbf16>
    %squeeze3A_917 = vector.shape_cast %slice3A_916 : vector<1x200x16xbf16> to vector<200x16xbf16>
    %mul3A_918 = arith.mulf %squeeze3A_907, %squeeze3A_917 : vector<200x16xbf16>
    %add3A_919 = arith.addf %add3A_905, %mul3A_918 : vector<200x16xbf16>
    %slice3A_920 = vector.extract_strided_slice %convert_element_type3A_11 {offsets = [10, 0, 0], sizes = [1, 200, 16], strides = [1, 1, 1]} : vector<32x200x16xbf16> to vector<1x200x16xbf16>
    %squeeze3A_921 = vector.shape_cast %slice3A_920 : vector<1x200x16xbf16> to vector<200x16xbf16>
    %slice3A_922 = vector.extract_strided_slice %reshape3A_21 {offsets = [10, 0, 0], sizes = [1, 200, 16], strides = [1, 1, 1]} : vector<32x200x512xbf16> to vector<1x200x16xbf16>
    %squeeze3A_923 = vector.shape_cast %slice3A_922 : vector<1x200x16xbf16> to vector<200x16xbf16>
    %mul3A_924 = arith.mulf %squeeze3A_921, %squeeze3A_923 : vector<200x16xbf16>
    %add3A_925 = arith.addf %add3A_911, %mul3A_924 : vector<200x16xbf16>
    %slice3A_926 = vector.extract_strided_slice %reshape3A_21 {offsets = [10, 0, 128], sizes = [1, 200, 16], strides = [1, 1, 1]} : vector<32x200x512xbf16> to vector<1x200x16xbf16>
    %squeeze3A_927 = vector.shape_cast %slice3A_926 : vector<1x200x16xbf16> to vector<200x16xbf16>
    %mul3A_928 = arith.mulf %squeeze3A_921, %squeeze3A_927 : vector<200x16xbf16>
    %add3A_929 = arith.addf %add3A_915, %mul3A_928 : vector<200x16xbf16>
    %slice3A_930 = vector.extract_strided_slice %reshape3A_21 {offsets = [10, 0, 256], sizes = [1, 200, 16], strides = [1, 1, 1]} : vector<32x200x512xbf16> to vector<1x200x16xbf16>
    %squeeze3A_931 = vector.shape_cast %slice3A_930 : vector<1x200x16xbf16> to vector<200x16xbf16>
    %mul3A_932 = arith.mulf %squeeze3A_921, %squeeze3A_931 : vector<200x16xbf16>
    %add3A_933 = arith.addf %add3A_919, %mul3A_932 : vector<200x16xbf16>
    %slice3A_934 = vector.extract_strided_slice %convert_element_type3A_11 {offsets = [11, 0, 0], sizes = [1, 200, 16], strides = [1, 1, 1]} : vector<32x200x16xbf16> to vector<1x200x16xbf16>
    %squeeze3A_935 = vector.shape_cast %slice3A_934 : vector<1x200x16xbf16> to vector<200x16xbf16>
    %slice3A_936 = vector.extract_strided_slice %reshape3A_21 {offsets = [11, 0, 0], sizes = [1, 200, 16], strides = [1, 1, 1]} : vector<32x200x512xbf16> to vector<1x200x16xbf16>
    %squeeze3A_937 = vector.shape_cast %slice3A_936 : vector<1x200x16xbf16> to vector<200x16xbf16>
    %mul3A_938 = arith.mulf %squeeze3A_935, %squeeze3A_937 : vector<200x16xbf16>
    %add3A_939 = arith.addf %add3A_925, %mul3A_938 : vector<200x16xbf16>
    %slice3A_940 = vector.extract_strided_slice %reshape3A_21 {offsets = [11, 0, 128], sizes = [1, 200, 16], strides = [1, 1, 1]} : vector<32x200x512xbf16> to vector<1x200x16xbf16>
    %squeeze3A_941 = vector.shape_cast %slice3A_940 : vector<1x200x16xbf16> to vector<200x16xbf16>
    %mul3A_942 = arith.mulf %squeeze3A_935, %squeeze3A_941 : vector<200x16xbf16>
    %add3A_943 = arith.addf %add3A_929, %mul3A_942 : vector<200x16xbf16>
    %slice3A_944 = vector.extract_strided_slice %reshape3A_21 {offsets = [11, 0, 256], sizes = [1, 200, 16], strides = [1, 1, 1]} : vector<32x200x512xbf16> to vector<1x200x16xbf16>
    %squeeze3A_945 = vector.shape_cast %slice3A_944 : vector<1x200x16xbf16> to vector<200x16xbf16>
    %mul3A_946 = arith.mulf %squeeze3A_935, %squeeze3A_945 : vector<200x16xbf16>
    %add3A_947 = arith.addf %add3A_933, %mul3A_946 : vector<200x16xbf16>
    %slice3A_948 = vector.extract_strided_slice %convert_element_type3A_11 {offsets = [12, 0, 0], sizes = [1, 200, 16], strides = [1, 1, 1]} : vector<32x200x16xbf16> to vector<1x200x16xbf16>
    %squeeze3A_949 = vector.shape_cast %slice3A_948 : vector<1x200x16xbf16> to vector<200x16xbf16>
    %slice3A_950 = vector.extract_strided_slice %reshape3A_21 {offsets = [12, 0, 0], sizes = [1, 200, 16], strides = [1, 1, 1]} : vector<32x200x512xbf16> to vector<1x200x16xbf16>
    %squeeze3A_951 = vector.shape_cast %slice3A_950 : vector<1x200x16xbf16> to vector<200x16xbf16>
    %mul3A_952 = arith.mulf %squeeze3A_949, %squeeze3A_951 : vector<200x16xbf16>
    %add3A_953 = arith.addf %add3A_939, %mul3A_952 : vector<200x16xbf16>
    %slice3A_954 = vector.extract_strided_slice %reshape3A_21 {offsets = [12, 0, 128], sizes = [1, 200, 16], strides = [1, 1, 1]} : vector<32x200x512xbf16> to vector<1x200x16xbf16>
    %squeeze3A_955 = vector.shape_cast %slice3A_954 : vector<1x200x16xbf16> to vector<200x16xbf16>
    %mul3A_956 = arith.mulf %squeeze3A_949, %squeeze3A_955 : vector<200x16xbf16>
    %add3A_957 = arith.addf %add3A_943, %mul3A_956 : vector<200x16xbf16>
    %slice3A_958 = vector.extract_strided_slice %reshape3A_21 {offsets = [12, 0, 256], sizes = [1, 200, 16], strides = [1, 1, 1]} : vector<32x200x512xbf16> to vector<1x200x16xbf16>
    %squeeze3A_959 = vector.shape_cast %slice3A_958 : vector<1x200x16xbf16> to vector<200x16xbf16>
    %mul3A_960 = arith.mulf %squeeze3A_949, %squeeze3A_959 : vector<200x16xbf16>
    %add3A_961 = arith.addf %add3A_947, %mul3A_960 : vector<200x16xbf16>
    %slice3A_962 = vector.extract_strided_slice %convert_element_type3A_11 {offsets = [13, 0, 0], sizes = [1, 200, 16], strides = [1, 1, 1]} : vector<32x200x16xbf16> to vector<1x200x16xbf16>
    %squeeze3A_963 = vector.shape_cast %slice3A_962 : vector<1x200x16xbf16> to vector<200x16xbf16>
    %slice3A_964 = vector.extract_strided_slice %reshape3A_21 {offsets = [13, 0, 0], sizes = [1, 200, 16], strides = [1, 1, 1]} : vector<32x200x512xbf16> to vector<1x200x16xbf16>
    %squeeze3A_965 = vector.shape_cast %slice3A_964 : vector<1x200x16xbf16> to vector<200x16xbf16>
    %mul3A_966 = arith.mulf %squeeze3A_963, %squeeze3A_965 : vector<200x16xbf16>
    %add3A_967 = arith.addf %add3A_953, %mul3A_966 : vector<200x16xbf16>
    %slice3A_968 = vector.extract_strided_slice %reshape3A_21 {offsets = [13, 0, 128], sizes = [1, 200, 16], strides = [1, 1, 1]} : vector<32x200x512xbf16> to vector<1x200x16xbf16>
    %squeeze3A_969 = vector.shape_cast %slice3A_968 : vector<1x200x16xbf16> to vector<200x16xbf16>
    %mul3A_970 = arith.mulf %squeeze3A_963, %squeeze3A_969 : vector<200x16xbf16>
    %add3A_971 = arith.addf %add3A_957, %mul3A_970 : vector<200x16xbf16>
    %slice3A_972 = vector.extract_strided_slice %reshape3A_21 {offsets = [13, 0, 256], sizes = [1, 200, 16], strides = [1, 1, 1]} : vector<32x200x512xbf16> to vector<1x200x16xbf16>
    %squeeze3A_973 = vector.shape_cast %slice3A_972 : vector<1x200x16xbf16> to vector<200x16xbf16>
    %mul3A_974 = arith.mulf %squeeze3A_963, %squeeze3A_973 : vector<200x16xbf16>
    %add3A_975 = arith.addf %add3A_961, %mul3A_974 : vector<200x16xbf16>
    %slice3A_976 = vector.extract_strided_slice %convert_element_type3A_11 {offsets = [14, 0, 0], sizes = [1, 200, 16], strides = [1, 1, 1]} : vector<32x200x16xbf16> to vector<1x200x16xbf16>
    %squeeze3A_977 = vector.shape_cast %slice3A_976 : vector<1x200x16xbf16> to vector<200x16xbf16>
    %slice3A_978 = vector.extract_strided_slice %reshape3A_21 {offsets = [14, 0, 0], sizes = [1, 200, 16], strides = [1, 1, 1]} : vector<32x200x512xbf16> to vector<1x200x16xbf16>
    %squeeze3A_979 = vector.shape_cast %slice3A_978 : vector<1x200x16xbf16> to vector<200x16xbf16>
    %mul3A_980 = arith.mulf %squeeze3A_977, %squeeze3A_979 : vector<200x16xbf16>
    %add3A_981 = arith.addf %add3A_967, %mul3A_980 : vector<200x16xbf16>
    %slice3A_982 = vector.extract_strided_slice %reshape3A_21 {offsets = [14, 0, 128], sizes = [1, 200, 16], strides = [1, 1, 1]} : vector<32x200x512xbf16> to vector<1x200x16xbf16>
    %squeeze3A_983 = vector.shape_cast %slice3A_982 : vector<1x200x16xbf16> to vector<200x16xbf16>
    %mul3A_984 = arith.mulf %squeeze3A_977, %squeeze3A_983 : vector<200x16xbf16>
    %add3A_985 = arith.addf %add3A_971, %mul3A_984 : vector<200x16xbf16>
    %slice3A_986 = vector.extract_strided_slice %reshape3A_21 {offsets = [14, 0, 256], sizes = [1, 200, 16], strides = [1, 1, 1]} : vector<32x200x512xbf16> to vector<1x200x16xbf16>
    %squeeze3A_987 = vector.shape_cast %slice3A_986 : vector<1x200x16xbf16> to vector<200x16xbf16>
    %mul3A_988 = arith.mulf %squeeze3A_977, %squeeze3A_987 : vector<200x16xbf16>
    %add3A_989 = arith.addf %add3A_975, %mul3A_988 : vector<200x16xbf16>
    %slice3A_990 = vector.extract_strided_slice %convert_element_type3A_11 {offsets = [15, 0, 0], sizes = [1, 200, 16], strides = [1, 1, 1]} : vector<32x200x16xbf16> to vector<1x200x16xbf16>
    %squeeze3A_991 = vector.shape_cast %slice3A_990 : vector<1x200x16xbf16> to vector<200x16xbf16>
    %slice3A_992 = vector.extract_strided_slice %reshape3A_21 {offsets = [15, 0, 0], sizes = [1, 200, 16], strides = [1, 1, 1]} : vector<32x200x512xbf16> to vector<1x200x16xbf16>
    %squeeze3A_993 = vector.shape_cast %slice3A_992 : vector<1x200x16xbf16> to vector<200x16xbf16>
    %mul3A_994 = arith.mulf %squeeze3A_991, %squeeze3A_993 : vector<200x16xbf16>
    %add3A_995 = arith.addf %add3A_981, %mul3A_994 : vector<200x16xbf16>
    %slice3A_996 = vector.extract_strided_slice %reshape3A_21 {offsets = [15, 0, 128], sizes = [1, 200, 16], strides = [1, 1, 1]} : vector<32x200x512xbf16> to vector<1x200x16xbf16>
    %squeeze3A_997 = vector.shape_cast %slice3A_996 : vector<1x200x16xbf16> to vector<200x16xbf16>
    %mul3A_998 = arith.mulf %squeeze3A_991, %squeeze3A_997 : vector<200x16xbf16>
    %add3A_999 = arith.addf %add3A_985, %mul3A_998 : vector<200x16xbf16>
    %slice3A_1000 = vector.extract_strided_slice %reshape3A_21 {offsets = [15, 0, 256], sizes = [1, 200, 16], strides = [1, 1, 1]} : vector<32x200x512xbf16> to vector<1x200x16xbf16>
    %squeeze3A_1001 = vector.shape_cast %slice3A_1000 : vector<1x200x16xbf16> to vector<200x16xbf16>
    %mul3A_1002 = arith.mulf %squeeze3A_991, %squeeze3A_1001 : vector<200x16xbf16>
    %add3A_1003 = arith.addf %add3A_989, %mul3A_1002 : vector<200x16xbf16>
    %slice3A_1004 = vector.extract_strided_slice %convert_element_type3A_11 {offsets = [16, 0, 0], sizes = [1, 200, 16], strides = [1, 1, 1]} : vector<32x200x16xbf16> to vector<1x200x16xbf16>
    %squeeze3A_1005 = vector.shape_cast %slice3A_1004 : vector<1x200x16xbf16> to vector<200x16xbf16>
    %slice3A_1006 = vector.extract_strided_slice %reshape3A_21 {offsets = [16, 0, 0], sizes = [1, 200, 16], strides = [1, 1, 1]} : vector<32x200x512xbf16> to vector<1x200x16xbf16>
    %squeeze3A_1007 = vector.shape_cast %slice3A_1006 : vector<1x200x16xbf16> to vector<200x16xbf16>
    %mul3A_1008 = arith.mulf %squeeze3A_1005, %squeeze3A_1007 : vector<200x16xbf16>
    %add3A_1009 = arith.addf %add3A_995, %mul3A_1008 : vector<200x16xbf16>
    %slice3A_1010 = vector.extract_strided_slice %reshape3A_21 {offsets = [16, 0, 128], sizes = [1, 200, 16], strides = [1, 1, 1]} : vector<32x200x512xbf16> to vector<1x200x16xbf16>
    %squeeze3A_1011 = vector.shape_cast %slice3A_1010 : vector<1x200x16xbf16> to vector<200x16xbf16>
    %mul3A_1012 = arith.mulf %squeeze3A_1005, %squeeze3A_1011 : vector<200x16xbf16>
    %add3A_1013 = arith.addf %add3A_999, %mul3A_1012 : vector<200x16xbf16>
    %slice3A_1014 = vector.extract_strided_slice %reshape3A_21 {offsets = [16, 0, 256], sizes = [1, 200, 16], strides = [1, 1, 1]} : vector<32x200x512xbf16> to vector<1x200x16xbf16>
    %squeeze3A_1015 = vector.shape_cast %slice3A_1014 : vector<1x200x16xbf16> to vector<200x16xbf16>
    %mul3A_1016 = arith.mulf %squeeze3A_1005, %squeeze3A_1015 : vector<200x16xbf16>
    %add3A_1017 = arith.addf %add3A_1003, %mul3A_1016 : vector<200x16xbf16>
    %slice3A_1018 = vector.extract_strided_slice %convert_element_type3A_11 {offsets = [17, 0, 0], sizes = [1, 200, 16], strides = [1, 1, 1]} : vector<32x200x16xbf16> to vector<1x200x16xbf16>
    %squeeze3A_1019 = vector.shape_cast %slice3A_1018 : vector<1x200x16xbf16> to vector<200x16xbf16>
    %slice3A_1020 = vector.extract_strided_slice %reshape3A_21 {offsets = [17, 0, 0], sizes = [1, 200, 16], strides = [1, 1, 1]} : vector<32x200x512xbf16> to vector<1x200x16xbf16>
    %squeeze3A_1021 = vector.shape_cast %slice3A_1020 : vector<1x200x16xbf16> to vector<200x16xbf16>
    %mul3A_1022 = arith.mulf %squeeze3A_1019, %squeeze3A_1021 : vector<200x16xbf16>
    %add3A_1023 = arith.addf %add3A_1009, %mul3A_1022 : vector<200x16xbf16>
    %slice3A_1024 = vector.extract_strided_slice %reshape3A_21 {offsets = [17, 0, 128], sizes = [1, 200, 16], strides = [1, 1, 1]} : vector<32x200x512xbf16> to vector<1x200x16xbf16>
    %squeeze3A_1025 = vector.shape_cast %slice3A_1024 : vector<1x200x16xbf16> to vector<200x16xbf16>
    %mul3A_1026 = arith.mulf %squeeze3A_1019, %squeeze3A_1025 : vector<200x16xbf16>
    %add3A_1027 = arith.addf %add3A_1013, %mul3A_1026 : vector<200x16xbf16>
    %slice3A_1028 = vector.extract_strided_slice %reshape3A_21 {offsets = [17, 0, 256], sizes = [1, 200, 16], strides = [1, 1, 1]} : vector<32x200x512xbf16> to vector<1x200x16xbf16>
    %squeeze3A_1029 = vector.shape_cast %slice3A_1028 : vector<1x200x16xbf16> to vector<200x16xbf16>
    %mul3A_1030 = arith.mulf %squeeze3A_1019, %squeeze3A_1029 : vector<200x16xbf16>
    %add3A_1031 = arith.addf %add3A_1017, %mul3A_1030 : vector<200x16xbf16>
    %slice3A_1032 = vector.extract_strided_slice %convert_element_type3A_11 {offsets = [18, 0, 0], sizes = [1, 200, 16], strides = [1, 1, 1]} : vector<32x200x16xbf16> to vector<1x200x16xbf16>
    %squeeze3A_1033 = vector.shape_cast %slice3A_1032 : vector<1x200x16xbf16> to vector<200x16xbf16>
    %slice3A_1034 = vector.extract_strided_slice %reshape3A_21 {offsets = [18, 0, 0], sizes = [1, 200, 16], strides = [1, 1, 1]} : vector<32x200x512xbf16> to vector<1x200x16xbf16>
    %squeeze3A_1035 = vector.shape_cast %slice3A_1034 : vector<1x200x16xbf16> to vector<200x16xbf16>
    %mul3A_1036 = arith.mulf %squeeze3A_1033, %squeeze3A_1035 : vector<200x16xbf16>
    %add3A_1037 = arith.addf %add3A_1023, %mul3A_1036 : vector<200x16xbf16>
    %slice3A_1038 = vector.extract_strided_slice %reshape3A_21 {offsets = [18, 0, 128], sizes = [1, 200, 16], strides = [1, 1, 1]} : vector<32x200x512xbf16> to vector<1x200x16xbf16>
    %squeeze3A_1039 = vector.shape_cast %slice3A_1038 : vector<1x200x16xbf16> to vector<200x16xbf16>
    %mul3A_1040 = arith.mulf %squeeze3A_1033, %squeeze3A_1039 : vector<200x16xbf16>
    %add3A_1041 = arith.addf %add3A_1027, %mul3A_1040 : vector<200x16xbf16>
    %slice3A_1042 = vector.extract_strided_slice %reshape3A_21 {offsets = [18, 0, 256], sizes = [1, 200, 16], strides = [1, 1, 1]} : vector<32x200x512xbf16> to vector<1x200x16xbf16>
    %squeeze3A_1043 = vector.shape_cast %slice3A_1042 : vector<1x200x16xbf16> to vector<200x16xbf16>
    %mul3A_1044 = arith.mulf %squeeze3A_1033, %squeeze3A_1043 : vector<200x16xbf16>
    %add3A_1045 = arith.addf %add3A_1031, %mul3A_1044 : vector<200x16xbf16>
    %slice3A_1046 = vector.extract_strided_slice %convert_element_type3A_11 {offsets = [19, 0, 0], sizes = [1, 200, 16], strides = [1, 1, 1]} : vector<32x200x16xbf16> to vector<1x200x16xbf16>
    %squeeze3A_1047 = vector.shape_cast %slice3A_1046 : vector<1x200x16xbf16> to vector<200x16xbf16>
    %slice3A_1048 = vector.extract_strided_slice %reshape3A_21 {offsets = [19, 0, 0], sizes = [1, 200, 16], strides = [1, 1, 1]} : vector<32x200x512xbf16> to vector<1x200x16xbf16>
    %squeeze3A_1049 = vector.shape_cast %slice3A_1048 : vector<1x200x16xbf16> to vector<200x16xbf16>
    %mul3A_1050 = arith.mulf %squeeze3A_1047, %squeeze3A_1049 : vector<200x16xbf16>
    %add3A_1051 = arith.addf %add3A_1037, %mul3A_1050 : vector<200x16xbf16>
    %slice3A_1052 = vector.extract_strided_slice %reshape3A_21 {offsets = [19, 0, 128], sizes = [1, 200, 16], strides = [1, 1, 1]} : vector<32x200x512xbf16> to vector<1x200x16xbf16>
    %squeeze3A_1053 = vector.shape_cast %slice3A_1052 : vector<1x200x16xbf16> to vector<200x16xbf16>
    %mul3A_1054 = arith.mulf %squeeze3A_1047, %squeeze3A_1053 : vector<200x16xbf16>
    %add3A_1055 = arith.addf %add3A_1041, %mul3A_1054 : vector<200x16xbf16>
    %slice3A_1056 = vector.extract_strided_slice %reshape3A_21 {offsets = [19, 0, 256], sizes = [1, 200, 16], strides = [1, 1, 1]} : vector<32x200x512xbf16> to vector<1x200x16xbf16>
    %squeeze3A_1057 = vector.shape_cast %slice3A_1056 : vector<1x200x16xbf16> to vector<200x16xbf16>
    %mul3A_1058 = arith.mulf %squeeze3A_1047, %squeeze3A_1057 : vector<200x16xbf16>
    %add3A_1059 = arith.addf %add3A_1045, %mul3A_1058 : vector<200x16xbf16>
    %slice3A_1060 = vector.extract_strided_slice %convert_element_type3A_11 {offsets = [20, 0, 0], sizes = [1, 200, 16], strides = [1, 1, 1]} : vector<32x200x16xbf16> to vector<1x200x16xbf16>
    %squeeze3A_1061 = vector.shape_cast %slice3A_1060 : vector<1x200x16xbf16> to vector<200x16xbf16>
    %slice3A_1062 = vector.extract_strided_slice %reshape3A_21 {offsets = [20, 0, 0], sizes = [1, 200, 16], strides = [1, 1, 1]} : vector<32x200x512xbf16> to vector<1x200x16xbf16>
    %squeeze3A_1063 = vector.shape_cast %slice3A_1062 : vector<1x200x16xbf16> to vector<200x16xbf16>
    %mul3A_1064 = arith.mulf %squeeze3A_1061, %squeeze3A_1063 : vector<200x16xbf16>
    %add3A_1065 = arith.addf %add3A_1051, %mul3A_1064 : vector<200x16xbf16>
    %slice3A_1066 = vector.extract_strided_slice %reshape3A_21 {offsets = [20, 0, 128], sizes = [1, 200, 16], strides = [1, 1, 1]} : vector<32x200x512xbf16> to vector<1x200x16xbf16>
    %squeeze3A_1067 = vector.shape_cast %slice3A_1066 : vector<1x200x16xbf16> to vector<200x16xbf16>
    %mul3A_1068 = arith.mulf %squeeze3A_1061, %squeeze3A_1067 : vector<200x16xbf16>
    %add3A_1069 = arith.addf %add3A_1055, %mul3A_1068 : vector<200x16xbf16>
    %slice3A_1070 = vector.extract_strided_slice %reshape3A_21 {offsets = [20, 0, 256], sizes = [1, 200, 16], strides = [1, 1, 1]} : vector<32x200x512xbf16> to vector<1x200x16xbf16>
    %squeeze3A_1071 = vector.shape_cast %slice3A_1070 : vector<1x200x16xbf16> to vector<200x16xbf16>
    %mul3A_1072 = arith.mulf %squeeze3A_1061, %squeeze3A_1071 : vector<200x16xbf16>
    %add3A_1073 = arith.addf %add3A_1059, %mul3A_1072 : vector<200x16xbf16>
    %slice3A_1074 = vector.extract_strided_slice %convert_element_type3A_11 {offsets = [21, 0, 0], sizes = [1, 200, 16], strides = [1, 1, 1]} : vector<32x200x16xbf16> to vector<1x200x16xbf16>
    %squeeze3A_1075 = vector.shape_cast %slice3A_1074 : vector<1x200x16xbf16> to vector<200x16xbf16>
    %slice3A_1076 = vector.extract_strided_slice %reshape3A_21 {offsets = [21, 0, 0], sizes = [1, 200, 16], strides = [1, 1, 1]} : vector<32x200x512xbf16> to vector<1x200x16xbf16>
    %squeeze3A_1077 = vector.shape_cast %slice3A_1076 : vector<1x200x16xbf16> to vector<200x16xbf16>
    %mul3A_1078 = arith.mulf %squeeze3A_1075, %squeeze3A_1077 : vector<200x16xbf16>
    %add3A_1079 = arith.addf %add3A_1065, %mul3A_1078 : vector<200x16xbf16>
    %slice3A_1080 = vector.extract_strided_slice %reshape3A_21 {offsets = [21, 0, 128], sizes = [1, 200, 16], strides = [1, 1, 1]} : vector<32x200x512xbf16> to vector<1x200x16xbf16>
    %squeeze3A_1081 = vector.shape_cast %slice3A_1080 : vector<1x200x16xbf16> to vector<200x16xbf16>
    %mul3A_1082 = arith.mulf %squeeze3A_1075, %squeeze3A_1081 : vector<200x16xbf16>
    %add3A_1083 = arith.addf %add3A_1069, %mul3A_1082 : vector<200x16xbf16>
    %slice3A_1084 = vector.extract_strided_slice %reshape3A_21 {offsets = [21, 0, 256], sizes = [1, 200, 16], strides = [1, 1, 1]} : vector<32x200x512xbf16> to vector<1x200x16xbf16>
    %squeeze3A_1085 = vector.shape_cast %slice3A_1084 : vector<1x200x16xbf16> to vector<200x16xbf16>
    %mul3A_1086 = arith.mulf %squeeze3A_1075, %squeeze3A_1085 : vector<200x16xbf16>
    %add3A_1087 = arith.addf %add3A_1073, %mul3A_1086 : vector<200x16xbf16>
    %slice3A_1088 = vector.extract_strided_slice %convert_element_type3A_11 {offsets = [22, 0, 0], sizes = [1, 200, 16], strides = [1, 1, 1]} : vector<32x200x16xbf16> to vector<1x200x16xbf16>
    %squeeze3A_1089 = vector.shape_cast %slice3A_1088 : vector<1x200x16xbf16> to vector<200x16xbf16>
    %slice3A_1090 = vector.extract_strided_slice %reshape3A_21 {offsets = [22, 0, 0], sizes = [1, 200, 16], strides = [1, 1, 1]} : vector<32x200x512xbf16> to vector<1x200x16xbf16>
    %squeeze3A_1091 = vector.shape_cast %slice3A_1090 : vector<1x200x16xbf16> to vector<200x16xbf16>
    %mul3A_1092 = arith.mulf %squeeze3A_1089, %squeeze3A_1091 : vector<200x16xbf16>
    %add3A_1093 = arith.addf %add3A_1079, %mul3A_1092 : vector<200x16xbf16>
    %slice3A_1094 = vector.extract_strided_slice %reshape3A_21 {offsets = [22, 0, 128], sizes = [1, 200, 16], strides = [1, 1, 1]} : vector<32x200x512xbf16> to vector<1x200x16xbf16>
    %squeeze3A_1095 = vector.shape_cast %slice3A_1094 : vector<1x200x16xbf16> to vector<200x16xbf16>
    %mul3A_1096 = arith.mulf %squeeze3A_1089, %squeeze3A_1095 : vector<200x16xbf16>
    %add3A_1097 = arith.addf %add3A_1083, %mul3A_1096 : vector<200x16xbf16>
    %slice3A_1098 = vector.extract_strided_slice %reshape3A_21 {offsets = [22, 0, 256], sizes = [1, 200, 16], strides = [1, 1, 1]} : vector<32x200x512xbf16> to vector<1x200x16xbf16>
    %squeeze3A_1099 = vector.shape_cast %slice3A_1098 : vector<1x200x16xbf16> to vector<200x16xbf16>
    %mul3A_1100 = arith.mulf %squeeze3A_1089, %squeeze3A_1099 : vector<200x16xbf16>
    %add3A_1101 = arith.addf %add3A_1087, %mul3A_1100 : vector<200x16xbf16>
    %slice3A_1102 = vector.extract_strided_slice %convert_element_type3A_11 {offsets = [23, 0, 0], sizes = [1, 200, 16], strides = [1, 1, 1]} : vector<32x200x16xbf16> to vector<1x200x16xbf16>
    %squeeze3A_1103 = vector.shape_cast %slice3A_1102 : vector<1x200x16xbf16> to vector<200x16xbf16>
    %slice3A_1104 = vector.extract_strided_slice %reshape3A_21 {offsets = [23, 0, 0], sizes = [1, 200, 16], strides = [1, 1, 1]} : vector<32x200x512xbf16> to vector<1x200x16xbf16>
    %squeeze3A_1105 = vector.shape_cast %slice3A_1104 : vector<1x200x16xbf16> to vector<200x16xbf16>
    %mul3A_1106 = arith.mulf %squeeze3A_1103, %squeeze3A_1105 : vector<200x16xbf16>
    %add3A_1107 = arith.addf %add3A_1093, %mul3A_1106 : vector<200x16xbf16>
    %slice3A_1108 = vector.extract_strided_slice %reshape3A_21 {offsets = [23, 0, 128], sizes = [1, 200, 16], strides = [1, 1, 1]} : vector<32x200x512xbf16> to vector<1x200x16xbf16>
    %squeeze3A_1109 = vector.shape_cast %slice3A_1108 : vector<1x200x16xbf16> to vector<200x16xbf16>
    %mul3A_1110 = arith.mulf %squeeze3A_1103, %squeeze3A_1109 : vector<200x16xbf16>
    %add3A_1111 = arith.addf %add3A_1097, %mul3A_1110 : vector<200x16xbf16>
    %slice3A_1112 = vector.extract_strided_slice %reshape3A_21 {offsets = [23, 0, 256], sizes = [1, 200, 16], strides = [1, 1, 1]} : vector<32x200x512xbf16> to vector<1x200x16xbf16>
    %squeeze3A_1113 = vector.shape_cast %slice3A_1112 : vector<1x200x16xbf16> to vector<200x16xbf16>
    %mul3A_1114 = arith.mulf %squeeze3A_1103, %squeeze3A_1113 : vector<200x16xbf16>
    %add3A_1115 = arith.addf %add3A_1101, %mul3A_1114 : vector<200x16xbf16>
    %slice3A_1116 = vector.extract_strided_slice %convert_element_type3A_11 {offsets = [24, 0, 0], sizes = [1, 200, 16], strides = [1, 1, 1]} : vector<32x200x16xbf16> to vector<1x200x16xbf16>
    %squeeze3A_1117 = vector.shape_cast %slice3A_1116 : vector<1x200x16xbf16> to vector<200x16xbf16>
    %slice3A_1118 = vector.extract_strided_slice %reshape3A_21 {offsets = [24, 0, 0], sizes = [1, 200, 16], strides = [1, 1, 1]} : vector<32x200x512xbf16> to vector<1x200x16xbf16>
    %squeeze3A_1119 = vector.shape_cast %slice3A_1118 : vector<1x200x16xbf16> to vector<200x16xbf16>
    %mul3A_1120 = arith.mulf %squeeze3A_1117, %squeeze3A_1119 : vector<200x16xbf16>
    %add3A_1121 = arith.addf %add3A_1107, %mul3A_1120 : vector<200x16xbf16>
    %slice3A_1122 = vector.extract_strided_slice %reshape3A_21 {offsets = [24, 0, 128], sizes = [1, 200, 16], strides = [1, 1, 1]} : vector<32x200x512xbf16> to vector<1x200x16xbf16>
    %squeeze3A_1123 = vector.shape_cast %slice3A_1122 : vector<1x200x16xbf16> to vector<200x16xbf16>
    %mul3A_1124 = arith.mulf %squeeze3A_1117, %squeeze3A_1123 : vector<200x16xbf16>
    %add3A_1125 = arith.addf %add3A_1111, %mul3A_1124 : vector<200x16xbf16>
    %slice3A_1126 = vector.extract_strided_slice %reshape3A_21 {offsets = [24, 0, 256], sizes = [1, 200, 16], strides = [1, 1, 1]} : vector<32x200x512xbf16> to vector<1x200x16xbf16>
    %squeeze3A_1127 = vector.shape_cast %slice3A_1126 : vector<1x200x16xbf16> to vector<200x16xbf16>
    %mul3A_1128 = arith.mulf %squeeze3A_1117, %squeeze3A_1127 : vector<200x16xbf16>
    %add3A_1129 = arith.addf %add3A_1115, %mul3A_1128 : vector<200x16xbf16>
    %slice3A_1130 = vector.extract_strided_slice %convert_element_type3A_11 {offsets = [25, 0, 0], sizes = [1, 200, 16], strides = [1, 1, 1]} : vector<32x200x16xbf16> to vector<1x200x16xbf16>
    %squeeze3A_1131 = vector.shape_cast %slice3A_1130 : vector<1x200x16xbf16> to vector<200x16xbf16>
    %slice3A_1132 = vector.extract_strided_slice %reshape3A_21 {offsets = [25, 0, 0], sizes = [1, 200, 16], strides = [1, 1, 1]} : vector<32x200x512xbf16> to vector<1x200x16xbf16>
    %squeeze3A_1133 = vector.shape_cast %slice3A_1132 : vector<1x200x16xbf16> to vector<200x16xbf16>
    %mul3A_1134 = arith.mulf %squeeze3A_1131, %squeeze3A_1133 : vector<200x16xbf16>
    %add3A_1135 = arith.addf %add3A_1121, %mul3A_1134 : vector<200x16xbf16>
    %slice3A_1136 = vector.extract_strided_slice %reshape3A_21 {offsets = [25, 0, 128], sizes = [1, 200, 16], strides = [1, 1, 1]} : vector<32x200x512xbf16> to vector<1x200x16xbf16>
    %squeeze3A_1137 = vector.shape_cast %slice3A_1136 : vector<1x200x16xbf16> to vector<200x16xbf16>
    %mul3A_1138 = arith.mulf %squeeze3A_1131, %squeeze3A_1137 : vector<200x16xbf16>
    %add3A_1139 = arith.addf %add3A_1125, %mul3A_1138 : vector<200x16xbf16>
    %slice3A_1140 = vector.extract_strided_slice %reshape3A_21 {offsets = [25, 0, 256], sizes = [1, 200, 16], strides = [1, 1, 1]} : vector<32x200x512xbf16> to vector<1x200x16xbf16>
    %squeeze3A_1141 = vector.shape_cast %slice3A_1140 : vector<1x200x16xbf16> to vector<200x16xbf16>
    %mul3A_1142 = arith.mulf %squeeze3A_1131, %squeeze3A_1141 : vector<200x16xbf16>
    %add3A_1143 = arith.addf %add3A_1129, %mul3A_1142 : vector<200x16xbf16>
    %slice3A_1144 = vector.extract_strided_slice %convert_element_type3A_11 {offsets = [26, 0, 0], sizes = [1, 200, 16], strides = [1, 1, 1]} : vector<32x200x16xbf16> to vector<1x200x16xbf16>
    %squeeze3A_1145 = vector.shape_cast %slice3A_1144 : vector<1x200x16xbf16> to vector<200x16xbf16>
    %slice3A_1146 = vector.extract_strided_slice %reshape3A_21 {offsets = [26, 0, 0], sizes = [1, 200, 16], strides = [1, 1, 1]} : vector<32x200x512xbf16> to vector<1x200x16xbf16>
    %squeeze3A_1147 = vector.shape_cast %slice3A_1146 : vector<1x200x16xbf16> to vector<200x16xbf16>
    %mul3A_1148 = arith.mulf %squeeze3A_1145, %squeeze3A_1147 : vector<200x16xbf16>
    %add3A_1149 = arith.addf %add3A_1135, %mul3A_1148 : vector<200x16xbf16>
    %slice3A_1150 = vector.extract_strided_slice %reshape3A_21 {offsets = [26, 0, 128], sizes = [1, 200, 16], strides = [1, 1, 1]} : vector<32x200x512xbf16> to vector<1x200x16xbf16>
    %squeeze3A_1151 = vector.shape_cast %slice3A_1150 : vector<1x200x16xbf16> to vector<200x16xbf16>
    %mul3A_1152 = arith.mulf %squeeze3A_1145, %squeeze3A_1151 : vector<200x16xbf16>
    %add3A_1153 = arith.addf %add3A_1139, %mul3A_1152 : vector<200x16xbf16>
    %slice3A_1154 = vector.extract_strided_slice %reshape3A_21 {offsets = [26, 0, 256], sizes = [1, 200, 16], strides = [1, 1, 1]} : vector<32x200x512xbf16> to vector<1x200x16xbf16>
    %squeeze3A_1155 = vector.shape_cast %slice3A_1154 : vector<1x200x16xbf16> to vector<200x16xbf16>
    %mul3A_1156 = arith.mulf %squeeze3A_1145, %squeeze3A_1155 : vector<200x16xbf16>
    %add3A_1157 = arith.addf %add3A_1143, %mul3A_1156 : vector<200x16xbf16>
    %slice3A_1158 = vector.extract_strided_slice %convert_element_type3A_11 {offsets = [27, 0, 0], sizes = [1, 200, 16], strides = [1, 1, 1]} : vector<32x200x16xbf16> to vector<1x200x16xbf16>
    %squeeze3A_1159 = vector.shape_cast %slice3A_1158 : vector<1x200x16xbf16> to vector<200x16xbf16>
    %slice3A_1160 = vector.extract_strided_slice %reshape3A_21 {offsets = [27, 0, 0], sizes = [1, 200, 16], strides = [1, 1, 1]} : vector<32x200x512xbf16> to vector<1x200x16xbf16>
    %squeeze3A_1161 = vector.shape_cast %slice3A_1160 : vector<1x200x16xbf16> to vector<200x16xbf16>
    %mul3A_1162 = arith.mulf %squeeze3A_1159, %squeeze3A_1161 : vector<200x16xbf16>
    %add3A_1163 = arith.addf %add3A_1149, %mul3A_1162 : vector<200x16xbf16>
    %slice3A_1164 = vector.extract_strided_slice %reshape3A_21 {offsets = [27, 0, 128], sizes = [1, 200, 16], strides = [1, 1, 1]} : vector<32x200x512xbf16> to vector<1x200x16xbf16>
    %squeeze3A_1165 = vector.shape_cast %slice3A_1164 : vector<1x200x16xbf16> to vector<200x16xbf16>
    %mul3A_1166 = arith.mulf %squeeze3A_1159, %squeeze3A_1165 : vector<200x16xbf16>
    %add3A_1167 = arith.addf %add3A_1153, %mul3A_1166 : vector<200x16xbf16>
    %slice3A_1168 = vector.extract_strided_slice %reshape3A_21 {offsets = [27, 0, 256], sizes = [1, 200, 16], strides = [1, 1, 1]} : vector<32x200x512xbf16> to vector<1x200x16xbf16>
    %squeeze3A_1169 = vector.shape_cast %slice3A_1168 : vector<1x200x16xbf16> to vector<200x16xbf16>
    %mul3A_1170 = arith.mulf %squeeze3A_1159, %squeeze3A_1169 : vector<200x16xbf16>
    %add3A_1171 = arith.addf %add3A_1157, %mul3A_1170 : vector<200x16xbf16>
    %slice3A_1172 = vector.extract_strided_slice %convert_element_type3A_11 {offsets = [28, 0, 0], sizes = [1, 200, 16], strides = [1, 1, 1]} : vector<32x200x16xbf16> to vector<1x200x16xbf16>
    %squeeze3A_1173 = vector.shape_cast %slice3A_1172 : vector<1x200x16xbf16> to vector<200x16xbf16>
    %slice3A_1174 = vector.extract_strided_slice %reshape3A_21 {offsets = [28, 0, 0], sizes = [1, 200, 16], strides = [1, 1, 1]} : vector<32x200x512xbf16> to vector<1x200x16xbf16>
    %squeeze3A_1175 = vector.shape_cast %slice3A_1174 : vector<1x200x16xbf16> to vector<200x16xbf16>
    %mul3A_1176 = arith.mulf %squeeze3A_1173, %squeeze3A_1175 : vector<200x16xbf16>
    %add3A_1177 = arith.addf %add3A_1163, %mul3A_1176 : vector<200x16xbf16>
    %slice3A_1178 = vector.extract_strided_slice %reshape3A_21 {offsets = [28, 0, 128], sizes = [1, 200, 16], strides = [1, 1, 1]} : vector<32x200x512xbf16> to vector<1x200x16xbf16>
    %squeeze3A_1179 = vector.shape_cast %slice3A_1178 : vector<1x200x16xbf16> to vector<200x16xbf16>
    %mul3A_1180 = arith.mulf %squeeze3A_1173, %squeeze3A_1179 : vector<200x16xbf16>
    %add3A_1181 = arith.addf %add3A_1167, %mul3A_1180 : vector<200x16xbf16>
    %slice3A_1182 = vector.extract_strided_slice %reshape3A_21 {offsets = [28, 0, 256], sizes = [1, 200, 16], strides = [1, 1, 1]} : vector<32x200x512xbf16> to vector<1x200x16xbf16>
    %squeeze3A_1183 = vector.shape_cast %slice3A_1182 : vector<1x200x16xbf16> to vector<200x16xbf16>
    %mul3A_1184 = arith.mulf %squeeze3A_1173, %squeeze3A_1183 : vector<200x16xbf16>
    %add3A_1185 = arith.addf %add3A_1171, %mul3A_1184 : vector<200x16xbf16>
    %slice3A_1186 = vector.extract_strided_slice %convert_element_type3A_11 {offsets = [29, 0, 0], sizes = [1, 200, 16], strides = [1, 1, 1]} : vector<32x200x16xbf16> to vector<1x200x16xbf16>
    %squeeze3A_1187 = vector.shape_cast %slice3A_1186 : vector<1x200x16xbf16> to vector<200x16xbf16>
    %slice3A_1188 = vector.extract_strided_slice %reshape3A_21 {offsets = [29, 0, 0], sizes = [1, 200, 16], strides = [1, 1, 1]} : vector<32x200x512xbf16> to vector<1x200x16xbf16>
    %squeeze3A_1189 = vector.shape_cast %slice3A_1188 : vector<1x200x16xbf16> to vector<200x16xbf16>
    %mul3A_1190 = arith.mulf %squeeze3A_1187, %squeeze3A_1189 : vector<200x16xbf16>
    %add3A_1191 = arith.addf %add3A_1177, %mul3A_1190 : vector<200x16xbf16>
    %slice3A_1192 = vector.extract_strided_slice %reshape3A_21 {offsets = [29, 0, 128], sizes = [1, 200, 16], strides = [1, 1, 1]} : vector<32x200x512xbf16> to vector<1x200x16xbf16>
    %squeeze3A_1193 = vector.shape_cast %slice3A_1192 : vector<1x200x16xbf16> to vector<200x16xbf16>
    %mul3A_1194 = arith.mulf %squeeze3A_1187, %squeeze3A_1193 : vector<200x16xbf16>
    %add3A_1195 = arith.addf %add3A_1181, %mul3A_1194 : vector<200x16xbf16>
    %slice3A_1196 = vector.extract_strided_slice %reshape3A_21 {offsets = [29, 0, 256], sizes = [1, 200, 16], strides = [1, 1, 1]} : vector<32x200x512xbf16> to vector<1x200x16xbf16>
    %squeeze3A_1197 = vector.shape_cast %slice3A_1196 : vector<1x200x16xbf16> to vector<200x16xbf16>
    %mul3A_1198 = arith.mulf %squeeze3A_1187, %squeeze3A_1197 : vector<200x16xbf16>
    %add3A_1199 = arith.addf %add3A_1185, %mul3A_1198 : vector<200x16xbf16>
    %slice3A_1200 = vector.extract_strided_slice %convert_element_type3A_11 {offsets = [30, 0, 0], sizes = [1, 200, 16], strides = [1, 1, 1]} : vector<32x200x16xbf16> to vector<1x200x16xbf16>
    %squeeze3A_1201 = vector.shape_cast %slice3A_1200 : vector<1x200x16xbf16> to vector<200x16xbf16>
    %slice3A_1202 = vector.extract_strided_slice %reshape3A_21 {offsets = [30, 0, 0], sizes = [1, 200, 16], strides = [1, 1, 1]} : vector<32x200x512xbf16> to vector<1x200x16xbf16>
    %squeeze3A_1203 = vector.shape_cast %slice3A_1202 : vector<1x200x16xbf16> to vector<200x16xbf16>
    %mul3A_1204 = arith.mulf %squeeze3A_1201, %squeeze3A_1203 : vector<200x16xbf16>
    %add3A_1205 = arith.addf %add3A_1191, %mul3A_1204 : vector<200x16xbf16>
    %slice3A_1206 = vector.extract_strided_slice %reshape3A_21 {offsets = [30, 0, 128], sizes = [1, 200, 16], strides = [1, 1, 1]} : vector<32x200x512xbf16> to vector<1x200x16xbf16>
    %squeeze3A_1207 = vector.shape_cast %slice3A_1206 : vector<1x200x16xbf16> to vector<200x16xbf16>
    %mul3A_1208 = arith.mulf %squeeze3A_1201, %squeeze3A_1207 : vector<200x16xbf16>
    %add3A_1209 = arith.addf %add3A_1195, %mul3A_1208 : vector<200x16xbf16>
    %slice3A_1210 = vector.extract_strided_slice %reshape3A_21 {offsets = [30, 0, 256], sizes = [1, 200, 16], strides = [1, 1, 1]} : vector<32x200x512xbf16> to vector<1x200x16xbf16>
    %squeeze3A_1211 = vector.shape_cast %slice3A_1210 : vector<1x200x16xbf16> to vector<200x16xbf16>
    %mul3A_1212 = arith.mulf %squeeze3A_1201, %squeeze3A_1211 : vector<200x16xbf16>
    %add3A_1213 = arith.addf %add3A_1199, %mul3A_1212 : vector<200x16xbf16>
    %slice3A_1214 = vector.extract_strided_slice %convert_element_type3A_11 {offsets = [31, 0, 0], sizes = [1, 200, 16], strides = [1, 1, 1]} : vector<32x200x16xbf16> to vector<1x200x16xbf16>
    %squeeze3A_1215 = vector.shape_cast %slice3A_1214 : vector<1x200x16xbf16> to vector<200x16xbf16>
    %slice3A_1216 = vector.extract_strided_slice %reshape3A_21 {offsets = [31, 0, 0], sizes = [1, 200, 16], strides = [1, 1, 1]} : vector<32x200x512xbf16> to vector<1x200x16xbf16>
    %squeeze3A_1217 = vector.shape_cast %slice3A_1216 : vector<1x200x16xbf16> to vector<200x16xbf16>
    %mul3A_1218 = arith.mulf %squeeze3A_1215, %squeeze3A_1217 : vector<200x16xbf16>
    %add3A_1219 = arith.addf %add3A_1205, %mul3A_1218 : vector<200x16xbf16>
    %slice3A_1220 = vector.extract_strided_slice %reshape3A_21 {offsets = [31, 0, 128], sizes = [1, 200, 16], strides = [1, 1, 1]} : vector<32x200x512xbf16> to vector<1x200x16xbf16>
    %squeeze3A_1221 = vector.shape_cast %slice3A_1220 : vector<1x200x16xbf16> to vector<200x16xbf16>
    %mul3A_1222 = arith.mulf %squeeze3A_1215, %squeeze3A_1221 : vector<200x16xbf16>
    %add3A_1223 = arith.addf %add3A_1209, %mul3A_1222 : vector<200x16xbf16>
    %slice3A_1224 = vector.extract_strided_slice %reshape3A_21 {offsets = [31, 0, 256], sizes = [1, 200, 16], strides = [1, 1, 1]} : vector<32x200x512xbf16> to vector<1x200x16xbf16>
    %squeeze3A_1225 = vector.shape_cast %slice3A_1224 : vector<1x200x16xbf16> to vector<200x16xbf16>
    %mul3A_1226 = arith.mulf %squeeze3A_1215, %squeeze3A_1225 : vector<200x16xbf16>
    %add3A_1227 = arith.addf %add3A_1213, %mul3A_1226 : vector<200x16xbf16>
    %mul3A_1228 = arith.constant 3.125000e-02 : bf16
    %mul3A_1229 = vector.broadcast %mul3A_1228 : bf16 to vector<200x16xbf16>
    %mul3A_1230 = arith.mulf %add3A_1219, %mul3A_1229 : vector<200x16xbf16>
    %mul3A_1231 = arith.constant 3.125000e-02 : bf16
    %mul3A_1232 = vector.broadcast %mul3A_1231 : bf16 to vector<200x16xbf16>
    %mul3A_1233 = arith.mulf %add3A_1223, %mul3A_1232 : vector<200x16xbf16>
    %mul3A_1234 = arith.constant 3.125000e-02 : bf16
    %mul3A_1235 = vector.broadcast %mul3A_1234 : bf16 to vector<200x16xbf16>
    %mul3A_1236 = arith.mulf %add3A_1227, %mul3A_1235 : vector<200x16xbf16>
    %slice3A_1237 = vector.extract_strided_slice %mul3A_1230 {offsets = [0, 0], sizes = [200, 1], strides = [1, 1]} : vector<200x16xbf16> to vector<200x1xbf16>
    %mul3A_1238 = vector.broadcast %slice3A_1237 : vector<200x1xbf16> to vector<200x16xbf16>
    %mul3A_1239 = arith.mulf %mul3A_1238, %mul3A_1230 : vector<200x16xbf16>
    %slice3A_1240 = vector.extract_strided_slice %mul3A_1233 {offsets = [0, 0], sizes = [200, 1], strides = [1, 1]} : vector<200x16xbf16> to vector<200x1xbf16>
    %mul3A_1241 = vector.broadcast %slice3A_1240 : vector<200x1xbf16> to vector<200x16xbf16>
    %mul3A_1242 = arith.mulf %mul3A_1241, %mul3A_1233 : vector<200x16xbf16>
    %add3A_1243 = arith.addf %mul3A_1239, %mul3A_1242 : vector<200x16xbf16>
    %slice3A_1244 = vector.extract_strided_slice %mul3A_1236 {offsets = [0, 0], sizes = [200, 1], strides = [1, 1]} : vector<200x16xbf16> to vector<200x1xbf16>
    %mul3A_1245 = vector.broadcast %slice3A_1244 : vector<200x1xbf16> to vector<200x16xbf16>
    %mul3A_1246 = arith.mulf %mul3A_1245, %mul3A_1236 : vector<200x16xbf16>
    %add3A_1247 = arith.addf %add3A_1243, %mul3A_1246 : vector<200x16xbf16>
    %slice3A_1248 = vector.extract_strided_slice %mul3A_1230 {offsets = [0, 1], sizes = [200, 1], strides = [1, 1]} : vector<200x16xbf16> to vector<200x1xbf16>
    %mul3A_1249 = vector.broadcast %slice3A_1248 : vector<200x1xbf16> to vector<200x16xbf16>
    %mul3A_1250 = arith.mulf %mul3A_1249, %mul3A_1230 : vector<200x16xbf16>
    %slice3A_1251 = vector.extract_strided_slice %mul3A_1233 {offsets = [0, 1], sizes = [200, 1], strides = [1, 1]} : vector<200x16xbf16> to vector<200x1xbf16>
    %mul3A_1252 = vector.broadcast %slice3A_1251 : vector<200x1xbf16> to vector<200x16xbf16>
    %mul3A_1253 = arith.mulf %mul3A_1252, %mul3A_1233 : vector<200x16xbf16>
    %add3A_1254 = arith.addf %mul3A_1250, %mul3A_1253 : vector<200x16xbf16>
    %slice3A_1255 = vector.extract_strided_slice %mul3A_1236 {offsets = [0, 1], sizes = [200, 1], strides = [1, 1]} : vector<200x16xbf16> to vector<200x1xbf16>
    %mul3A_1256 = vector.broadcast %slice3A_1255 : vector<200x1xbf16> to vector<200x16xbf16>
    %mul3A_1257 = arith.mulf %mul3A_1256, %mul3A_1236 : vector<200x16xbf16>
    %add3A_1258 = arith.addf %add3A_1254, %mul3A_1257 : vector<200x16xbf16>
    %slice3A_1259 = vector.extract_strided_slice %mul3A_1230 {offsets = [0, 2], sizes = [200, 1], strides = [1, 1]} : vector<200x16xbf16> to vector<200x1xbf16>
    %mul3A_1260 = vector.broadcast %slice3A_1259 : vector<200x1xbf16> to vector<200x16xbf16>
    %mul3A_1261 = arith.mulf %mul3A_1260, %mul3A_1230 : vector<200x16xbf16>
    %slice3A_1262 = vector.extract_strided_slice %mul3A_1233 {offsets = [0, 2], sizes = [200, 1], strides = [1, 1]} : vector<200x16xbf16> to vector<200x1xbf16>
    %mul3A_1263 = vector.broadcast %slice3A_1262 : vector<200x1xbf16> to vector<200x16xbf16>
    %mul3A_1264 = arith.mulf %mul3A_1263, %mul3A_1233 : vector<200x16xbf16>
    %add3A_1265 = arith.addf %mul3A_1261, %mul3A_1264 : vector<200x16xbf16>
    %slice3A_1266 = vector.extract_strided_slice %mul3A_1236 {offsets = [0, 2], sizes = [200, 1], strides = [1, 1]} : vector<200x16xbf16> to vector<200x1xbf16>
    %mul3A_1267 = vector.broadcast %slice3A_1266 : vector<200x1xbf16> to vector<200x16xbf16>
    %mul3A_1268 = arith.mulf %mul3A_1267, %mul3A_1236 : vector<200x16xbf16>
    %add3A_1269 = arith.addf %add3A_1265, %mul3A_1268 : vector<200x16xbf16>
    %slice3A_1270 = vector.extract_strided_slice %mul3A_1230 {offsets = [0, 3], sizes = [200, 1], strides = [1, 1]} : vector<200x16xbf16> to vector<200x1xbf16>
    %mul3A_1271 = vector.broadcast %slice3A_1270 : vector<200x1xbf16> to vector<200x16xbf16>
    %mul3A_1272 = arith.mulf %mul3A_1271, %mul3A_1230 : vector<200x16xbf16>
    %slice3A_1273 = vector.extract_strided_slice %mul3A_1233 {offsets = [0, 3], sizes = [200, 1], strides = [1, 1]} : vector<200x16xbf16> to vector<200x1xbf16>
    %mul3A_1274 = vector.broadcast %slice3A_1273 : vector<200x1xbf16> to vector<200x16xbf16>
    %mul3A_1275 = arith.mulf %mul3A_1274, %mul3A_1233 : vector<200x16xbf16>
    %add3A_1276 = arith.addf %mul3A_1272, %mul3A_1275 : vector<200x16xbf16>
    %slice3A_1277 = vector.extract_strided_slice %mul3A_1236 {offsets = [0, 3], sizes = [200, 1], strides = [1, 1]} : vector<200x16xbf16> to vector<200x1xbf16>
    %mul3A_1278 = vector.broadcast %slice3A_1277 : vector<200x1xbf16> to vector<200x16xbf16>
    %mul3A_1279 = arith.mulf %mul3A_1278, %mul3A_1236 : vector<200x16xbf16>
    %add3A_1280 = arith.addf %add3A_1276, %mul3A_1279 : vector<200x16xbf16>
    %slice3A_1281 = vector.extract_strided_slice %mul3A_767 {offsets = [0, 0], sizes = [200, 1], strides = [1, 1]} : vector<200x128xbf16> to vector<200x1xbf16>
    %mul3A_1282 = vector.broadcast %slice3A_1281 : vector<200x1xbf16> to vector<200x128xbf16>
    %mul3A_1283 = arith.mulf %mul3A_1282, %mul3A_767 : vector<200x128xbf16>
    %slice3A_1284 = vector.extract_strided_slice %mul3A_770 {offsets = [0, 0], sizes = [200, 1], strides = [1, 1]} : vector<200x128xbf16> to vector<200x1xbf16>
    %mul3A_1285 = vector.broadcast %slice3A_1284 : vector<200x1xbf16> to vector<200x128xbf16>
    %mul3A_1286 = arith.mulf %mul3A_1285, %mul3A_770 : vector<200x128xbf16>
    %add3A_1287 = arith.addf %mul3A_1283, %mul3A_1286 : vector<200x128xbf16>
    %slice3A_1288 = vector.extract_strided_slice %mul3A_773 {offsets = [0, 0], sizes = [200, 1], strides = [1, 1]} : vector<200x128xbf16> to vector<200x1xbf16>
    %mul3A_1289 = vector.broadcast %slice3A_1288 : vector<200x1xbf16> to vector<200x128xbf16>
    %mul3A_1290 = arith.mulf %mul3A_1289, %mul3A_773 : vector<200x128xbf16>
    %add3A_1291 = arith.addf %add3A_1287, %mul3A_1290 : vector<200x128xbf16>
    %slice3A_1292 = vector.extract_strided_slice %mul3A_767 {offsets = [0, 1], sizes = [200, 1], strides = [1, 1]} : vector<200x128xbf16> to vector<200x1xbf16>
    %mul3A_1293 = vector.broadcast %slice3A_1292 : vector<200x1xbf16> to vector<200x128xbf16>
    %mul3A_1294 = arith.mulf %mul3A_1293, %mul3A_767 : vector<200x128xbf16>
    %slice3A_1295 = vector.extract_strided_slice %mul3A_770 {offsets = [0, 1], sizes = [200, 1], strides = [1, 1]} : vector<200x128xbf16> to vector<200x1xbf16>
    %mul3A_1296 = vector.broadcast %slice3A_1295 : vector<200x1xbf16> to vector<200x128xbf16>
    %mul3A_1297 = arith.mulf %mul3A_1296, %mul3A_770 : vector<200x128xbf16>
    %add3A_1298 = arith.addf %mul3A_1294, %mul3A_1297 : vector<200x128xbf16>
    %slice3A_1299 = vector.extract_strided_slice %mul3A_773 {offsets = [0, 1], sizes = [200, 1], strides = [1, 1]} : vector<200x128xbf16> to vector<200x1xbf16>
    %mul3A_1300 = vector.broadcast %slice3A_1299 : vector<200x1xbf16> to vector<200x128xbf16>
    %mul3A_1301 = arith.mulf %mul3A_1300, %mul3A_773 : vector<200x128xbf16>
    %add3A_1302 = arith.addf %add3A_1298, %mul3A_1301 : vector<200x128xbf16>
    %slice3A_1303 = vector.extract_strided_slice %mul3A_767 {offsets = [0, 2], sizes = [200, 1], strides = [1, 1]} : vector<200x128xbf16> to vector<200x1xbf16>
    %mul3A_1304 = vector.broadcast %slice3A_1303 : vector<200x1xbf16> to vector<200x128xbf16>
    %mul3A_1305 = arith.mulf %mul3A_1304, %mul3A_767 : vector<200x128xbf16>
    %slice3A_1306 = vector.extract_strided_slice %mul3A_770 {offsets = [0, 2], sizes = [200, 1], strides = [1, 1]} : vector<200x128xbf16> to vector<200x1xbf16>
    %mul3A_1307 = vector.broadcast %slice3A_1306 : vector<200x1xbf16> to vector<200x128xbf16>
    %mul3A_1308 = arith.mulf %mul3A_1307, %mul3A_770 : vector<200x128xbf16>
    %add3A_1309 = arith.addf %mul3A_1305, %mul3A_1308 : vector<200x128xbf16>
    %slice3A_1310 = vector.extract_strided_slice %mul3A_773 {offsets = [0, 2], sizes = [200, 1], strides = [1, 1]} : vector<200x128xbf16> to vector<200x1xbf16>
    %mul3A_1311 = vector.broadcast %slice3A_1310 : vector<200x1xbf16> to vector<200x128xbf16>
    %mul3A_1312 = arith.mulf %mul3A_1311, %mul3A_773 : vector<200x128xbf16>
    %add3A_1313 = arith.addf %add3A_1309, %mul3A_1312 : vector<200x128xbf16>
    %slice3A_1314 = vector.extract_strided_slice %mul3A_767 {offsets = [0, 3], sizes = [200, 1], strides = [1, 1]} : vector<200x128xbf16> to vector<200x1xbf16>
    %mul3A_1315 = vector.broadcast %slice3A_1314 : vector<200x1xbf16> to vector<200x128xbf16>
    %mul3A_1316 = arith.mulf %mul3A_1315, %mul3A_767 : vector<200x128xbf16>
    %slice3A_1317 = vector.extract_strided_slice %mul3A_770 {offsets = [0, 3], sizes = [200, 1], strides = [1, 1]} : vector<200x128xbf16> to vector<200x1xbf16>
    %mul3A_1318 = vector.broadcast %slice3A_1317 : vector<200x1xbf16> to vector<200x128xbf16>
    %mul3A_1319 = arith.mulf %mul3A_1318, %mul3A_770 : vector<200x128xbf16>
    %add3A_1320 = arith.addf %mul3A_1316, %mul3A_1319 : vector<200x128xbf16>
    %slice3A_1321 = vector.extract_strided_slice %mul3A_773 {offsets = [0, 3], sizes = [200, 1], strides = [1, 1]} : vector<200x128xbf16> to vector<200x1xbf16>
    %mul3A_1322 = vector.broadcast %slice3A_1321 : vector<200x1xbf16> to vector<200x128xbf16>
    %mul3A_1323 = arith.mulf %mul3A_1322, %mul3A_773 : vector<200x128xbf16>
    %add3A_1324 = arith.addf %add3A_1320, %mul3A_1323 : vector<200x128xbf16>
    %concatenate3A = tpu.concatenate %add3A_1247, %add3A_1258, %add3A_1269, %add3A_1280, %add3A_1291, %add3A_1302, %add3A_1313, %add3A_1324 in 1 : vector<200x16xbf16>, vector<200x16xbf16>, vector<200x16xbf16>, vector<200x16xbf16>, vector<200x128xbf16>, vector<200x128xbf16>, vector<200x128xbf16>, vector<200x128xbf16> -> vector<200x576xbf16>
    %get3A_1325 = arith.constant 0 : index
    %get3A_1326 = arith.constant 0 : index
    %get3A_1327 = vector.load %arg9[%get3A_1325, %get3A_1326] : memref<576x128xbf16, #tpu.memory_space<vmem>>, vector<576x128xbf16>
    %dot_general3A_1328 = arith.constant dense<0.000000e+00> : vector<200x128xf32>
    %dot_general3A_1329 = tpu.matmul %concatenate3A, %get3A_1327, %dot_general3A_1328 {dimension_numbers = #tpu.dot_dimension_numbers<[1], [0], [0], [1], [0, 0, 1, 1], [], []>, transpose_lhs_hint = false} : vector<200x576xbf16>, vector<576x128xbf16>, vector<200x128xf32> -> vector<200x128xf32>
    %get3A_1330 = arith.constant 0 : index
    %get3A_1331 = arith.constant 0 : index
    %get3A_1332 = vector.load %arg13[%get3A_1330, %get3A_1331] : memref<1x128xf32, #tpu.memory_space<vmem>>, vector<1x128xf32>
    %add3A_1333 = vector.broadcast %get3A_1332 : vector<1x128xf32> to vector<200x128xf32>
    %add3A_1334 = arith.addf %dot_general3A_1329, %add3A_1333 : vector<200x128xf32>
    %logistic3A_1335 = arith.negf %add3A_1334 : vector<200x128xf32>
    %logistic3A_1336 = math.exp %logistic3A_1335 : vector<200x128xf32>
    %logistic3A_1337 = arith.constant 1.000000e+00 : f32
    %logistic3A_1338 = vector.broadcast %logistic3A_1337 : f32 to vector<200x128xf32>
    %logistic3A_1339 = arith.addf %logistic3A_1338, %logistic3A_1336 : vector<200x128xf32>
    %logistic3A_1340 = arith.divf %logistic3A_1338, %logistic3A_1339 : vector<200x128xf32>
    %mul3A_1341 = arith.mulf %add3A_1334, %logistic3A_1340 : vector<200x128xf32>
    %get3A_1342 = arith.constant 0 : index
    %get3A_1343 = arith.constant 0 : index
    %get3A_1344 = vector.load %arg14[%get3A_1342, %get3A_1343] : memref<1x128xf32, #tpu.memory_space<vmem>>, vector<1x128xf32>
    %mul3A_1345 = vector.broadcast %get3A_1344 : vector<1x128xf32> to vector<200x128xf32>
    %mul3A_1346 = arith.mulf %mul3A_1345, %mul3A : vector<200x128xf32>
    %add3A_1347 = arith.addf %get3A_1, %mul3A_1346 : vector<200x128xf32>
    %get3A_1348 = arith.constant 0 : index
    %get3A_1349 = arith.constant 0 : index
    %get3A_1350 = vector.load %arg15[%get3A_1348, %get3A_1349] : memref<1x128xf32, #tpu.memory_space<vmem>>, vector<1x128xf32>
    %mul3A_1351 = vector.broadcast %get3A_1350 : vector<1x128xf32> to vector<200x128xf32>
    %mul3A_1352 = arith.mulf %mul3A_1351, %mul3A_1341 : vector<200x128xf32>
    %add3A_1353 = arith.addf %add3A_1347, %mul3A_1352 : vector<200x128xf32>
    %get3A_1354 = arith.constant 0 : index
    %get3A_1355 = arith.constant 0 : index
    %get3A_1356 = vector.load %arg16[%get3A_1354, %get3A_1355] : memref<1x128xf32, #tpu.memory_space<vmem>>, vector<1x128xf32>
    %convert_element_type3A_1357 = arith.extf %mul3A_310 : vector<200x128xbf16> to vector<200x128xf32>
    %mul3A_1358 = vector.broadcast %get3A_1356 : vector<1x128xf32> to vector<200x128xf32>
    %mul3A_1359 = arith.mulf %mul3A_1358, %convert_element_type3A_1357 : vector<200x128xf32>
    %add3A_1360 = arith.addf %add3A_1353, %mul3A_1359 : vector<200x128xf32>
    %swap3A_1361 = arith.constant 0 : index
    %swap3A_1362 = arith.constant 0 : index
    %swap3A_1363 = vector.load %arg18[%swap3A_1361, %swap3A_1362] : memref<200x128xf32, #tpu.memory_space<vmem>>, vector<200x128xf32>
    tpu.vector_store %arg18[%swap3A_1361, %swap3A_1362], %add3A_1360 {strides = array<i32>} : memref<200x128xf32, #tpu.memory_space<vmem>>, vector<200x128xf32>,
    return
  }
  func.func @transform_0(%arg0: i32) -> (i32, i32) {
    %c0_i32 = arith.constant 0 : i32
    %c0_i32_0 = arith.constant 0 : i32
    return %arg0, %c0_i32 : i32, i32
  }
  func.func @transform_1(%arg0: i32) -> (i32, i32, i32) {
    %c0_i32 = arith.constant 0 : i32
    %c0_i32_0 = arith.constant 0 : i32
    %c0_i32_1 = arith.constant 0 : i32
    return %c0_i32, %arg0, %c0_i32_0 : i32, i32, i32
  }
  func.func @transform_2(%arg0: i32) -> (i32, i32, i32) {
    %c0_i32 = arith.constant 0 : i32
    %c0_i32_0 = arith.constant 0 : i32
    %c0_i32_1 = arith.constant 0 : i32
    return %c0_i32, %arg0, %c0_i32_0 : i32, i32, i32
  }
  func.func @transform_3(%arg0: i32) -> (i32, i32, i32) {
    %c0_i32 = arith.constant 0 : i32
    %c0_i32_0 = arith.constant 0 : i32
    %c0_i32_1 = arith.constant 0 : i32
    return %c0_i32, %arg0, %c0_i32_0 : i32, i32, i32
  }
  func.func @transform_4(%arg0: i32) -> (i32, i32) {
    %c0_i32 = arith.constant 0 : i32
    %c0_i32_0 = arith.constant 0 : i32
    %c0_i32_1 = arith.constant 0 : i32
    return %c0_i32, %c0_i32_0 : i32, i32
  }
  func.func @transform_5(%arg0: i32) -> (i32, i32) {
    %c0_i32 = arith.constant 0 : i32
    %c0_i32_0 = arith.constant 0 : i32
    %c0_i32_1 = arith.constant 0 : i32
    return %c0_i32, %c0_i32_0 : i32, i32
  }
  func.func @transform_6(%arg0: i32) -> (i32, i32) {
    %c0_i32 = arith.constant 0 : i32
    %c0_i32_0 = arith.constant 0 : i32
    %c0_i32_1 = arith.constant 0 : i32
    return %c0_i32, %c0_i32_0 : i32, i32
  }
  func.func @transform_7(%arg0: i32) -> (i32, i32) {
    %c0_i32 = arith.constant 0 : i32
    %c0_i32_0 = arith.constant 0 : i32
    %c0_i32_1 = arith.constant 0 : i32
    return %c0_i32, %c0_i32_0 : i32, i32
  }
  func.func @transform_8(%arg0: i32) -> (i32, i32) {
    %c0_i32 = arith.constant 0 : i32
    %c0_i32_0 = arith.constant 0 : i32
    %c0_i32_1 = arith.constant 0 : i32
    return %c0_i32, %c0_i32_0 : i32, i32
  }
  func.func @transform_9(%arg0: i32) -> (i32, i32) {
    %c0_i32 = arith.constant 0 : i32
    %c0_i32_0 = arith.constant 0 : i32
    %c0_i32_1 = arith.constant 0 : i32
    return %c0_i32, %c0_i32_0 : i32, i32
  }
  func.func @transform_10(%arg0: i32) -> (i32, i32) {
    %c0_i32 = arith.constant 0 : i32
    %c0_i32_0 = arith.constant 0 : i32
    %c0_i32_1 = arith.constant 0 : i32
    return %c0_i32, %c0_i32_0 : i32, i32
  }
  func.func @transform_11(%arg0: i32) -> (i32, i32) {
    %c0_i32 = arith.constant 0 : i32
    %c0_i32_0 = arith.constant 0 : i32
    %c0_i32_1 = arith.constant 0 : i32
    return %c0_i32, %c0_i32_0 : i32, i32
  }
  func.func @transform_12(%arg0: i32) -> (i32, i32) {
    %c0_i32 = arith.constant 0 : i32
    %c0_i32_0 = arith.constant 0 : i32
    %c0_i32_1 = arith.constant 0 : i32
    return %c0_i32, %c0_i32_0 : i32, i32
  }
  func.func @transform_13(%arg0: i32) -> (i32, i32) {
    %c0_i32 = arith.constant 0 : i32
    %c0_i32_0 = arith.constant 0 : i32
    %c0_i32_1 = arith.constant 0 : i32
    return %c0_i32, %c0_i32_0 : i32, i32
  }
  func.func @transform_14(%arg0: i32) -> (i32, i32) {
    %c0_i32 = arith.constant 0 : i32
    %c0_i32_0 = arith.constant 0 : i32
    %c0_i32_1 = arith.constant 0 : i32
    return %c0_i32, %c0_i32_0 : i32, i32
  }
  func.func @transform_15(%arg0: i32) -> (i32, i32) {
    %c0_i32 = arith.constant 0 : i32
    %c0_i32_0 = arith.constant 0 : i32
    %c0_i32_1 = arith.constant 0 : i32
    return %c0_i32, %c0_i32_0 : i32, i32
  }
  func.func @transform_16(%arg0: i32) -> (i32, i32) {
    %c0_i32 = arith.constant 0 : i32
    %c0_i32_0 = arith.constant 0 : i32
    %c0_i32_1 = arith.constant 0 : i32
    return %c0_i32, %c0_i32_0 : i32, i32
  }
  func.func @transform_17(%arg0: i32) -> (i32, i32) {
    %c0_i32 = arith.constant 0 : i32
    %c0_i32_0 = arith.constant 0 : i32
    return %arg0, %c0_i32 : i32, i32
  }
  func.func @transform_18(%arg0: i32) -> (i32, i32, i32) {
    %c0_i32 = arith.constant 0 : i32
    %c0_i32_0 = arith.constant 0 : i32
    %c0_i32_1 = arith.constant 0 : i32
    return %c0_i32, %arg0, %c0_i32_0 : i32, i32, i32
  }
}

</mosaic_0001>

<sc_bundles>
// kernel: kernel.5.cloned.1.call-start
scs
__scs_entry_jumppad:
0x0: {  	(pc) =	sbr.rel $0x88, $3  }
0x1: {  	(tag) =	ssettag $0x0;
	lr =	simm.s32 $0x1  }
0x2: {  	[smem:$0x3F8E] =	sst lr;
	_ =	strace $0xD0000000  }
0x3: {  	_ = 	snop  }
0x4: {  	_ = 	snop  }
0x5: {  	_ = 	snop  }
0x6: {  	_ = 	snop  }
0x7: {  	_ = 	snop  }
__scs_overlays_trampoline_lowered:
0x8: {  	[smem:$0x3F9D] =	sst s0  }
0x9: {  	[smem:$0x3F9E] =	sst s1  }
0xa: {  	[smem:$0x3F9F] =	sst s2  }
0xb: {  	[smem:$0x3FA0] =	sst s3  }
0xc: {  	[smem:$0x3FA1] =	sst s4  }
0xd: {  	[smem:$0x3FA2] =	sst s5  }
0xe: {  	[smem:$0x3FA3] =	sst s6  }
0xf: {  	[smem:$0x3FA4] =	sst s7  }
0x10: {  	[smem:$0x3FA5] =	sst s8  }
0x11: {  	[smem:$0x3FA6] =	sst s9;
	s0 =	simm.s32 @!p0 $0x0  }
0x12: {  	s1 =	sld [smem:$0x3F8C];
	s0 =	simm.s32 @p0 $0x1  }
0x13: {  	[smem:$0x3FA7] =	sst s0;
	s0 =	simm.s32 @!p1 $0x0  }
0x14: {  	s2 =	sld [smem:$0x3F8B];
	s0 =	simm.s32 @p1 $0x1  }
0x15: {  	[smem:$0x3FA8] =	sst s0;
	s0 =	simm.s32 @!p2 $0x0  }
0x16: {  	s3 =	sld [smem:$0x3FDB];
	s0 =	simm.s32 @p2 $0x1  }
0x17: {  	s4 =	simm.s32 $0x1BF5;
	[smem:$0x3FAA] =	sst s0  }
0x18: {  	s0 =	sld [smem:$0x3F8D];
	_ =	swait.ge [sflag:s4], $0x0  }
0x19: {  	s7 =	sld [smem:$0x3F8E]  }
0x1a: {  	s8 =	sadd.s32 $0xFFFFE003, lr  }
0x1b: {  	s9 =	sadd.s32 $0xFFFFFEF7, lr;
	s5 =	simm.s32 $0xFFFFFFFF;
	p2 =	slt.u32 s8, $0xFFFFF086  }
0x1c: {  	p1 =	slt.u32 s9, $0xF7A;
	s5 =	simm.s32 @!p2 $0x0  }
0x1d: {  	s5 =	simm.s32 @p1 $0x1;
	p0 =	seq.s32 s7, s2  }
0x1e: {  	s7 =	smul.u32 @!p0 $0xF7A, s2;
	p2 =	seq.s32 @!p0 s5, $0x0  }
0x1f: {  	s9 =	smul.u32 $0xF7A, s1;
	s8 =	simm.s32 @!p0 $0x1BF5;
	p2 =	por !p2, p0  }
0x20: {  	[sflag:s8] =	ssyncset.s32 @!p0 $0xFFFFF086;
	s6 =	sadd.s32 @!p0 s3, s7;
	s7 =	simm.s32 @!p0 $0x108  }
0x21: {  	s3 =	sadd.s32 s3, s9;
	s6 =	sadd.s32 @!p0 $0x88, s6;
	s7 =	simm.s32 @p2 $0x1082  }
0x22: {  	[simem:s7], [sflag:s8] =	dma.local @!p0 [hbm:s6], $0xF7A  }
0x23: {  	s9 =	sor.u32 $0xD0000000, s2;
	s6 =	simm.s32 $0x108;
	_ =	swait.ge @!p0 [sflag:s8], $0x0  }
0x24: {  	s3 =	sadd.s32 $0x88, s3;
	s6 =	simm.s32 @!p1 $0x1082;
	[sflag:s4] =	ssyncset.s32 $0xFFFFF086  }
0x25: {  	[simem:s6], [sflag:s4] =	dma.local [hbm:s3], $0xF7A  }
0x26: {  	[smem:$0x3F8E] =	sst s1;
	(tag) =	ssettag s2;
	_ =	strace s9  }
0x27: {  	s1 =	sld [smem:$0x3F9E]  }
0x28: {  	s2 =	sld [smem:$0x3F9F]  }
0x29: {  	s4 =	sld [smem:$0x3FA1]  }
0x2a: {  	p0 =	seq.s32 s5, $0x0;
	s5 =	sld [smem:$0x3FA2]  }
0x2b: {  	s6 =	sld [smem:$0x3FA3]  }
0x2c: {  	s7 =	sld [smem:$0x3FA4]  }
0x2d: {  	s3 =	simm.s32 $0x108;
	s8 =	sld [smem:$0x3FA5]  }
0x2e: {  	s3 =	simm.s32 @!p0 $0x1082;
	s9 =	sld [smem:$0x3FA6]  }
0x2f: {  	lr =	sadd.s32 s0, s3;
	s0 =	sld [smem:$0x3F9D]  }
0x30: {  	s3 =	sld [smem:$0x3FA0]  }
0x31: {  	[smem:$0x3FA9] =	sst s10  }
0x32: {  	s10 =	sld [smem:$0x3FA7];
	_ =	sdelay $0x3  }
0x33: {  	p0 =	seq.s32 s10, $0x1;
	s10 =	sld [smem:$0x3FA9];
	_ =	sdelay $0x3  }
0x34: {  	[smem:$0x3FA9] =	sst s10  }
0x35: {  	s10 =	sld [smem:$0x3FA8];
	_ =	sdelay $0x3  }
0x36: {  	p1 =	seq.s32 s10, $0x1;
	s10 =	sld [smem:$0x3FA9];
	_ =	sdelay $0x3  }
0x37: {  	[smem:$0x3FA9] =	sst s10  }
0x38: {  	s10 =	sld [smem:$0x3FAA]  }
0x39: {  	_ = 	snop;
	(pc) =	sbr.ind lr, $3  }
0x3a: {  	_ = 	snop  }
0x3b: {  	_ = 	snop  }
0x3c: {  	p2 =	seq.s32 s10, $0x1;
	s10 =	sld [smem:$0x3FA9]  }
0x3d: {  	_ =	shalt  }
0x3e: {  	_ =	shalt  }
0x3f: {  	_ =	shalt  }
0x40: {  	_ =	shalt  }
0x41: {  	_ =	shalt  }
0x42: {  	_ =	shalt  }
0x43: {  	_ =	shalt  }
0x44: {  	_ =	shalt  }
0x45: {  	_ =	shalt  }
0x46: {  	_ =	shalt  }
0x47: {  	_ =	shalt  }
0x48: {  	_ =	shalt  }
0x49: {  	_ =	shalt  }
0x4a: {  	_ =	shalt  }
0x4b: {  	_ =	shalt  }
0x4c: {  	_ =	shalt  }
0x4d: {  	_ =	shalt  }
0x4e: {  	_ =	shalt  }
0x4f: {  	_ =	shalt  }
0x50: {  	_ =	shalt  }
0x51: {  	_ =	shalt  }
0x52: {  	_ =	shalt  }
0x53: {  	_ =	shalt  }
0x54: {  	_ =	shalt  }
0x55: {  	_ =	shalt  }
0x56: {  	_ =	shalt  }
0x57: {  	_ =	shalt  }
0x58: {  	_ =	shalt  }
0x59: {  	_ =	shalt  }
0x5a: {  	_ =	shalt  }
0x5b: {  	_ =	shalt  }
0x5c: {  	_ =	shalt  }
0x5d: {  	_ =	shalt  }
0x5e: {  	_ =	shalt  }
0x5f: {  	_ =	shalt  }
0x60: {  	_ =	shalt  }
0x61: {  	_ =	shalt  }
0x62: {  	_ =	shalt  }
0x63: {  	_ =	shalt  }
0x64: {  	_ =	shalt  }
0x65: {  	_ =	shalt  }
0x66: {  	_ =	shalt  }
0x67: {  	_ =	shalt  }
0x68: {  	_ =	shalt  }
0x69: {  	_ =	shalt  }
0x6a: {  	_ =	shalt  }
0x6b: {  	_ =	shalt  }
0x6c: {  	_ =	shalt  }
0x6d: {  	_ =	shalt  }
0x6e: {  	_ =	shalt  }
0x6f: {  	_ =	shalt  }
0x70: {  	_ =	shalt  }
0x71: {  	_ =	shalt  }
0x72: {  	_ =	shalt  }
0x73: {  	_ =	shalt  }
0x74: {  	_ =	shalt  }
0x75: {  	_ =	shalt  }
0x76: {  	_ =	shalt  }
0x77: {  	_ =	shalt  }
0x78: {  	_ =	shalt  }
0x79: {  	_ =	shalt  }
0x7a: {  	_ =	shalt  }
0x7b: {  	_ =	shalt  }
0x7c: {  	_ =	shalt  }
0x7d: {  	_ =	shalt  }
0x7e: {  	_ =	shalt  }
0x7f: {  	_ =	shalt  }
0x80: {  	_ =	shalt  }
0x81: {  	_ =	shalt  }
0x82: {  	_ =	shalt  }
0x83: {  	_ =	shalt  }
0x84: {  	_ =	shalt  }
0x85: {  	_ =	shalt  }
0x86: {  	_ =	shalt  }
0x87: {  	_ =	shalt  }
.Lfunc_end0:
.L_simem_size_0:
called_computation_lowered:
.L_overlay_start_0:
0x88: {  	s2 =	sld [smem:$0x3FD9]  }
0x89: {  	s3 =	sld [smem:$0x3FFE];
	_ =	sdelay $0x1  }
0x8a: {  	s1 =	srdreg.scid  }
0x8b: {  	s0 =	sand.u32 $0x1, s1  }
0x8c: {  	s14 =	sshll.u32 s0, $0xA;
	s2 =	sadd.s32 s3, s2  }
0x8d: {  	s2 =	sadd.s32 s2, s14  }
0x8e: {  	[smem:$0x3FB5] =	sst s2  }
0x8f: {  	_ = 	snop  }
0x90: {  	s2 =	sld [smem:$0x3FD0];
	_ =	sdelay $0x2  }
0x91: {  	s4 =	simm.s32 $0xA;
	s5 =	simm.s32 $0x10;
	s15 =	sld [smem:$0x3FC9]  }
0x92: {  	[smem:s5], [sflag:s4] =	dma.local [hbm:s2], $0x1  }
0x93: {  	_ =	swait.eq [sflag:s4], $0x1  }
0x94: {  	[sflag:s4] =	ssyncset.done $0x0  }
0x95: {  	[sflag:s4] =	ssyncadd.s32 $0xFFFFFFFF  }
0x96: {  	s16 =	sld [smem:$0x10];
	(tm) =	ssettm $0x1  }
0x97: {  	s17 =	sld [smem:$0x3FFB];
	_ =	sdelay $0x3  }
0x98: {  	_ =	strace s17  }
0x99: {  	s4 =	sld [smem:$0x3FFC];
	_ =	sdelay $0x3  }
0x9a: {  	_ =	strace s4  }
0x9b: {  	s4 =	sld [smem:$0x3FFD];
	_ =	sdelay $0x3  }
0x9c: {  	_ =	strace s4  }
0x9d: {  	_ =	strace $0x8FFFFFFF  }
0x9e: {  	s18 =	sld [smem:$0x3FDB];
	_ =	sdelay $0x1  }
0x9f: {  	s19 =	simm.s32 $_scs_section_size  }
0xa0: {  	s6 =	simm.s32 $_size__tile_overlayer_lowered;
	s7 =	simm.s32 $_tile_overlayer_lowered  }
0xa1: {  	s22 =	simm.s32 $0x1BFF;
	s21 =	sshll.u32 s7, $0x1;
	s4 =	sadd.s32 s19, s18  }
0xa2: {  	s8 =	simm.s32 $0x0;
	s20 =	sshll.u32 s6, $0x1;
	s6 =	sadd.s32 s21, s4  }
0xa3: {  	[timem:s8], [sflag:s22] =	dma.local [hbm:s6], s20  }
0xa4: {  	_ =	swait.ge [sflag:s22], s20  }
0xa5: {  	s5 =	ssub.s32 $0x0, s20;
	[sflag:s22] =	ssyncset.done $0x0  }
0xa6: {  	[sflag:s22] =	ssyncadd.s32 s5;
	_ =	sdelay $0x1  }
0xa7: {  	s23 =	simm.s32 $0x1B8B  }
0xa8: {  	_ =	swait.ge [sflag:s23], $0x1  }
0xa9: {  	[sflag:s23] =	ssyncset.done $0x0  }
0xaa: {  	s25 =	simm.s32 $0x1B8E;
	s24 =	sld [smem:$0x3FFE];
	[sflag:s23] =	ssyncadd.s32 $0xFFFFFFFF  }
0xab: {  	s26 =	simm.s32 $execute0_lowered;
	[smem:$0x3FD2] =	sst s25  }
0xac: {  	s6 =	sshll.u32 s26, $0x1;
	_ =	strace $0x80000046;
	[dreg:$0x1] =	wrdreg $0xFFFFFFFF  }
0xad: {  	s28 =	simm.s32 $_size_execute0_lowered;
	s4 =	sadd.s32 s4, s6;
	[dreg:$0x0] =	wrdreg $0x0  }
0xae: {  	s6 =	sshll.u32 s28, $0x1;
	[dreg:$0x2] =	wrdreg s4  }
0xaf: {  	[dreg:$0x3] =	wrdreg s6  }
0xb0: {  	[dreg:$0x4] =	wrdreg $0xC0  }
0xb1: {  	_ =	task [dreg:s8], $0x5FFFF  }
0xb2: {  	[dreg:$0x1] =	wrdreg $0xFFFFFFFF  }
0xb3: {  	[dreg:$0x0] =	wrdreg $0x60  }
0xb4: {  	[dreg:$0x2] =	wrdreg s15  }
0xb5: {  	[dreg:$0x3] =	wrdreg s16  }
0xb6: {  	[dreg:$0x4] =	wrdreg s24  }
0xb7: {  	[dreg:$0x5] =	wrdreg $0x9  }
0xb8: {  	_ =	task.clear_ibuf [dreg:s8], $0x6FFFF;
	_ =	strace $0x90000046  }
0xb9: {  	s29 =	simm.s32 $0x9;
	_ =	strace $0x8000004F  }
0xba: {  	_ =	swait.ge [sflag:s29], $0x1  }
0xbb: {  	[sflag:s29] =	ssyncadd.s32 $0xFFFFFFFF  }
0xbc: {  	_ =	strace $0x9000004F  }
0xbd: {  	_ =	sfence  }
0xbe: {  	s30 =	sld [smem:$0x0];
	_ =	sdelay $0x2  }
0xbf: {  	s31 =	sshll.u32 s1, $0xD;
	s1 =	sshrl.u32 s1, $0x2  }
0xc0: {  	s3 =	sand.u32 $0x4000, s31;
	s1 =	sadd.s32 s1, s30  }
0xc1: {  	s0 =	sor.u32 s3, s0;
	s1 =	sshll.u32 s1, $0x11  }
0xc2: {  	s0 =	sor.u32 s1, s0  }
0xc3: {  	s0 =	sadd.s32 $0x8F2B, s0  }
0xc4: {  	[sflag:s0] =	ssyncadd.remote.s32 $0x1  }
0xc5: {  	_ =	sfence.sel $0xFFFF  }
0xc6: {  	[dreg:$0x0] =	wrdreg $0xFFFFFFFF;
	(pc) =	sbr.abs _section_cstart, $3  }
0xc7: {  	[dreg:$0x1] =	wrdreg $0xFFFFFFFF  }
0xc8: {  	_ =	task.clear_ibuf [dreg:s8], $0x2FFFF;
	_ =	strace $0x9FFFFFFF  }
0xc9: {  	(tm) =	ssettm $0x7FFFFFFF  }
tec
execute0_lowered:
.L_overlay_start_1:
0x0: {  	(tag) =	ssettag $0x1  }
0x1: {  	s0 =	rddreg [dreg:$0x0]  }
0x2: {  	s1 =	srdreg.scid;
	s2 =	rddreg [dreg:$0x1]  }
0x3: {  	s6 =	stileid.u32;
	s4 =	rddreg [dreg:$0x2];
	s28 =	sand.u32 $0x1, s1  }
0x4: {  	s3 =	simm.s32 $0x0;
	s31 =	simm.s32 $0x190;
	s1 =	sshll.u32 s28, $0x4  }
0x5: {  	s10 =	simm.s32 $0x5;
	[dreg:$0x4] =	wrdreg s0;
	s1 =	sor.u32 s6, s1  }
0x6: {  	[smem:$0x7FF] =	sst s3;
	s4 =	sadd.s32 $0x4E00, s4;
	s5 =	smul.u32 $0x3200, s1  }
0x7: {  	_ =	strace $0x80000047;
	s0 =	ssub.s32 $0x2, s28;
	s6 =	sshll.u32 s6, $0x7  }
0x8: {  	s29 =	sshrl.u32 s0, $0x1;
	s6 =	sand.u32 $0x380, s6;
	s5 =	sand.u32 $0x7F000, s5  }
0x9: {  	[dreg:$0x6] =	wrdreg s4;
	s0 =	ssub.s32 s0, s29;
	s5 =	sor.u32 s6, s5  }
0xa: {  	[dreg:$0x5] =	wrdreg s31;
	s0 =	smax.u32 s0, $0x1;
	s5 =	sshrl.u32 s5, $0x3  }
0xb: {  	s11 =	simm.s32 $0x3;
	[dreg:$0x8] =	wrdreg s0;
	s30 =	sadd.s32 s2, s5  }
0xc: {  	s12 =	simm.s32 $0x0;
	s4 =	smul.u32 $0x19, s1;
	[dreg:$0x7] =	wrdreg s30  }
.LBB2_1:
0xd: {  	_ =	strace $0x80000048  }
0xe: {  	s1 =	simm.s32 $0x80;
	s5 =	simm.s32 $0x400;
	s19 =	simm.s32 $0x1  }
0xf: {  	p0 =	por $0x0, $0x0;
	s8 =	sand.u32 $0x1, s3;
	s9 =	simm.s32 $0x0  }
0x10: {  	p2 =	por $0x1, $0x1;
	s16 =	simm.s32 $0x18;
	p3 =	por $0x0, $0x0  }
0x11: {  	s15 =	simm.s32 $0x1;
	s22 =	simm.s32 $0x1;
	s26 =	sand.u32 $0x1, s3  }
0x12: {  	p4 =	por $0x0, $0x0;
	p5 =	por $0x1, $0x1;
	s0 =	rddreg [dreg:$0x7]  }
0x13: {  	s19 =	simm.s32 @p0 $0x0;
	p0 =	por $0x1, $0x1;
	s14 =	sadd.s32 $0x0, s4  }
0x14: {  	[tilespmem:s3], [sflag:$0x1] =	stream.strided.gather [hbm4b:s0+s1], $0x200, s5, s1, $0x200038;
	[tilespmem:$0x19400] =	vst v63  }
0x15: {  	s25 =	smul.u32 $0x32000, s26;
	p1 =	sne.s32 s19, $0x0;
	s5 =	simm.s32 $0x1  }
0x16: {  	s0 =	sadd.s32 $0x1, s8;
	s1 =	sand.u32 $0x200, s9;
	p2 =	por !p2, !p1  }
0x17: {  	_ =	strace $0x90000048;
	p1 =	por p3, p1;
	p2 =	por !p2, !p2  }
0x18: {  	p3 =	por $0x0, $0x0;
	s15 =	simm.s32 @!p1 $0x0;
	s13 =	sadd.s32 @p2 s4, s19  }
0x19: {  	s17 =	sand.u32 @p2 $0x1, s5;
	s22 =	simm.s32 @!p2 $0x0;
	_ =	strace @p2 $0x80000049  }
0x1a: {  	s18 =	sshll.u32 @p2 s13, $0x9;
	s20 =	sshll.u32 @p2 s13, $0x7;
	s21 =	sshll.u32 @p2 s17, $0x9  }
0x1b: {  	s23 =	sadd.s32 @p2 $0x1, s17;
	s24 =	sand.u32 @p2 $0xFFFFF000, s18;
	s20 =	sand.u32 @p2 $0x380, s20  }
0x1c: {  	s13 =	sadd.s32 $0x0, s15;
	s17 =	sadd.s32 $0x0, s15;
	s20 =	sor.u32 @p2 s20, s24  }
0x1d: {  	s18 =	sadd.s32 $0x1, s22;
	s24 =	smul.u32 @p1 $0xC800, s14;
	s14 =	sshrl.u32 @p2 s20, $0x3  }
0x1e: {  	s22 =	simm.s32 @p2 $0x80;
	s20 =	simm.s32 @p2 $0x400;
	s14 =	sadd.s32 @p2 s2, s14  }
0x1f: {  	[tilespmem:s21], [sflag:s23] =	stream.strided.gather @p2 [hbm4b:s14+s22], $0x200, s20, s22, $0x200038;
	[tilespmem:$0x19400] =	vst v63  }
0x20: {  	s15 =	sand.u32 $0x1, s17;
	s14 =	sshll.u32 s17, $0x9;
	s22 =	simm.s32 $0x17  }
0x21: {  	s20 =	sshrl.u32 @p1 s24, $0x3;
	s21 =	sand.u32 @!p0 $0x1, s3;
	_ =	strace @p2 $0x90000049  }
0x22: {  	s23 =	simm.s32 $0x1;
	s24 =	sadd.s32 $0x1, s19;
	_ =	strace $0x8000004A  }
0x23: {  	s23 =	simm.s32 @!p3 $0x0;
	p3 =	seq.s32 s24, $0x19;
	_ =	swait.ge [sflag:s0], $0x200  }
0x24: {  	p2 =	por p1, p1;
	s24 =	simm.s32 @p3 $0x0;
	[sflag:s0] =	ssyncset.done $0x0  }
0x25: {  	p1 =	por p0, p0;
	p3 =	sne.s32 s19, s24;
	[sflag:s0] =	ssyncadd.s32 $0xFFFFFE00  }
0x26: {  	p0 =	por $0x0, $0x0;
	p5 =	por !p5, !p3;
	_ =	strace $0x9000004A  }
0x27: {  	p3 =	por p4, p3;
	s0 =	sshrl.u32 s25, $0x2;
	_ =	strace $0x8000004B  }
0x28: {  	s25 =	sadd.s32 s4, s19;
	p4 =	por !p5, !p5;
	s29 =	rddreg [dreg:$0x4]  }
0x29: {  	s28 =	sor.u32 $0x400, s0;
	s0 =	simm.s32 $0x1;
	s30 =	rddreg [dreg:$0x5]  }
0x2a: {  	[tilespmem:s28], [sflag:$0x5] =	stream.indirect.gather [hbm4b:s29+s30], $0x80, s1, s30, $0x2000b8;
	[tilespmem:$0x19400] =	vst v63  }
0x2b: {  	s19 =	simm.s32 $0x0;
	s0 =	simm.s32 @!p3 $0x0;
	_ =	swait.ge [sflag:s10], $0xC800  }
0x2c: {  	s1 =	sadd.s32 @p4 s4, s24;
	s29 =	sand.u32 @p4 $0x1, s18;
	[sflag:s10] =	ssyncset.done $0x0  }
0x2d: {  	s31 =	sshll.u32 @p4 s1, $0x9;
	s1 =	sshll.u32 @p4 s1, $0x7;
	[sflag:s10] =	ssyncadd.s32 $0xFFFF3800  }
.LBB2_2:
0x2e: {  	s7 =	sshll.u32 @p4 s29, $0x9;
	s8 =	sadd.s32 @p4 $0x1, s29  }
0x2f: {  	_ =	strace $0x9000004B;
	s29 =	smov.u32 s13;
	s30 =	smov.u32 s16  }
0x30: {  	s16 =	smov.u32 s22;
	s9 =	simm.s32 $0x1;
	s13 =	sadd.s32 s0, s13  }
0x31: {  	s17 =	sadd.s32 s0, s17;
	s25 =	smul.u32 @p3 $0xC800, s25;
	s22 =	sadd.s32 $0xFFFFFFFF, s22  }
0x32: {  	s26 =	sadd.s32 @p2 $0x3, s26;
	s6 =	simm.s32 @p2 $0x0;
	s19 =	sadd.s32 s23, s19  }
0x33: {  	s23 =	sand.u32 @p4 $0xFFFFF000, s31;
	s1 =	sand.u32 @p4 $0x380, s1;
	s9 =	simm.s32 @!p4 $0x0  }
0x34: {  	_ =	strace @p2 $0x8000004C;
	s5 =	sshll.u32 s17, $0x9;
	p5 =	sne.s32 s22, $0x0  }
0x35: {  	s1 =	sor.u32 @p4 s1, s23;
	s23 =	simm.s32 @p4 $0x80;
	s0 =	rddreg [dreg:$0x6]  }
0x36: {  	p6 =	sne.s32 s16, $0x1;
	s18 =	sadd.s32 s9, s18;
	s0 =	sadd.s32 @p2 s0, s20  }
0x37: {  	[hbm4b:s0+s6] =	stream.linear.scatter @p2 [tilespmem:s28], [sflag:s26], $0xC800, $0x200038;
	[tilespmem:$0x19400] =	vst v63  }
0x38: {  	s9 =	sand.u32 $0x1, s17;
	s20 =	sshrl.u32 @p3 s25, $0x3;
	_ =	strace @p2 $0x9000004C  }
0x39: {  	s25 =	smov.u32 s24;
	s0 =	sadd.s32 @!p1 $0x3, s21;
	_ =	strace @!p1 $0x8000004D  }
0x3a: {  	s24 =	sadd.s32 $0x1, s24;
	s21 =	sand.u32 @!p0 $0x1, s19;
	_ =	swait.ge @!p1 [sflag:s0], $0xC800  }
0x3b: {  	s26 =	sand.u32 $0x1, s29;
	p2 =	por p3, p3;
	[sflag:s0] =	ssyncset.done @!p1 $0x0  }
0x3c: {  	p3 =	sne.s32 s30, $0x19;
	[sflag:s0] =	ssyncadd.s32 @!p1 $0xFFFF3800;
	s0 =	sshrl.u32 @p4 s1, $0x3  }
0x3d: {  	s1 =	simm.s32 @p4 $0x400;
	_ =	strace @!p1 $0x9000004D;
	s0 =	sadd.s32 @p4 s2, s0  }
0x3e: {  	p1 =	por p0, p0;
	p0 =	seq.s32 s16, $0x19;
	_ =	strace @p4 $0x80000049  }
0x3f: {  	[tilespmem:s7], [sflag:s8] =	stream.strided.gather @p4 [hbm4b:s0+s23], $0x200, s1, s23, $0x200038;
	[tilespmem:$0x19400] =	vst v63  }
0x40: {  	s1 =	sadd.s32 $0x1, s15;
	s15 =	smov.u32 s9;
	_ =	strace @p4 $0x90000049  }
0x41: {  	s7 =	sand.u32 $0x200, s14;
	s14 =	smov.u32 s5;
	_ =	strace $0x8000004A  }
0x42: {  	s23 =	simm.s32 $0x1;
	s8 =	smul.u32 $0x32000, s26;
	_ =	swait.ge [sflag:s1], $0x200  }
0x43: {  	s23 =	simm.s32 @!p3 $0x0;
	p3 =	seq.s32 s24, $0x19;
	[sflag:s1] =	ssyncset.done $0x0  }
0x44: {  	p4 =	seq.s32 s16, $0x1;
	s24 =	simm.s32 @p3 $0x0;
	[sflag:s1] =	ssyncadd.s32 $0xFFFFFE00  }
0x45: {  	s0 =	sshrl.u32 s8, $0x2;
	p3 =	sne.s32 s25, s24;
	_ =	strace $0x9000004A  }
0x46: {  	s28 =	sor.u32 $0x400, s0;
	s25 =	sadd.s32 s4, s25;
	_ =	strace $0x8000004B  }
0x47: {  	s0 =	simm.s32 $0x1;
	p6 =	por !p6, !p3;
	s9 =	rddreg [dreg:$0x4]  }
.Ltmp0:
0x48: {  	p3 =	por p4, p3;
	s30 =	rddreg [dreg:$0x5];
	(pc) =	sbr.rel @p5 .LBB2_2-.Ltmp0, $4  }
0x49: {  	[tilespmem:s28], [sflag:$0x5] =	stream.indirect.gather [hbm4b:s9+s30], $0x80, s7, s30, $0x2000b8;
	[tilespmem:$0x19400] =	vst v63  }
0x4a: {  	p4 =	por !p6, !p6;
	s0 =	simm.s32 @!p3 $0x0;
	_ =	swait.ge [sflag:s10], $0xC800  }
0x4b: {  	s1 =	sadd.s32 @p4 s4, s24;
	s29 =	sand.u32 @p4 $0x1, s18;
	[sflag:s10] =	ssyncset.done $0x0  }
0x4c: {  	s31 =	sshll.u32 @p4 s1, $0x9;
	s1 =	sshll.u32 @p4 s1, $0x7;
	[sflag:s10] =	ssyncadd.s32 $0xFFFF3800  }
0x4d: {  	_ =	strace $0x9000004B  }
0x4e: {  	_ =	strace @p2 $0x8000004C  }
0x4f: {  	s0 =	rddreg [dreg:$0x6]  }
0x50: {  	s5 =	sadd.s32 @p2 $0x3, s26;
	s6 =	simm.s32 @p2 $0x0;
	s0 =	sadd.s32 @p2 s0, s20  }
0x51: {  	[hbm4b:s0+s6] =	stream.linear.scatter @p2 [tilespmem:s28], [sflag:s5], $0xC800, $0x200038;
	[tilespmem:$0x19400] =	vst v63  }
0x52: {  	_ =	strace @p2 $0x9000004C  }
0x53: {  	s0 =	sadd.s32 @!p1 $0x3, s21;
	_ =	strace @!p1 $0x8000004D  }
0x54: {  	s1 =	sand.u32 @p4 $0x380, s1;
	_ =	swait.ge @!p1 [sflag:s0], $0xC800  }
0x55: {  	s7 =	sadd.s32 @p4 $0x1, s29;
	s6 =	sand.u32 @p4 $0xFFFFF000, s31;
	[sflag:s0] =	ssyncset.done @!p1 $0x0  }
0x56: {  	s5 =	sshll.u32 @p4 s29, $0x9;
	s1 =	sor.u32 @p4 s1, s6;
	[sflag:s0] =	ssyncadd.s32 @!p1 $0xFFFF3800  }
0x57: {  	s6 =	simm.s32 @p4 $0x80;
	s0 =	sshrl.u32 @p4 s1, $0x3;
	_ =	strace @!p1 $0x9000004D  }
0x58: {  	s1 =	simm.s32 @p4 $0x400;
	s0 =	sadd.s32 @p4 s2, s0;
	_ =	strace @p4 $0x80000049  }
0x59: {  	[tilespmem:s5], [sflag:s7] =	stream.strided.gather @p4 [hbm4b:s0+s6], $0x200, s1, s6, $0x200038;
	[tilespmem:$0x19400] =	vst v63  }
0x5a: {  	_ =	strace @p4 $0x90000049  }
0x5b: {  	s24 =	sadd.s32 $0x1, s15;
	_ =	strace $0x8000004A  }
0x5c: {  	_ =	swait.ge [sflag:s24], $0x200  }
0x5d: {  	[sflag:s24] =	ssyncset.done $0x0  }
0x5e: {  	s0 =	sand.u32 $0x1, s13;
	[sflag:s24] =	ssyncadd.s32 $0xFFFFFE00  }
0x5f: {  	s26 =	smul.u32 $0x32000, s0;
	_ =	strace $0x9000004A  }
0x60: {  	_ =	strace $0x8000004B  }
0x61: {  	s1 =	sshrl.u32 s26, $0x2;
	s28 =	rddreg [dreg:$0x4]  }
0x62: {  	s30 =	sand.u32 $0x200, s14;
	s1 =	sor.u32 $0x400, s1;
	s29 =	rddreg [dreg:$0x5]  }
0x63: {  	[tilespmem:s1], [sflag:$0x5] =	stream.indirect.gather [hbm4b:s28+s29], $0x80, s30, s29, $0x2000b8;
	[tilespmem:$0x19400] =	vst v63  }
0x64: {  	_ =	swait.ge [sflag:s10], $0xC800  }
0x65: {  	[sflag:s10] =	ssyncset.done $0x0  }
0x66: {  	[sflag:s10] =	ssyncadd.s32 $0xFFFF3800  }
0x67: {  	p1 =	por p3, p3;
	s5 =	smul.u32 @p3 $0xC800, s25;
	_ =	strace $0x9000004B  }
0x68: {  	_ =	strace @p1 $0x8000004C  }
0x69: {  	s8 =	simm.s32 @p1 $0x0;
	s5 =	sshrl.u32 @p3 s5, $0x3;
	s6 =	rddreg [dreg:$0x6]  }
0x6a: {  	s7 =	sadd.s32 s23, s19;
	s0 =	sadd.s32 @p1 $0x3, s0;
	s5 =	sadd.s32 @p1 s6, s5  }
0x6b: {  	[hbm4b:s5+s8] =	stream.linear.scatter @p1 [tilespmem:s1], [sflag:s0], $0xC800, $0x200038;
	[tilespmem:$0x19400] =	vst v63  }
0x6c: {  	s0 =	sand.u32 @!p0 $0x1, s7;
	p0 =	por p0, p0;
	_ =	strace @p1 $0x9000004C  }
0x6d: {  	s0 =	sadd.s32 @!p0 $0x3, s0;
	_ =	strace @!p0 $0x8000004D  }
0x6e: {  	_ =	swait.ge @!p0 [sflag:s0], $0xC800  }
0x6f: {  	[sflag:s0] =	ssyncset.done @!p0 $0x0  }
0x70: {  	[sflag:s0] =	ssyncadd.s32 @!p0 $0xFFFF3800  }
0x71: {  	_ =	strace @!p0 $0x9000004D  }
0x72: {  	_ =	strace $0x8000004E  }
0x73: {  	_ =	swait.ge [sflag:s11], $0xC800  }
0x74: {  	s12 =	sadd.s32 $0x1, s12;
	s31 =	rddreg [dreg:$0x8]  }
0x75: {  	p0 =	sne.s32 s12, s31  }
.Ltmp1:
0x76: {  	_ = 	snop;
	(pc) =	sbr.rel @p0 .LBB2_1-.Ltmp1, $4  }
0x77: {  	_ = 	snop  }
0x78: {  	[sflag:s11] =	ssyncset.done $0x0  }
0x79: {  	[sflag:s11] =	ssyncadd.s32 $0xFFFF3800  }
0x7a: {  	_ =	strace $0x9000004E  }
0x7b: {  	_ =	sfence.sel $0x180000  }
0x7c: {  	[bflag:$0x0] =	sbarrier.arrive $0xFFFF  }
0x7d: {  	_ =	strace $0x90000047  }
0x7e: {  	s0 =	stileid.u32;
	[bflag:$0x2] =	sbarrier.arrive $0xFFFF  }
0x7f: {  	p0 =	sne.s32 s0, $0x0;
	s0 =	rddreg [dreg:$0x3]  }
0x80: {  	s0 =	sadd.s32 @!p0 $0x100000, s0  }
0x81: {  	[sflag:s0] =	ssyncadd.tile.s32 @!p0 $0x1;
	_ =	shalt  }
.Lfunc_end2:
_tile_overlayer_lowered:
.L_overlay_start_2:
0x82: {  	(tag) =	ssettag $0x2  }
0x83: {  	s0 =	rddreg [dreg:$0x0];
	s2 =	stileid.u32  }
0x84: {  	s1 =	rddreg [dreg:$0x1];
	p0 =	sne.s32 s2, $0x0  }
0x85: {  	s3 =	rddreg [dreg:$0x2];
	[bflag:$0x3] =	sbarrier.arrive $0xFFFF;
	s2 =	simm.s32 @!p0 $0x1C01  }
0x86: {  	[timem:s3], [sflag:s2] =	dma.local @!p0 [hbm:s0], s1  }
0x87: {  	s0 =	simm.s32 @!p0 $0x1  }
0x88: {  	_ =	swait.ge @!p0 [sflag:s0], s1  }
0x89: {  	s1 =	ssub.s32 @!p0 $0x0, s1;
	[sflag:s0] =	ssyncset.done @!p0 $0x0  }
0x8a: {  	[sflag:s0] =	ssyncadd.s32 @!p0 s1  }
0x8b: {  	[bflag:$0x3] =	sbarrier.arrive $0xFFFF  }
0x8c: {  	_ =	shalt  }

</sc_bundles>
